<compile_context>
chip_gen: v7x
topology: tpu7x:2x2x1
jax: 0.10.2.dev20260603
libtpu: 0.0.44.dev20260713+nightly
codegen_flags: <defaults>
</compile_context>

<pallas_src>
import functools
import math

import jax
import jax.numpy as jnp
from jax import lax
from jax.experimental import pallas as pl
from jax.experimental.pallas import tpu as pltpu
from jax.experimental.pallas import tpu_sc as plsc

DIM = 128
LANES = 16
NUM_CORES = 2
NUM_SUBCORES = 16
NW = NUM_CORES * NUM_SUBCORES

SPLIT = (128, 72)
NBUF = 4
GDEPTH = 3


@functools.lru_cache(maxsize=None)
def _build(n_rows, row_len):
    assert n_rows % NW == 0
    n_slots = n_rows // NW
    assert n_slots % NBUF == 0 and n_slots >= NBUF
    assert sum(SPLIT) == row_len
    scale = math.sqrt(DIM)

    mesh = plsc.VectorSubcoreMesh(
        core_axis_name="c", subcore_axis_name="s",
        num_cores=NUM_CORES, num_subcores=NUM_SUBCORES)

    def body(idx_hbm, table_hbm, out_hbm, *rest):
        idxb = rest[:NBUF]
        rows = rest[NBUF:2 * NBUF]
        isem = rest[2 * NBUF:3 * NBUF]
        gsem = rest[3 * NBUF:4 * NBUF]
        osem = rest[4 * NBUF:5 * NBUF]
        wid = lax.axis_index("s") * NUM_CORES + lax.axis_index("c")
        row0 = wid * n_slots

        def stage_idx(buf, u):
            pltpu.async_copy(idx_hbm.at[row0 + u], idxb[buf], isem[buf])

        def wait_idx(buf, u):
            pltpu.make_async_copy(
                idx_hbm.at[row0 + u], idxb[buf], isem[buf]).wait()

        def gather(buf, u, fire):
            mk = pltpu.async_copy if fire else pltpu.make_async_copy
            off = 0
            cps = []
            for part in SPLIT:
                cps.append(mk(
                    table_hbm.at[idxb[buf].at[pl.ds(off, part)]],
                    rows[buf].at[pl.ds(off, part)], gsem[buf]))
                off += part
            return cps

        def wait_gather(buf, u):
            for cp in gather(buf, u, fire=False):
                cp.wait()

        def fire_out(buf, u):
            pltpu.async_copy(rows[buf], out_hbm.at[row0 + u], osem[buf])

        def wait_out(buf, u):
            pltpu.make_async_copy(
                rows[buf], out_hbm.at[row0 + u], osem[buf]).wait()

        for b in range(NBUF):
            stage_idx(b, b)
        for b in range(GDEPTH):
            wait_idx(b, b)
            gather(b, b, fire=True)

        @pl.loop(0, n_slots, step=NBUF)
        def slot_group(u0):
            for b in range(NBUF):
                u = u0 + b
                wait_gather(b, u)
                un = u + NBUF

                @pl.when(un < n_slots)
                def restage():
                    stage_idx(b, un)

                r = rows[b]

                @pl.loop(0, row_len, unroll=4)
                def scale_row(i):
                    for j in range(DIM // LANES):
                        sl = pl.ds(j * LANES, LANES)
                        r[i, sl] = r[i, sl] * scale

                fire_out(b, u)
                br = (b + GDEPTH) % NBUF
                ug = u + GDEPTH

                @pl.when(ug < n_slots)
                def refill():
                    @pl.when(ug >= NBUF)
                    def drain_prev():
                        wait_out(br, ug - NBUF)

                    wait_idx(br, ug)
                    gather(br, ug, fire=True)

        for b in range(NBUF):
            u = n_slots - NBUF + b
            wait_out(u % NBUF, u)

    return pl.kernel(
        body,
        out_type=jax.ShapeDtypeStruct((n_rows, row_len, DIM), jnp.float32),
        mesh=mesh,
        scratch_types=[
            *[pltpu.VMEM((row_len,), jnp.int32) for _ in range(NBUF)],
            *[pltpu.VMEM((row_len, DIM), jnp.float32) for _ in range(NBUF)],
            *[pltpu.SemaphoreType.DMA for _ in range(NBUF)],
            *[pltpu.SemaphoreType.DMA for _ in range(NBUF)],
            *[pltpu.SemaphoreType.DMA for _ in range(NBUF)],
        ],
    )


def kernel(x, table):
    n_rows, row_len = x.shape
    return _build(n_rows, row_len)(x, table)

# --- scband reference (transcript-rebuilt; emitter-appended) ---
"""Pipeline reference for scband-input-embeddings-197568495834 (READ-ONLY COPY).

The authoritative reference and input builder live on the scoring server;
editing this copy changes nothing except your own understanding.
"""

import jax, jax.numpy as jnp
import numpy as np
import math

DIM_MODEL = 128
VOCAB = 1000000

def setup_inputs(seed: int = 0) -> dict:
    key = jax.random.key(seed)
    k1, k2 = jax.random.split(key)
    x = jax.random.randint(k1, (1024, 200), 0, VOCAB, dtype=jnp.int64 if jax.config.jax_enable_x64 else jnp.int32)
    # nn.Embedding default init: N(0, 1)
    table = jax.random.normal(k2, (VOCAB, DIM_MODEL), dtype=jnp.float32)
    return {"x": x, "table": table}

def reference(x, table):
    # embedding lookup then scale by sqrt(dimension_model)
    emb = jnp.take(table, x, axis=0)
    return emb * math.sqrt(DIM_MODEL)

if __name__ == "__main__":
    import jax
    _d = setup_inputs()
    print(jax.jit(kernel)(*tuple(_d.values())))

</pallas_src>

<mosaic_0001>
#map = affine_map<(d0, d1) -> (0, 0)>
#map1 = affine_map<(d0, d1) -> (0, 0, 0)>
module attributes {stable_mosaic.version = 14 : i64} {
  func.func @body(%arg0: i32, %arg1: i32, %arg2: memref<1024x200xi32, #tpu.memory_space<hbm>>, %arg3: memref<1000000x128xf32, #tpu.memory_space<hbm>>, %arg4: memref<1024x200x128xf32, #tpu.memory_space<hbm>>, %arg5: memref<200xi32, #tpu.memory_space<vmem>>, %arg6: memref<200xi32, #tpu.memory_space<vmem>>, %arg7: memref<200xi32, #tpu.memory_space<vmem>>, %arg8: memref<200xi32, #tpu.memory_space<vmem>>, %arg9: memref<200x128xf32, #tpu.memory_space<vmem>>, %arg10: memref<200x128xf32, #tpu.memory_space<vmem>>, %arg11: memref<200x128xf32, #tpu.memory_space<vmem>>, %arg12: memref<200x128xf32, #tpu.memory_space<vmem>>, %arg13: memref<!tpu.dma_semaphore, #tpu.memory_space<semaphore_mem>>, %arg14: memref<!tpu.dma_semaphore, #tpu.memory_space<semaphore_mem>>, %arg15: memref<!tpu.dma_semaphore, #tpu.memory_space<semaphore_mem>>, %arg16: memref<!tpu.dma_semaphore, #tpu.memory_space<semaphore_mem>>, %arg17: memref<!tpu.dma_semaphore, #tpu.memory_space<semaphore_mem>>, %arg18: memref<!tpu.dma_semaphore, #tpu.memory_space<semaphore_mem>>, %arg19: memref<!tpu.dma_semaphore, #tpu.memory_space<semaphore_mem>>, %arg20: memref<!tpu.dma_semaphore, #tpu.memory_space<semaphore_mem>>, %arg21: memref<!tpu.dma_semaphore, #tpu.memory_space<semaphore_mem>>, %arg22: memref<!tpu.dma_semaphore, #tpu.memory_space<semaphore_mem>>, %arg23: memref<!tpu.dma_semaphore, #tpu.memory_space<semaphore_mem>>, %arg24: memref<!tpu.dma_semaphore, #tpu.memory_space<semaphore_mem>>) attributes {dimension_semantics = [#tpu.dimension_semantics<core_parallel>, #tpu.dimension_semantics<subcore_parallel>], iteration_bounds = array<i64: 2, 16>, scalar_prefetch = 0 : i64, scratch_operands = 20 : i64, tpu.core_type = #tpu.core_type<sc_vector_subcore>, window_params = [{transform_indices = #map}, {transform_indices = #map}, {transform_indices = #map1}]} {
    %mul3A = arith.constant 2 : i32
    %mul3A_0 = arith.muli %arg1, %mul3A : i32
    %add3A = arith.addi %mul3A_0, %arg0 : i32
    %mul3A_1 = arith.constant 32 : i32
    %mul3A_2 = arith.muli %add3A, %mul3A_1 : i32
    %add3A_3 = arith.constant 0 : i32
    %add3A_4 = arith.addi %mul3A_2, %add3A_3 : i32
    %dma_start3A = arith.constant 0 : i32
    %dma_start3A_5 = tpu.memref_slice %arg2[%add3A_4, %dma_start3A] : memref<1024x200xi32, #tpu.memory_space<hbm>> -> memref<1x200xi32, #tpu.memory_space<hbm>>
    %dma_start3A_6 = tpu.memref_squeeze %dma_start3A_5 : memref<1x200xi32, #tpu.memory_space<hbm>> -> memref<200xi32, #tpu.memory_space<hbm>>
    %dma_start3A_7 = arith.constant 0 : i32
    %dma_start3A_8 = tpu.memref_slice %arg2[%add3A_4, %dma_start3A_7] : memref<1024x200xi32, #tpu.memory_space<hbm>> -> memref<1x200xi32, #tpu.memory_space<hbm>>
    %dma_start3A_9 = tpu.memref_squeeze %dma_start3A_8 : memref<1x200xi32, #tpu.memory_space<hbm>> -> memref<200xi32, #tpu.memory_space<hbm>>
    tpu.enqueue_dma source(%dma_start3A_9 : memref<200xi32, #tpu.memory_space<hbm>>) target(%arg5 : memref<200xi32, #tpu.memory_space<vmem>>) target_semaphore(%arg13 : memref<!tpu.dma_semaphore, #tpu.memory_space<semaphore_mem>>)
    %add3A_10 = arith.constant 1 : i32
    %add3A_11 = arith.addi %mul3A_2, %add3A_10 : i32
    %dma_start3A_12 = arith.constant 0 : i32
    %dma_start3A_13 = tpu.memref_slice %arg2[%add3A_11, %dma_start3A_12] : memref<1024x200xi32, #tpu.memory_space<hbm>> -> memref<1x200xi32, #tpu.memory_space<hbm>>
    %dma_start3A_14 = tpu.memref_squeeze %dma_start3A_13 : memref<1x200xi32, #tpu.memory_space<hbm>> -> memref<200xi32, #tpu.memory_space<hbm>>
    %dma_start3A_15 = arith.constant 0 : i32
    %dma_start3A_16 = tpu.memref_slice %arg2[%add3A_11, %dma_start3A_15] : memref<1024x200xi32, #tpu.memory_space<hbm>> -> memref<1x200xi32, #tpu.memory_space<hbm>>
    %dma_start3A_17 = tpu.memref_squeeze %dma_start3A_16 : memref<1x200xi32, #tpu.memory_space<hbm>> -> memref<200xi32, #tpu.memory_space<hbm>>
    tpu.enqueue_dma source(%dma_start3A_17 : memref<200xi32, #tpu.memory_space<hbm>>) target(%arg6 : memref<200xi32, #tpu.memory_space<vmem>>) target_semaphore(%arg14 : memref<!tpu.dma_semaphore, #tpu.memory_space<semaphore_mem>>)
    %add3A_18 = arith.constant 2 : i32
    %add3A_19 = arith.addi %mul3A_2, %add3A_18 : i32
    %dma_start3A_20 = arith.constant 0 : i32
    %dma_start3A_21 = tpu.memref_slice %arg2[%add3A_19, %dma_start3A_20] : memref<1024x200xi32, #tpu.memory_space<hbm>> -> memref<1x200xi32, #tpu.memory_space<hbm>>
    %dma_start3A_22 = tpu.memref_squeeze %dma_start3A_21 : memref<1x200xi32, #tpu.memory_space<hbm>> -> memref<200xi32, #tpu.memory_space<hbm>>
    %dma_start3A_23 = arith.constant 0 : i32
    %dma_start3A_24 = tpu.memref_slice %arg2[%add3A_19, %dma_start3A_23] : memref<1024x200xi32, #tpu.memory_space<hbm>> -> memref<1x200xi32, #tpu.memory_space<hbm>>
    %dma_start3A_25 = tpu.memref_squeeze %dma_start3A_24 : memref<1x200xi32, #tpu.memory_space<hbm>> -> memref<200xi32, #tpu.memory_space<hbm>>
    tpu.enqueue_dma source(%dma_start3A_25 : memref<200xi32, #tpu.memory_space<hbm>>) target(%arg7 : memref<200xi32, #tpu.memory_space<vmem>>) target_semaphore(%arg15 : memref<!tpu.dma_semaphore, #tpu.memory_space<semaphore_mem>>)
    %add3A_26 = arith.constant 3 : i32
    %add3A_27 = arith.addi %mul3A_2, %add3A_26 : i32
    %dma_start3A_28 = arith.constant 0 : i32
    %dma_start3A_29 = tpu.memref_slice %arg2[%add3A_27, %dma_start3A_28] : memref<1024x200xi32, #tpu.memory_space<hbm>> -> memref<1x200xi32, #tpu.memory_space<hbm>>
    %dma_start3A_30 = tpu.memref_squeeze %dma_start3A_29 : memref<1x200xi32, #tpu.memory_space<hbm>> -> memref<200xi32, #tpu.memory_space<hbm>>
    %dma_start3A_31 = arith.constant 0 : i32
    %dma_start3A_32 = tpu.memref_slice %arg2[%add3A_27, %dma_start3A_31] : memref<1024x200xi32, #tpu.memory_space<hbm>> -> memref<1x200xi32, #tpu.memory_space<hbm>>
    %dma_start3A_33 = tpu.memref_squeeze %dma_start3A_32 : memref<1x200xi32, #tpu.memory_space<hbm>> -> memref<200xi32, #tpu.memory_space<hbm>>
    tpu.enqueue_dma source(%dma_start3A_33 : memref<200xi32, #tpu.memory_space<hbm>>) target(%arg8 : memref<200xi32, #tpu.memory_space<vmem>>) target_semaphore(%arg16 : memref<!tpu.dma_semaphore, #tpu.memory_space<semaphore_mem>>)
    %add3A_34 = arith.constant 0 : i32
    %add3A_35 = arith.addi %mul3A_2, %add3A_34 : i32
    %dma_wait3A = arith.constant 0 : i32
    %dma_wait3A_36 = tpu.memref_slice %arg2[%add3A_35, %dma_wait3A] : memref<1024x200xi32, #tpu.memory_space<hbm>> -> memref<1x200xi32, #tpu.memory_space<hbm>>
    %dma_wait3A_37 = tpu.memref_squeeze %dma_wait3A_36 : memref<1x200xi32, #tpu.memory_space<hbm>> -> memref<200xi32, #tpu.memory_space<hbm>>
    %dma_wait3A_38 = arith.constant 0 : i32
    %dma_wait3A_39 = tpu.memref_slice %arg2[%add3A_35, %dma_wait3A_38] : memref<1024x200xi32, #tpu.memory_space<hbm>> -> memref<1x200xi32, #tpu.memory_space<hbm>>
    %dma_wait3A_40 = tpu.memref_squeeze %dma_wait3A_39 : memref<1x200xi32, #tpu.memory_space<hbm>> -> memref<200xi32, #tpu.memory_space<hbm>>
    tpu.wait_dma2 semaphore(%arg13 : memref<!tpu.dma_semaphore, #tpu.memory_space<semaphore_mem>>) src(%dma_wait3A_40 : memref<200xi32, #tpu.memory_space<hbm>>) dst(%arg5 : memref<200xi32, #tpu.memory_space<vmem>>)
    %dma_start3A_41 = arith.constant 0 : i32
    %dma_start3A_42 = arith.constant 0 : i32
    %dma_start3A_43 = tpu.memref_slice %arg9[%dma_start3A_41, %dma_start3A_42] : memref<200x128xf32, #tpu.memory_space<vmem>> -> memref<128x128xf32, #tpu.memory_space<vmem>>
    %dma_start3A_44 = arith.constant 0 : i32
    %dma_start3A_45 = tpu.memref_slice %arg5[%dma_start3A_44] : memref<200xi32, #tpu.memory_space<vmem>> -> memref<128xi32, #tpu.memory_space<vmem>>
    %dma_start3A_46 = arith.constant 0 : i32
    %dma_start3A_47 = arith.constant 0 : i32
    %dma_start3A_48 = tpu.memref_slice %arg3[%dma_start3A_46, %dma_start3A_47] : memref<1000000x128xf32, #tpu.memory_space<hbm>> -> memref<1000000x128xf32, #tpu.memory_space<hbm>>
    tpu.enqueue_indirect_dma source(%dma_start3A_48 : memref<1000000x128xf32, #tpu.memory_space<hbm>>) target(%dma_start3A_43 : memref<128x128xf32, #tpu.memory_space<vmem>>) offsets(%dma_start3A_45 : memref<128xi32, #tpu.memory_space<vmem>>) semaphore(%arg17 : memref<!tpu.dma_semaphore, #tpu.memory_space<semaphore_mem>>)
    %dma_start3A_49 = arith.constant 128 : i32
    %dma_start3A_50 = arith.constant 0 : i32
    %dma_start3A_51 = tpu.memref_slice %arg9[%dma_start3A_49, %dma_start3A_50] : memref<200x128xf32, #tpu.memory_space<vmem>> -> memref<72x128xf32, #tpu.memory_space<vmem>>
    %dma_start3A_52 = arith.constant 128 : i32
    %dma_start3A_53 = tpu.memref_slice %arg5[%dma_start3A_52] : memref<200xi32, #tpu.memory_space<vmem>> -> memref<72xi32, #tpu.memory_space<vmem>>
    %dma_start3A_54 = arith.constant 0 : i32
    %dma_start3A_55 = arith.constant 0 : i32
    %dma_start3A_56 = tpu.memref_slice %arg3[%dma_start3A_54, %dma_start3A_55] : memref<1000000x128xf32, #tpu.memory_space<hbm>> -> memref<1000000x128xf32, #tpu.memory_space<hbm>>
    tpu.enqueue_indirect_dma source(%dma_start3A_56 : memref<1000000x128xf32, #tpu.memory_space<hbm>>) target(%dma_start3A_51 : memref<72x128xf32, #tpu.memory_space<vmem>>) offsets(%dma_start3A_53 : memref<72xi32, #tpu.memory_space<vmem>>) semaphore(%arg17 : memref<!tpu.dma_semaphore, #tpu.memory_space<semaphore_mem>>)
    %add3A_57 = arith.constant 1 : i32
    %add3A_58 = arith.addi %mul3A_2, %add3A_57 : i32
    %dma_wait3A_59 = arith.constant 0 : i32
    %dma_wait3A_60 = tpu.memref_slice %arg2[%add3A_58, %dma_wait3A_59] : memref<1024x200xi32, #tpu.memory_space<hbm>> -> memref<1x200xi32, #tpu.memory_space<hbm>>
    %dma_wait3A_61 = tpu.memref_squeeze %dma_wait3A_60 : memref<1x200xi32, #tpu.memory_space<hbm>> -> memref<200xi32, #tpu.memory_space<hbm>>
    %dma_wait3A_62 = arith.constant 0 : i32
    %dma_wait3A_63 = tpu.memref_slice %arg2[%add3A_58, %dma_wait3A_62] : memref<1024x200xi32, #tpu.memory_space<hbm>> -> memref<1x200xi32, #tpu.memory_space<hbm>>
    %dma_wait3A_64 = tpu.memref_squeeze %dma_wait3A_63 : memref<1x200xi32, #tpu.memory_space<hbm>> -> memref<200xi32, #tpu.memory_space<hbm>>
    tpu.wait_dma2 semaphore(%arg14 : memref<!tpu.dma_semaphore, #tpu.memory_space<semaphore_mem>>) src(%dma_wait3A_64 : memref<200xi32, #tpu.memory_space<hbm>>) dst(%arg6 : memref<200xi32, #tpu.memory_space<vmem>>)
    %dma_start3A_65 = arith.constant 0 : i32
    %dma_start3A_66 = arith.constant 0 : i32
    %dma_start3A_67 = tpu.memref_slice %arg10[%dma_start3A_65, %dma_start3A_66] : memref<200x128xf32, #tpu.memory_space<vmem>> -> memref<128x128xf32, #tpu.memory_space<vmem>>
    %dma_start3A_68 = arith.constant 0 : i32
    %dma_start3A_69 = tpu.memref_slice %arg6[%dma_start3A_68] : memref<200xi32, #tpu.memory_space<vmem>> -> memref<128xi32, #tpu.memory_space<vmem>>
    %dma_start3A_70 = arith.constant 0 : i32
    %dma_start3A_71 = arith.constant 0 : i32
    %dma_start3A_72 = tpu.memref_slice %arg3[%dma_start3A_70, %dma_start3A_71] : memref<1000000x128xf32, #tpu.memory_space<hbm>> -> memref<1000000x128xf32, #tpu.memory_space<hbm>>
    tpu.enqueue_indirect_dma source(%dma_start3A_72 : memref<1000000x128xf32, #tpu.memory_space<hbm>>) target(%dma_start3A_67 : memref<128x128xf32, #tpu.memory_space<vmem>>) offsets(%dma_start3A_69 : memref<128xi32, #tpu.memory_space<vmem>>) semaphore(%arg18 : memref<!tpu.dma_semaphore, #tpu.memory_space<semaphore_mem>>)
    %dma_start3A_73 = arith.constant 128 : i32
    %dma_start3A_74 = arith.constant 0 : i32
    %dma_start3A_75 = tpu.memref_slice %arg10[%dma_start3A_73, %dma_start3A_74] : memref<200x128xf32, #tpu.memory_space<vmem>> -> memref<72x128xf32, #tpu.memory_space<vmem>>
    %dma_start3A_76 = arith.constant 128 : i32
    %dma_start3A_77 = tpu.memref_slice %arg6[%dma_start3A_76] : memref<200xi32, #tpu.memory_space<vmem>> -> memref<72xi32, #tpu.memory_space<vmem>>
    %dma_start3A_78 = arith.constant 0 : i32
    %dma_start3A_79 = arith.constant 0 : i32
    %dma_start3A_80 = tpu.memref_slice %arg3[%dma_start3A_78, %dma_start3A_79] : memref<1000000x128xf32, #tpu.memory_space<hbm>> -> memref<1000000x128xf32, #tpu.memory_space<hbm>>
    tpu.enqueue_indirect_dma source(%dma_start3A_80 : memref<1000000x128xf32, #tpu.memory_space<hbm>>) target(%dma_start3A_75 : memref<72x128xf32, #tpu.memory_space<vmem>>) offsets(%dma_start3A_77 : memref<72xi32, #tpu.memory_space<vmem>>) semaphore(%arg18 : memref<!tpu.dma_semaphore, #tpu.memory_space<semaphore_mem>>)
    %add3A_81 = arith.constant 2 : i32
    %add3A_82 = arith.addi %mul3A_2, %add3A_81 : i32
    %dma_wait3A_83 = arith.constant 0 : i32
    %dma_wait3A_84 = tpu.memref_slice %arg2[%add3A_82, %dma_wait3A_83] : memref<1024x200xi32, #tpu.memory_space<hbm>> -> memref<1x200xi32, #tpu.memory_space<hbm>>
    %dma_wait3A_85 = tpu.memref_squeeze %dma_wait3A_84 : memref<1x200xi32, #tpu.memory_space<hbm>> -> memref<200xi32, #tpu.memory_space<hbm>>
    %dma_wait3A_86 = arith.constant 0 : i32
    %dma_wait3A_87 = tpu.memref_slice %arg2[%add3A_82, %dma_wait3A_86] : memref<1024x200xi32, #tpu.memory_space<hbm>> -> memref<1x200xi32, #tpu.memory_space<hbm>>
    %dma_wait3A_88 = tpu.memref_squeeze %dma_wait3A_87 : memref<1x200xi32, #tpu.memory_space<hbm>> -> memref<200xi32, #tpu.memory_space<hbm>>
    tpu.wait_dma2 semaphore(%arg15 : memref<!tpu.dma_semaphore, #tpu.memory_space<semaphore_mem>>) src(%dma_wait3A_88 : memref<200xi32, #tpu.memory_space<hbm>>) dst(%arg7 : memref<200xi32, #tpu.memory_space<vmem>>)
    %dma_start3A_89 = arith.constant 0 : i32
    %dma_start3A_90 = arith.constant 0 : i32
    %dma_start3A_91 = tpu.memref_slice %arg11[%dma_start3A_89, %dma_start3A_90] : memref<200x128xf32, #tpu.memory_space<vmem>> -> memref<128x128xf32, #tpu.memory_space<vmem>>
    %dma_start3A_92 = arith.constant 0 : i32
    %dma_start3A_93 = tpu.memref_slice %arg7[%dma_start3A_92] : memref<200xi32, #tpu.memory_space<vmem>> -> memref<128xi32, #tpu.memory_space<vmem>>
    %dma_start3A_94 = arith.constant 0 : i32
    %dma_start3A_95 = arith.constant 0 : i32
    %dma_start3A_96 = tpu.memref_slice %arg3[%dma_start3A_94, %dma_start3A_95] : memref<1000000x128xf32, #tpu.memory_space<hbm>> -> memref<1000000x128xf32, #tpu.memory_space<hbm>>
    tpu.enqueue_indirect_dma source(%dma_start3A_96 : memref<1000000x128xf32, #tpu.memory_space<hbm>>) target(%dma_start3A_91 : memref<128x128xf32, #tpu.memory_space<vmem>>) offsets(%dma_start3A_93 : memref<128xi32, #tpu.memory_space<vmem>>) semaphore(%arg19 : memref<!tpu.dma_semaphore, #tpu.memory_space<semaphore_mem>>)
    %dma_start3A_97 = arith.constant 128 : i32
    %dma_start3A_98 = arith.constant 0 : i32
    %dma_start3A_99 = tpu.memref_slice %arg11[%dma_start3A_97, %dma_start3A_98] : memref<200x128xf32, #tpu.memory_space<vmem>> -> memref<72x128xf32, #tpu.memory_space<vmem>>
    %dma_start3A_100 = arith.constant 128 : i32
    %dma_start3A_101 = tpu.memref_slice %arg7[%dma_start3A_100] : memref<200xi32, #tpu.memory_space<vmem>> -> memref<72xi32, #tpu.memory_space<vmem>>
    %dma_start3A_102 = arith.constant 0 : i32
    %dma_start3A_103 = arith.constant 0 : i32
    %dma_start3A_104 = tpu.memref_slice %arg3[%dma_start3A_102, %dma_start3A_103] : memref<1000000x128xf32, #tpu.memory_space<hbm>> -> memref<1000000x128xf32, #tpu.memory_space<hbm>>
    tpu.enqueue_indirect_dma source(%dma_start3A_104 : memref<1000000x128xf32, #tpu.memory_space<hbm>>) target(%dma_start3A_99 : memref<72x128xf32, #tpu.memory_space<vmem>>) offsets(%dma_start3A_101 : memref<72xi32, #tpu.memory_space<vmem>>) semaphore(%arg19 : memref<!tpu.dma_semaphore, #tpu.memory_space<semaphore_mem>>)
    %scan3A = arith.constant 0 : i32
    %scan3A_105 = arith.constant 8 : i32
    %scan3A_106 = arith.addi %scan3A, %scan3A_105 : i32
    %scan3A_107 = arith.constant 1 : i32
    scf.for %scan3A_149 = %scan3A to %scan3A_106 step %scan3A_107  : i32 {
      %mul3A_150 = arith.constant 4 : i32
      %mul3A_151 = arith.muli %scan3A_149, %mul3A_150 : i32
      %add3A_152 = arith.constant 0 : i32
      %add3A_153 = arith.addi %add3A_152, %mul3A_151 : i32
      %add3A_154 = arith.constant 0 : i32
      %add3A_155 = arith.addi %add3A_153, %add3A_154 : i32
      %dma_wait3A_156 = arith.constant 0 : i32
      %dma_wait3A_157 = arith.constant 0 : i32
      %dma_wait3A_158 = tpu.memref_slice %arg9[%dma_wait3A_156, %dma_wait3A_157] : memref<200x128xf32, #tpu.memory_space<vmem>> -> memref<128x128xf32, #tpu.memory_space<vmem>>
      %dma_wait3A_159 = arith.constant 0 : i32
      %dma_wait3A_160 = tpu.memref_slice %arg5[%dma_wait3A_159] : memref<200xi32, #tpu.memory_space<vmem>> -> memref<128xi32, #tpu.memory_space<vmem>>
      %dma_wait3A_161 = arith.constant 0 : i32
      %dma_wait3A_162 = arith.constant 0 : i32
      %dma_wait3A_163 = tpu.memref_slice %arg3[%dma_wait3A_161, %dma_wait3A_162] : memref<1000000x128xf32, #tpu.memory_space<hbm>> -> memref<1000000x128xf32, #tpu.memory_space<hbm>>
      tpu.wait_indirect_dma semaphore(%arg17 : memref<!tpu.dma_semaphore, #tpu.memory_space<semaphore_mem>>) src(%dma_wait3A_163 : memref<1000000x128xf32, #tpu.memory_space<hbm>>) dst(%dma_wait3A_158 : memref<128x128xf32, #tpu.memory_space<vmem>>)
      %dma_wait3A_164 = arith.constant 128 : i32
      %dma_wait3A_165 = arith.constant 0 : i32
      %dma_wait3A_166 = tpu.memref_slice %arg9[%dma_wait3A_164, %dma_wait3A_165] : memref<200x128xf32, #tpu.memory_space<vmem>> -> memref<72x128xf32, #tpu.memory_space<vmem>>
      %dma_wait3A_167 = arith.constant 128 : i32
      %dma_wait3A_168 = tpu.memref_slice %arg5[%dma_wait3A_167] : memref<200xi32, #tpu.memory_space<vmem>> -> memref<72xi32, #tpu.memory_space<vmem>>
      %dma_wait3A_169 = arith.constant 0 : i32
      %dma_wait3A_170 = arith.constant 0 : i32
      %dma_wait3A_171 = tpu.memref_slice %arg3[%dma_wait3A_169, %dma_wait3A_170] : memref<1000000x128xf32, #tpu.memory_space<hbm>> -> memref<1000000x128xf32, #tpu.memory_space<hbm>>
      tpu.wait_indirect_dma semaphore(%arg17 : memref<!tpu.dma_semaphore, #tpu.memory_space<semaphore_mem>>) src(%dma_wait3A_171 : memref<1000000x128xf32, #tpu.memory_space<hbm>>) dst(%dma_wait3A_166 : memref<72x128xf32, #tpu.memory_space<vmem>>)
      %add3A_172 = arith.constant 4 : i32
      %add3A_173 = arith.addi %add3A_155, %add3A_172 : i32
      %lt3A = arith.constant 32 : i32
      %lt3A_174 = arith.cmpi slt, %add3A_173, %lt3A : i32
      %convert_element_type3A = arith.extui %lt3A_174 : i1 to i32
      %cond3A = arith.constant 0 : i32
      %cond3A_175 = arith.cmpi ne, %convert_element_type3A, %cond3A : i32
      scf.if %cond3A_175 {
        %add3A_335 = arith.addi %mul3A_2, %add3A_173 : i32
        %dma_start3A_336 = arith.constant 0 : i32
        %dma_start3A_337 = tpu.memref_slice %arg2[%add3A_335, %dma_start3A_336] : memref<1024x200xi32, #tpu.memory_space<hbm>> -> memref<1x200xi32, #tpu.memory_space<hbm>>
        %dma_start3A_338 = tpu.memref_squeeze %dma_start3A_337 : memref<1x200xi32, #tpu.memory_space<hbm>> -> memref<200xi32, #tpu.memory_space<hbm>>
        %dma_start3A_339 = arith.constant 0 : i32
        %dma_start3A_340 = tpu.memref_slice %arg2[%add3A_335, %dma_start3A_339] : memref<1024x200xi32, #tpu.memory_space<hbm>> -> memref<1x200xi32, #tpu.memory_space<hbm>>
        %dma_start3A_341 = tpu.memref_squeeze %dma_start3A_340 : memref<1x200xi32, #tpu.memory_space<hbm>> -> memref<200xi32, #tpu.memory_space<hbm>>
        tpu.enqueue_dma source(%dma_start3A_341 : memref<200xi32, #tpu.memory_space<hbm>>) target(%arg5 : memref<200xi32, #tpu.memory_space<vmem>>) target_semaphore(%arg13 : memref<!tpu.dma_semaphore, #tpu.memory_space<semaphore_mem>>)
      } else {
      }
      %scan3A_176 = arith.constant 0 : i32
      %scan3A_177 = arith.constant 200 : i32
      %scan3A_178 = arith.addi %scan3A_176, %scan3A_177 : i32
      %scan3A_179 = arith.constant 4 : i32
      scf.for %scan3A_335 = %scan3A_176 to %scan3A_178 step %scan3A_179  : i32 {
        %mul3A_336 = arith.constant 1 : i32
        %mul3A_337 = arith.muli %scan3A_335, %mul3A_336 : i32
        %add3A_338 = arith.constant 0 : i32
        %add3A_339 = arith.addi %add3A_338, %mul3A_337 : i32
        %get3A = arith.index_cast %add3A_339 : i32 to index
        %get3A_340 = arith.constant 0 : index
        %get3A_341 = tpu.vector_load %arg9[%get3A, %get3A_340] {strides = array<i32>} : memref<200x128xf32, #tpu.memory_space<vmem>>, vector<1x16xf32>,
        %get3A_342 = vector.shape_cast %get3A_341 : vector<1x16xf32> to vector<16xf32>
        %mul3A_343 = arith.constant 11.3137083 : f32
        %mul3A_344 = vector.broadcast %mul3A_343 : f32 to vector<16xf32>
        %mul3A_345 = arith.mulf %get3A_342, %mul3A_344 : vector<16xf32>
        %swap3A = arith.index_cast %add3A_339 : i32 to index
        %swap3A_346 = arith.constant 0 : index
        %swap3A_347 = tpu.vector_load %arg9[%swap3A, %swap3A_346] {strides = array<i32>} : memref<200x128xf32, #tpu.memory_space<vmem>>, vector<1x16xf32>,
        %swap3A_348 = vector.shape_cast %swap3A_347 : vector<1x16xf32> to vector<16xf32>
        %swap3A_349 = vector.shape_cast %mul3A_345 : vector<16xf32> to vector<1x16xf32>
        tpu.vector_store %arg9[%swap3A, %swap3A_346], %swap3A_349 {strides = array<i32>} : memref<200x128xf32, #tpu.memory_space<vmem>>, vector<1x16xf32>,
        %get3A_350 = arith.index_cast %add3A_339 : i32 to index
        %get3A_351 = arith.constant 16 : index
        %get3A_352 = tpu.vector_load %arg9[%get3A_350, %get3A_351] {strides = array<i32>} : memref<200x128xf32, #tpu.memory_space<vmem>>, vector<1x16xf32>,
        %get3A_353 = vector.shape_cast %get3A_352 : vector<1x16xf32> to vector<16xf32>
        %mul3A_354 = arith.constant 11.3137083 : f32
        %mul3A_355 = vector.broadcast %mul3A_354 : f32 to vector<16xf32>
        %mul3A_356 = arith.mulf %get3A_353, %mul3A_355 : vector<16xf32>
        %swap3A_357 = arith.index_cast %add3A_339 : i32 to index
        %swap3A_358 = arith.constant 16 : index
        %swap3A_359 = tpu.vector_load %arg9[%swap3A_357, %swap3A_358] {strides = array<i32>} : memref<200x128xf32, #tpu.memory_space<vmem>>, vector<1x16xf32>,
        %swap3A_360 = vector.shape_cast %swap3A_359 : vector<1x16xf32> to vector<16xf32>
        %swap3A_361 = vector.shape_cast %mul3A_356 : vector<16xf32> to vector<1x16xf32>
        tpu.vector_store %arg9[%swap3A_357, %swap3A_358], %swap3A_361 {strides = array<i32>} : memref<200x128xf32, #tpu.memory_space<vmem>>, vector<1x16xf32>,
        %get3A_362 = arith.index_cast %add3A_339 : i32 to index
        %get3A_363 = arith.constant 32 : index
        %get3A_364 = tpu.vector_load %arg9[%get3A_362, %get3A_363] {strides = array<i32>} : memref<200x128xf32, #tpu.memory_space<vmem>>, vector<1x16xf32>,
        %get3A_365 = vector.shape_cast %get3A_364 : vector<1x16xf32> to vector<16xf32>
        %mul3A_366 = arith.constant 11.3137083 : f32
        %mul3A_367 = vector.broadcast %mul3A_366 : f32 to vector<16xf32>
        %mul3A_368 = arith.mulf %get3A_365, %mul3A_367 : vector<16xf32>
        %swap3A_369 = arith.index_cast %add3A_339 : i32 to index
        %swap3A_370 = arith.constant 32 : index
        %swap3A_371 = tpu.vector_load %arg9[%swap3A_369, %swap3A_370] {strides = array<i32>} : memref<200x128xf32, #tpu.memory_space<vmem>>, vector<1x16xf32>,
        %swap3A_372 = vector.shape_cast %swap3A_371 : vector<1x16xf32> to vector<16xf32>
        %swap3A_373 = vector.shape_cast %mul3A_368 : vector<16xf32> to vector<1x16xf32>
        tpu.vector_store %arg9[%swap3A_369, %swap3A_370], %swap3A_373 {strides = array<i32>} : memref<200x128xf32, #tpu.memory_space<vmem>>, vector<1x16xf32>,
        %get3A_374 = arith.index_cast %add3A_339 : i32 to index
        %get3A_375 = arith.constant 48 : index
        %get3A_376 = tpu.vector_load %arg9[%get3A_374, %get3A_375] {strides = array<i32>} : memref<200x128xf32, #tpu.memory_space<vmem>>, vector<1x16xf32>,
        %get3A_377 = vector.shape_cast %get3A_376 : vector<1x16xf32> to vector<16xf32>
        %mul3A_378 = arith.constant 11.3137083 : f32
        %mul3A_379 = vector.broadcast %mul3A_378 : f32 to vector<16xf32>
        %mul3A_380 = arith.mulf %get3A_377, %mul3A_379 : vector<16xf32>
        %swap3A_381 = arith.index_cast %add3A_339 : i32 to index
        %swap3A_382 = arith.constant 48 : index
        %swap3A_383 = tpu.vector_load %arg9[%swap3A_381, %swap3A_382] {strides = array<i32>} : memref<200x128xf32, #tpu.memory_space<vmem>>, vector<1x16xf32>,
        %swap3A_384 = vector.shape_cast %swap3A_383 : vector<1x16xf32> to vector<16xf32>
        %swap3A_385 = vector.shape_cast %mul3A_380 : vector<16xf32> to vector<1x16xf32>
        tpu.vector_store %arg9[%swap3A_381, %swap3A_382], %swap3A_385 {strides = array<i32>} : memref<200x128xf32, #tpu.memory_space<vmem>>, vector<1x16xf32>,
        %get3A_386 = arith.index_cast %add3A_339 : i32 to index
        %get3A_387 = arith.constant 64 : index
        %get3A_388 = tpu.vector_load %arg9[%get3A_386, %get3A_387] {strides = array<i32>} : memref<200x128xf32, #tpu.memory_space<vmem>>, vector<1x16xf32>,
        %get3A_389 = vector.shape_cast %get3A_388 : vector<1x16xf32> to vector<16xf32>
        %mul3A_390 = arith.constant 11.3137083 : f32
        %mul3A_391 = vector.broadcast %mul3A_390 : f32 to vector<16xf32>
        %mul3A_392 = arith.mulf %get3A_389, %mul3A_391 : vector<16xf32>
        %swap3A_393 = arith.index_cast %add3A_339 : i32 to index
        %swap3A_394 = arith.constant 64 : index
        %swap3A_395 = tpu.vector_load %arg9[%swap3A_393, %swap3A_394] {strides = array<i32>} : memref<200x128xf32, #tpu.memory_space<vmem>>, vector<1x16xf32>,
        %swap3A_396 = vector.shape_cast %swap3A_395 : vector<1x16xf32> to vector<16xf32>
        %swap3A_397 = vector.shape_cast %mul3A_392 : vector<16xf32> to vector<1x16xf32>
        tpu.vector_store %arg9[%swap3A_393, %swap3A_394], %swap3A_397 {strides = array<i32>} : memref<200x128xf32, #tpu.memory_space<vmem>>, vector<1x16xf32>,
        %get3A_398 = arith.index_cast %add3A_339 : i32 to index
        %get3A_399 = arith.constant 80 : index
        %get3A_400 = tpu.vector_load %arg9[%get3A_398, %get3A_399] {strides = array<i32>} : memref<200x128xf32, #tpu.memory_space<vmem>>, vector<1x16xf32>,
        %get3A_401 = vector.shape_cast %get3A_400 : vector<1x16xf32> to vector<16xf32>
        %mul3A_402 = arith.constant 11.3137083 : f32
        %mul3A_403 = vector.broadcast %mul3A_402 : f32 to vector<16xf32>
        %mul3A_404 = arith.mulf %get3A_401, %mul3A_403 : vector<16xf32>
        %swap3A_405 = arith.index_cast %add3A_339 : i32 to index
        %swap3A_406 = arith.constant 80 : index
        %swap3A_407 = tpu.vector_load %arg9[%swap3A_405, %swap3A_406] {strides = array<i32>} : memref<200x128xf32, #tpu.memory_space<vmem>>, vector<1x16xf32>,
        %swap3A_408 = vector.shape_cast %swap3A_407 : vector<1x16xf32> to vector<16xf32>
        %swap3A_409 = vector.shape_cast %mul3A_404 : vector<16xf32> to vector<1x16xf32>
        tpu.vector_store %arg9[%swap3A_405, %swap3A_406], %swap3A_409 {strides = array<i32>} : memref<200x128xf32, #tpu.memory_space<vmem>>, vector<1x16xf32>,
        %get3A_410 = arith.index_cast %add3A_339 : i32 to index
        %get3A_411 = arith.constant 96 : index
        %get3A_412 = tpu.vector_load %arg9[%get3A_410, %get3A_411] {strides = array<i32>} : memref<200x128xf32, #tpu.memory_space<vmem>>, vector<1x16xf32>,
        %get3A_413 = vector.shape_cast %get3A_412 : vector<1x16xf32> to vector<16xf32>
        %mul3A_414 = arith.constant 11.3137083 : f32
        %mul3A_415 = vector.broadcast %mul3A_414 : f32 to vector<16xf32>
        %mul3A_416 = arith.mulf %get3A_413, %mul3A_415 : vector<16xf32>
        %swap3A_417 = arith.index_cast %add3A_339 : i32 to index
        %swap3A_418 = arith.constant 96 : index
        %swap3A_419 = tpu.vector_load %arg9[%swap3A_417, %swap3A_418] {strides = array<i32>} : memref<200x128xf32, #tpu.memory_space<vmem>>, vector<1x16xf32>,
        %swap3A_420 = vector.shape_cast %swap3A_419 : vector<1x16xf32> to vector<16xf32>
        %swap3A_421 = vector.shape_cast %mul3A_416 : vector<16xf32> to vector<1x16xf32>
        tpu.vector_store %arg9[%swap3A_417, %swap3A_418], %swap3A_421 {strides = array<i32>} : memref<200x128xf32, #tpu.memory_space<vmem>>, vector<1x16xf32>,
        %get3A_422 = arith.index_cast %add3A_339 : i32 to index
        %get3A_423 = arith.constant 112 : index
        %get3A_424 = tpu.vector_load %arg9[%get3A_422, %get3A_423] {strides = array<i32>} : memref<200x128xf32, #tpu.memory_space<vmem>>, vector<1x16xf32>,
        %get3A_425 = vector.shape_cast %get3A_424 : vector<1x16xf32> to vector<16xf32>
        %mul3A_426 = arith.constant 11.3137083 : f32
        %mul3A_427 = vector.broadcast %mul3A_426 : f32 to vector<16xf32>
        %mul3A_428 = arith.mulf %get3A_425, %mul3A_427 : vector<16xf32>
        %swap3A_429 = arith.index_cast %add3A_339 : i32 to index
        %swap3A_430 = arith.constant 112 : index
        %swap3A_431 = tpu.vector_load %arg9[%swap3A_429, %swap3A_430] {strides = array<i32>} : memref<200x128xf32, #tpu.memory_space<vmem>>, vector<1x16xf32>,
        %swap3A_432 = vector.shape_cast %swap3A_431 : vector<1x16xf32> to vector<16xf32>
        %swap3A_433 = vector.shape_cast %mul3A_428 : vector<16xf32> to vector<1x16xf32>
        tpu.vector_store %arg9[%swap3A_429, %swap3A_430], %swap3A_433 {strides = array<i32>} : memref<200x128xf32, #tpu.memory_space<vmem>>, vector<1x16xf32>,
        %scan3A_434 = arith.constant 1 : i32
        %scan3A_435 = arith.addi %scan3A_335, %scan3A_434 : i32
        %mul3A_436 = arith.constant 1 : i32
        %mul3A_437 = arith.muli %scan3A_435, %mul3A_436 : i32
        %add3A_438 = arith.constant 0 : i32
        %add3A_439 = arith.addi %add3A_438, %mul3A_437 : i32
        %get3A_440 = arith.index_cast %add3A_439 : i32 to index
        %get3A_441 = arith.constant 0 : index
        %get3A_442 = tpu.vector_load %arg9[%get3A_440, %get3A_441] {strides = array<i32>} : memref<200x128xf32, #tpu.memory_space<vmem>>, vector<1x16xf32>,
        %get3A_443 = vector.shape_cast %get3A_442 : vector<1x16xf32> to vector<16xf32>
        %mul3A_444 = arith.constant 11.3137083 : f32
        %mul3A_445 = vector.broadcast %mul3A_444 : f32 to vector<16xf32>
        %mul3A_446 = arith.mulf %get3A_443, %mul3A_445 : vector<16xf32>
        %swap3A_447 = arith.index_cast %add3A_439 : i32 to index
        %swap3A_448 = arith.constant 0 : index
        %swap3A_449 = tpu.vector_load %arg9[%swap3A_447, %swap3A_448] {strides = array<i32>} : memref<200x128xf32, #tpu.memory_space<vmem>>, vector<1x16xf32>,
        %swap3A_450 = vector.shape_cast %swap3A_449 : vector<1x16xf32> to vector<16xf32>
        %swap3A_451 = vector.shape_cast %mul3A_446 : vector<16xf32> to vector<1x16xf32>
        tpu.vector_store %arg9[%swap3A_447, %swap3A_448], %swap3A_451 {strides = array<i32>} : memref<200x128xf32, #tpu.memory_space<vmem>>, vector<1x16xf32>,
        %get3A_452 = arith.index_cast %add3A_439 : i32 to index
        %get3A_453 = arith.constant 16 : index
        %get3A_454 = tpu.vector_load %arg9[%get3A_452, %get3A_453] {strides = array<i32>} : memref<200x128xf32, #tpu.memory_space<vmem>>, vector<1x16xf32>,
        %get3A_455 = vector.shape_cast %get3A_454 : vector<1x16xf32> to vector<16xf32>
        %mul3A_456 = arith.constant 11.3137083 : f32
        %mul3A_457 = vector.broadcast %mul3A_456 : f32 to vector<16xf32>
        %mul3A_458 = arith.mulf %get3A_455, %mul3A_457 : vector<16xf32>
        %swap3A_459 = arith.index_cast %add3A_439 : i32 to index
        %swap3A_460 = arith.constant 16 : index
        %swap3A_461 = tpu.vector_load %arg9[%swap3A_459, %swap3A_460] {strides = array<i32>} : memref<200x128xf32, #tpu.memory_space<vmem>>, vector<1x16xf32>,
        %swap3A_462 = vector.shape_cast %swap3A_461 : vector<1x16xf32> to vector<16xf32>
        %swap3A_463 = vector.shape_cast %mul3A_458 : vector<16xf32> to vector<1x16xf32>
        tpu.vector_store %arg9[%swap3A_459, %swap3A_460], %swap3A_463 {strides = array<i32>} : memref<200x128xf32, #tpu.memory_space<vmem>>, vector<1x16xf32>,
        %get3A_464 = arith.index_cast %add3A_439 : i32 to index
        %get3A_465 = arith.constant 32 : index
        %get3A_466 = tpu.vector_load %arg9[%get3A_464, %get3A_465] {strides = array<i32>} : memref<200x128xf32, #tpu.memory_space<vmem>>, vector<1x16xf32>,
        %get3A_467 = vector.shape_cast %get3A_466 : vector<1x16xf32> to vector<16xf32>
        %mul3A_468 = arith.constant 11.3137083 : f32
        %mul3A_469 = vector.broadcast %mul3A_468 : f32 to vector<16xf32>
        %mul3A_470 = arith.mulf %get3A_467, %mul3A_469 : vector<16xf32>
        %swap3A_471 = arith.index_cast %add3A_439 : i32 to index
        %swap3A_472 = arith.constant 32 : index
        %swap3A_473 = tpu.vector_load %arg9[%swap3A_471, %swap3A_472] {strides = array<i32>} : memref<200x128xf32, #tpu.memory_space<vmem>>, vector<1x16xf32>,
        %swap3A_474 = vector.shape_cast %swap3A_473 : vector<1x16xf32> to vector<16xf32>
        %swap3A_475 = vector.shape_cast %mul3A_470 : vector<16xf32> to vector<1x16xf32>
        tpu.vector_store %arg9[%swap3A_471, %swap3A_472], %swap3A_475 {strides = array<i32>} : memref<200x128xf32, #tpu.memory_space<vmem>>, vector<1x16xf32>,
        %get3A_476 = arith.index_cast %add3A_439 : i32 to index
        %get3A_477 = arith.constant 48 : index
        %get3A_478 = tpu.vector_load %arg9[%get3A_476, %get3A_477] {strides = array<i32>} : memref<200x128xf32, #tpu.memory_space<vmem>>, vector<1x16xf32>,
        %get3A_479 = vector.shape_cast %get3A_478 : vector<1x16xf32> to vector<16xf32>
        %mul3A_480 = arith.constant 11.3137083 : f32
        %mul3A_481 = vector.broadcast %mul3A_480 : f32 to vector<16xf32>
        %mul3A_482 = arith.mulf %get3A_479, %mul3A_481 : vector<16xf32>
        %swap3A_483 = arith.index_cast %add3A_439 : i32 to index
        %swap3A_484 = arith.constant 48 : index
        %swap3A_485 = tpu.vector_load %arg9[%swap3A_483, %swap3A_484] {strides = array<i32>} : memref<200x128xf32, #tpu.memory_space<vmem>>, vector<1x16xf32>,
        %swap3A_486 = vector.shape_cast %swap3A_485 : vector<1x16xf32> to vector<16xf32>
        %swap3A_487 = vector.shape_cast %mul3A_482 : vector<16xf32> to vector<1x16xf32>
        tpu.vector_store %arg9[%swap3A_483, %swap3A_484], %swap3A_487 {strides = array<i32>} : memref<200x128xf32, #tpu.memory_space<vmem>>, vector<1x16xf32>,
        %get3A_488 = arith.index_cast %add3A_439 : i32 to index
        %get3A_489 = arith.constant 64 : index
        %get3A_490 = tpu.vector_load %arg9[%get3A_488, %get3A_489] {strides = array<i32>} : memref<200x128xf32, #tpu.memory_space<vmem>>, vector<1x16xf32>,
        %get3A_491 = vector.shape_cast %get3A_490 : vector<1x16xf32> to vector<16xf32>
        %mul3A_492 = arith.constant 11.3137083 : f32
        %mul3A_493 = vector.broadcast %mul3A_492 : f32 to vector<16xf32>
        %mul3A_494 = arith.mulf %get3A_491, %mul3A_493 : vector<16xf32>
        %swap3A_495 = arith.index_cast %add3A_439 : i32 to index
        %swap3A_496 = arith.constant 64 : index
        %swap3A_497 = tpu.vector_load %arg9[%swap3A_495, %swap3A_496] {strides = array<i32>} : memref<200x128xf32, #tpu.memory_space<vmem>>, vector<1x16xf32>,
        %swap3A_498 = vector.shape_cast %swap3A_497 : vector<1x16xf32> to vector<16xf32>
        %swap3A_499 = vector.shape_cast %mul3A_494 : vector<16xf32> to vector<1x16xf32>
        tpu.vector_store %arg9[%swap3A_495, %swap3A_496], %swap3A_499 {strides = array<i32>} : memref<200x128xf32, #tpu.memory_space<vmem>>, vector<1x16xf32>,
        %get3A_500 = arith.index_cast %add3A_439 : i32 to index
        %get3A_501 = arith.constant 80 : index
        %get3A_502 = tpu.vector_load %arg9[%get3A_500, %get3A_501] {strides = array<i32>} : memref<200x128xf32, #tpu.memory_space<vmem>>, vector<1x16xf32>,
        %get3A_503 = vector.shape_cast %get3A_502 : vector<1x16xf32> to vector<16xf32>
        %mul3A_504 = arith.constant 11.3137083 : f32
        %mul3A_505 = vector.broadcast %mul3A_504 : f32 to vector<16xf32>
        %mul3A_506 = arith.mulf %get3A_503, %mul3A_505 : vector<16xf32>
        %swap3A_507 = arith.index_cast %add3A_439 : i32 to index
        %swap3A_508 = arith.constant 80 : index
        %swap3A_509 = tpu.vector_load %arg9[%swap3A_507, %swap3A_508] {strides = array<i32>} : memref<200x128xf32, #tpu.memory_space<vmem>>, vector<1x16xf32>,
        %swap3A_510 = vector.shape_cast %swap3A_509 : vector<1x16xf32> to vector<16xf32>
        %swap3A_511 = vector.shape_cast %mul3A_506 : vector<16xf32> to vector<1x16xf32>
        tpu.vector_store %arg9[%swap3A_507, %swap3A_508], %swap3A_511 {strides = array<i32>} : memref<200x128xf32, #tpu.memory_space<vmem>>, vector<1x16xf32>,
        %get3A_512 = arith.index_cast %add3A_439 : i32 to index
        %get3A_513 = arith.constant 96 : index
        %get3A_514 = tpu.vector_load %arg9[%get3A_512, %get3A_513] {strides = array<i32>} : memref<200x128xf32, #tpu.memory_space<vmem>>, vector<1x16xf32>,
        %get3A_515 = vector.shape_cast %get3A_514 : vector<1x16xf32> to vector<16xf32>
        %mul3A_516 = arith.constant 11.3137083 : f32
        %mul3A_517 = vector.broadcast %mul3A_516 : f32 to vector<16xf32>
        %mul3A_518 = arith.mulf %get3A_515, %mul3A_517 : vector<16xf32>
        %swap3A_519 = arith.index_cast %add3A_439 : i32 to index
        %swap3A_520 = arith.constant 96 : index
        %swap3A_521 = tpu.vector_load %arg9[%swap3A_519, %swap3A_520] {strides = array<i32>} : memref<200x128xf32, #tpu.memory_space<vmem>>, vector<1x16xf32>,
        %swap3A_522 = vector.shape_cast %swap3A_521 : vector<1x16xf32> to vector<16xf32>
        %swap3A_523 = vector.shape_cast %mul3A_518 : vector<16xf32> to vector<1x16xf32>
        tpu.vector_store %arg9[%swap3A_519, %swap3A_520], %swap3A_523 {strides = array<i32>} : memref<200x128xf32, #tpu.memory_space<vmem>>, vector<1x16xf32>,
        %get3A_524 = arith.index_cast %add3A_439 : i32 to index
        %get3A_525 = arith.constant 112 : index
        %get3A_526 = tpu.vector_load %arg9[%get3A_524, %get3A_525] {strides = array<i32>} : memref<200x128xf32, #tpu.memory_space<vmem>>, vector<1x16xf32>,
        %get3A_527 = vector.shape_cast %get3A_526 : vector<1x16xf32> to vector<16xf32>
        %mul3A_528 = arith.constant 11.3137083 : f32
        %mul3A_529 = vector.broadcast %mul3A_528 : f32 to vector<16xf32>
        %mul3A_530 = arith.mulf %get3A_527, %mul3A_529 : vector<16xf32>
        %swap3A_531 = arith.index_cast %add3A_439 : i32 to index
        %swap3A_532 = arith.constant 112 : index
        %swap3A_533 = tpu.vector_load %arg9[%swap3A_531, %swap3A_532] {strides = array<i32>} : memref<200x128xf32, #tpu.memory_space<vmem>>, vector<1x16xf32>,
        %swap3A_534 = vector.shape_cast %swap3A_533 : vector<1x16xf32> to vector<16xf32>
        %swap3A_535 = vector.shape_cast %mul3A_530 : vector<16xf32> to vector<1x16xf32>
        tpu.vector_store %arg9[%swap3A_531, %swap3A_532], %swap3A_535 {strides = array<i32>} : memref<200x128xf32, #tpu.memory_space<vmem>>, vector<1x16xf32>,
        %scan3A_536 = arith.constant 2 : i32
        %scan3A_537 = arith.addi %scan3A_335, %scan3A_536 : i32
        %mul3A_538 = arith.constant 1 : i32
        %mul3A_539 = arith.muli %scan3A_537, %mul3A_538 : i32
        %add3A_540 = arith.constant 0 : i32
        %add3A_541 = arith.addi %add3A_540, %mul3A_539 : i32
        %get3A_542 = arith.index_cast %add3A_541 : i32 to index
        %get3A_543 = arith.constant 0 : index
        %get3A_544 = tpu.vector_load %arg9[%get3A_542, %get3A_543] {strides = array<i32>} : memref<200x128xf32, #tpu.memory_space<vmem>>, vector<1x16xf32>,
        %get3A_545 = vector.shape_cast %get3A_544 : vector<1x16xf32> to vector<16xf32>
        %mul3A_546 = arith.constant 11.3137083 : f32
        %mul3A_547 = vector.broadcast %mul3A_546 : f32 to vector<16xf32>
        %mul3A_548 = arith.mulf %get3A_545, %mul3A_547 : vector<16xf32>
        %swap3A_549 = arith.index_cast %add3A_541 : i32 to index
        %swap3A_550 = arith.constant 0 : index
        %swap3A_551 = tpu.vector_load %arg9[%swap3A_549, %swap3A_550] {strides = array<i32>} : memref<200x128xf32, #tpu.memory_space<vmem>>, vector<1x16xf32>,
        %swap3A_552 = vector.shape_cast %swap3A_551 : vector<1x16xf32> to vector<16xf32>
        %swap3A_553 = vector.shape_cast %mul3A_548 : vector<16xf32> to vector<1x16xf32>
        tpu.vector_store %arg9[%swap3A_549, %swap3A_550], %swap3A_553 {strides = array<i32>} : memref<200x128xf32, #tpu.memory_space<vmem>>, vector<1x16xf32>,
        %get3A_554 = arith.index_cast %add3A_541 : i32 to index
        %get3A_555 = arith.constant 16 : index
        %get3A_556 = tpu.vector_load %arg9[%get3A_554, %get3A_555] {strides = array<i32>} : memref<200x128xf32, #tpu.memory_space<vmem>>, vector<1x16xf32>,
        %get3A_557 = vector.shape_cast %get3A_556 : vector<1x16xf32> to vector<16xf32>
        %mul3A_558 = arith.constant 11.3137083 : f32
        %mul3A_559 = vector.broadcast %mul3A_558 : f32 to vector<16xf32>
        %mul3A_560 = arith.mulf %get3A_557, %mul3A_559 : vector<16xf32>
        %swap3A_561 = arith.index_cast %add3A_541 : i32 to index
        %swap3A_562 = arith.constant 16 : index
        %swap3A_563 = tpu.vector_load %arg9[%swap3A_561, %swap3A_562] {strides = array<i32>} : memref<200x128xf32, #tpu.memory_space<vmem>>, vector<1x16xf32>,
        %swap3A_564 = vector.shape_cast %swap3A_563 : vector<1x16xf32> to vector<16xf32>
        %swap3A_565 = vector.shape_cast %mul3A_560 : vector<16xf32> to vector<1x16xf32>
        tpu.vector_store %arg9[%swap3A_561, %swap3A_562], %swap3A_565 {strides = array<i32>} : memref<200x128xf32, #tpu.memory_space<vmem>>, vector<1x16xf32>,
        %get3A_566 = arith.index_cast %add3A_541 : i32 to index
        %get3A_567 = arith.constant 32 : index
        %get3A_568 = tpu.vector_load %arg9[%get3A_566, %get3A_567] {strides = array<i32>} : memref<200x128xf32, #tpu.memory_space<vmem>>, vector<1x16xf32>,
        %get3A_569 = vector.shape_cast %get3A_568 : vector<1x16xf32> to vector<16xf32>
        %mul3A_570 = arith.constant 11.3137083 : f32
        %mul3A_571 = vector.broadcast %mul3A_570 : f32 to vector<16xf32>
        %mul3A_572 = arith.mulf %get3A_569, %mul3A_571 : vector<16xf32>
        %swap3A_573 = arith.index_cast %add3A_541 : i32 to index
        %swap3A_574 = arith.constant 32 : index
        %swap3A_575 = tpu.vector_load %arg9[%swap3A_573, %swap3A_574] {strides = array<i32>} : memref<200x128xf32, #tpu.memory_space<vmem>>, vector<1x16xf32>,
        %swap3A_576 = vector.shape_cast %swap3A_575 : vector<1x16xf32> to vector<16xf32>
        %swap3A_577 = vector.shape_cast %mul3A_572 : vector<16xf32> to vector<1x16xf32>
        tpu.vector_store %arg9[%swap3A_573, %swap3A_574], %swap3A_577 {strides = array<i32>} : memref<200x128xf32, #tpu.memory_space<vmem>>, vector<1x16xf32>,
        %get3A_578 = arith.index_cast %add3A_541 : i32 to index
        %get3A_579 = arith.constant 48 : index
        %get3A_580 = tpu.vector_load %arg9[%get3A_578, %get3A_579] {strides = array<i32>} : memref<200x128xf32, #tpu.memory_space<vmem>>, vector<1x16xf32>,
        %get3A_581 = vector.shape_cast %get3A_580 : vector<1x16xf32> to vector<16xf32>
        %mul3A_582 = arith.constant 11.3137083 : f32
        %mul3A_583 = vector.broadcast %mul3A_582 : f32 to vector<16xf32>
        %mul3A_584 = arith.mulf %get3A_581, %mul3A_583 : vector<16xf32>
        %swap3A_585 = arith.index_cast %add3A_541 : i32 to index
        %swap3A_586 = arith.constant 48 : index
        %swap3A_587 = tpu.vector_load %arg9[%swap3A_585, %swap3A_586] {strides = array<i32>} : memref<200x128xf32, #tpu.memory_space<vmem>>, vector<1x16xf32>,
        %swap3A_588 = vector.shape_cast %swap3A_587 : vector<1x16xf32> to vector<16xf32>
        %swap3A_589 = vector.shape_cast %mul3A_584 : vector<16xf32> to vector<1x16xf32>
        tpu.vector_store %arg9[%swap3A_585, %swap3A_586], %swap3A_589 {strides = array<i32>} : memref<200x128xf32, #tpu.memory_space<vmem>>, vector<1x16xf32>,
        %get3A_590 = arith.index_cast %add3A_541 : i32 to index
        %get3A_591 = arith.constant 64 : index
        %get3A_592 = tpu.vector_load %arg9[%get3A_590, %get3A_591] {strides = array<i32>} : memref<200x128xf32, #tpu.memory_space<vmem>>, vector<1x16xf32>,
        %get3A_593 = vector.shape_cast %get3A_592 : vector<1x16xf32> to vector<16xf32>
        %mul3A_594 = arith.constant 11.3137083 : f32
        %mul3A_595 = vector.broadcast %mul3A_594 : f32 to vector<16xf32>
        %mul3A_596 = arith.mulf %get3A_593, %mul3A_595 : vector<16xf32>
        %swap3A_597 = arith.index_cast %add3A_541 : i32 to index
        %swap3A_598 = arith.constant 64 : index
        %swap3A_599 = tpu.vector_load %arg9[%swap3A_597, %swap3A_598] {strides = array<i32>} : memref<200x128xf32, #tpu.memory_space<vmem>>, vector<1x16xf32>,
        %swap3A_600 = vector.shape_cast %swap3A_599 : vector<1x16xf32> to vector<16xf32>
        %swap3A_601 = vector.shape_cast %mul3A_596 : vector<16xf32> to vector<1x16xf32>
        tpu.vector_store %arg9[%swap3A_597, %swap3A_598], %swap3A_601 {strides = array<i32>} : memref<200x128xf32, #tpu.memory_space<vmem>>, vector<1x16xf32>,
        %get3A_602 = arith.index_cast %add3A_541 : i32 to index
        %get3A_603 = arith.constant 80 : index
        %get3A_604 = tpu.vector_load %arg9[%get3A_602, %get3A_603] {strides = array<i32>} : memref<200x128xf32, #tpu.memory_space<vmem>>, vector<1x16xf32>,
        %get3A_605 = vector.shape_cast %get3A_604 : vector<1x16xf32> to vector<16xf32>
        %mul3A_606 = arith.constant 11.3137083 : f32
        %mul3A_607 = vector.broadcast %mul3A_606 : f32 to vector<16xf32>
        %mul3A_608 = arith.mulf %get3A_605, %mul3A_607 : vector<16xf32>
        %swap3A_609 = arith.index_cast %add3A_541 : i32 to index
        %swap3A_610 = arith.constant 80 : index
        %swap3A_611 = tpu.vector_load %arg9[%swap3A_609, %swap3A_610] {strides = array<i32>} : memref<200x128xf32, #tpu.memory_space<vmem>>, vector<1x16xf32>,
        %swap3A_612 = vector.shape_cast %swap3A_611 : vector<1x16xf32> to vector<16xf32>
        %swap3A_613 = vector.shape_cast %mul3A_608 : vector<16xf32> to vector<1x16xf32>
        tpu.vector_store %arg9[%swap3A_609, %swap3A_610], %swap3A_613 {strides = array<i32>} : memref<200x128xf32, #tpu.memory_space<vmem>>, vector<1x16xf32>,
        %get3A_614 = arith.index_cast %add3A_541 : i32 to index
        %get3A_615 = arith.constant 96 : index
        %get3A_616 = tpu.vector_load %arg9[%get3A_614, %get3A_615] {strides = array<i32>} : memref<200x128xf32, #tpu.memory_space<vmem>>, vector<1x16xf32>,
        %get3A_617 = vector.shape_cast %get3A_616 : vector<1x16xf32> to vector<16xf32>
        %mul3A_618 = arith.constant 11.3137083 : f32
        %mul3A_619 = vector.broadcast %mul3A_618 : f32 to vector<16xf32>
        %mul3A_620 = arith.mulf %get3A_617, %mul3A_619 : vector<16xf32>
        %swap3A_621 = arith.index_cast %add3A_541 : i32 to index
        %swap3A_622 = arith.constant 96 : index
        %swap3A_623 = tpu.vector_load %arg9[%swap3A_621, %swap3A_622] {strides = array<i32>} : memref<200x128xf32, #tpu.memory_space<vmem>>, vector<1x16xf32>,
        %swap3A_624 = vector.shape_cast %swap3A_623 : vector<1x16xf32> to vector<16xf32>
        %swap3A_625 = vector.shape_cast %mul3A_620 : vector<16xf32> to vector<1x16xf32>
        tpu.vector_store %arg9[%swap3A_621, %swap3A_622], %swap3A_625 {strides = array<i32>} : memref<200x128xf32, #tpu.memory_space<vmem>>, vector<1x16xf32>,
        %get3A_626 = arith.index_cast %add3A_541 : i32 to index
        %get3A_627 = arith.constant 112 : index
        %get3A_628 = tpu.vector_load %arg9[%get3A_626, %get3A_627] {strides = array<i32>} : memref<200x128xf32, #tpu.memory_space<vmem>>, vector<1x16xf32>,
        %get3A_629 = vector.shape_cast %get3A_628 : vector<1x16xf32> to vector<16xf32>
        %mul3A_630 = arith.constant 11.3137083 : f32
        %mul3A_631 = vector.broadcast %mul3A_630 : f32 to vector<16xf32>
        %mul3A_632 = arith.mulf %get3A_629, %mul3A_631 : vector<16xf32>
        %swap3A_633 = arith.index_cast %add3A_541 : i32 to index
        %swap3A_634 = arith.constant 112 : index
        %swap3A_635 = tpu.vector_load %arg9[%swap3A_633, %swap3A_634] {strides = array<i32>} : memref<200x128xf32, #tpu.memory_space<vmem>>, vector<1x16xf32>,
        %swap3A_636 = vector.shape_cast %swap3A_635 : vector<1x16xf32> to vector<16xf32>
        %swap3A_637 = vector.shape_cast %mul3A_632 : vector<16xf32> to vector<1x16xf32>
        tpu.vector_store %arg9[%swap3A_633, %swap3A_634], %swap3A_637 {strides = array<i32>} : memref<200x128xf32, #tpu.memory_space<vmem>>, vector<1x16xf32>,
        %scan3A_638 = arith.constant 3 : i32
        %scan3A_639 = arith.addi %scan3A_335, %scan3A_638 : i32
        %mul3A_640 = arith.constant 1 : i32
        %mul3A_641 = arith.muli %scan3A_639, %mul3A_640 : i32
        %add3A_642 = arith.constant 0 : i32
        %add3A_643 = arith.addi %add3A_642, %mul3A_641 : i32
        %get3A_644 = arith.index_cast %add3A_643 : i32 to index
        %get3A_645 = arith.constant 0 : index
        %get3A_646 = tpu.vector_load %arg9[%get3A_644, %get3A_645] {strides = array<i32>} : memref<200x128xf32, #tpu.memory_space<vmem>>, vector<1x16xf32>,
        %get3A_647 = vector.shape_cast %get3A_646 : vector<1x16xf32> to vector<16xf32>
        %mul3A_648 = arith.constant 11.3137083 : f32
        %mul3A_649 = vector.broadcast %mul3A_648 : f32 to vector<16xf32>
        %mul3A_650 = arith.mulf %get3A_647, %mul3A_649 : vector<16xf32>
        %swap3A_651 = arith.index_cast %add3A_643 : i32 to index
        %swap3A_652 = arith.constant 0 : index
        %swap3A_653 = tpu.vector_load %arg9[%swap3A_651, %swap3A_652] {strides = array<i32>} : memref<200x128xf32, #tpu.memory_space<vmem>>, vector<1x16xf32>,
        %swap3A_654 = vector.shape_cast %swap3A_653 : vector<1x16xf32> to vector<16xf32>
        %swap3A_655 = vector.shape_cast %mul3A_650 : vector<16xf32> to vector<1x16xf32>
        tpu.vector_store %arg9[%swap3A_651, %swap3A_652], %swap3A_655 {strides = array<i32>} : memref<200x128xf32, #tpu.memory_space<vmem>>, vector<1x16xf32>,
        %get3A_656 = arith.index_cast %add3A_643 : i32 to index
        %get3A_657 = arith.constant 16 : index
        %get3A_658 = tpu.vector_load %arg9[%get3A_656, %get3A_657] {strides = array<i32>} : memref<200x128xf32, #tpu.memory_space<vmem>>, vector<1x16xf32>,
        %get3A_659 = vector.shape_cast %get3A_658 : vector<1x16xf32> to vector<16xf32>
        %mul3A_660 = arith.constant 11.3137083 : f32
        %mul3A_661 = vector.broadcast %mul3A_660 : f32 to vector<16xf32>
        %mul3A_662 = arith.mulf %get3A_659, %mul3A_661 : vector<16xf32>
        %swap3A_663 = arith.index_cast %add3A_643 : i32 to index
        %swap3A_664 = arith.constant 16 : index
        %swap3A_665 = tpu.vector_load %arg9[%swap3A_663, %swap3A_664] {strides = array<i32>} : memref<200x128xf32, #tpu.memory_space<vmem>>, vector<1x16xf32>,
        %swap3A_666 = vector.shape_cast %swap3A_665 : vector<1x16xf32> to vector<16xf32>
        %swap3A_667 = vector.shape_cast %mul3A_662 : vector<16xf32> to vector<1x16xf32>
        tpu.vector_store %arg9[%swap3A_663, %swap3A_664], %swap3A_667 {strides = array<i32>} : memref<200x128xf32, #tpu.memory_space<vmem>>, vector<1x16xf32>,
        %get3A_668 = arith.index_cast %add3A_643 : i32 to index
        %get3A_669 = arith.constant 32 : index
        %get3A_670 = tpu.vector_load %arg9[%get3A_668, %get3A_669] {strides = array<i32>} : memref<200x128xf32, #tpu.memory_space<vmem>>, vector<1x16xf32>,
        %get3A_671 = vector.shape_cast %get3A_670 : vector<1x16xf32> to vector<16xf32>
        %mul3A_672 = arith.constant 11.3137083 : f32
        %mul3A_673 = vector.broadcast %mul3A_672 : f32 to vector<16xf32>
        %mul3A_674 = arith.mulf %get3A_671, %mul3A_673 : vector<16xf32>
        %swap3A_675 = arith.index_cast %add3A_643 : i32 to index
        %swap3A_676 = arith.constant 32 : index
        %swap3A_677 = tpu.vector_load %arg9[%swap3A_675, %swap3A_676] {strides = array<i32>} : memref<200x128xf32, #tpu.memory_space<vmem>>, vector<1x16xf32>,
        %swap3A_678 = vector.shape_cast %swap3A_677 : vector<1x16xf32> to vector<16xf32>
        %swap3A_679 = vector.shape_cast %mul3A_674 : vector<16xf32> to vector<1x16xf32>
        tpu.vector_store %arg9[%swap3A_675, %swap3A_676], %swap3A_679 {strides = array<i32>} : memref<200x128xf32, #tpu.memory_space<vmem>>, vector<1x16xf32>,
        %get3A_680 = arith.index_cast %add3A_643 : i32 to index
        %get3A_681 = arith.constant 48 : index
        %get3A_682 = tpu.vector_load %arg9[%get3A_680, %get3A_681] {strides = array<i32>} : memref<200x128xf32, #tpu.memory_space<vmem>>, vector<1x16xf32>,
        %get3A_683 = vector.shape_cast %get3A_682 : vector<1x16xf32> to vector<16xf32>
        %mul3A_684 = arith.constant 11.3137083 : f32
        %mul3A_685 = vector.broadcast %mul3A_684 : f32 to vector<16xf32>
        %mul3A_686 = arith.mulf %get3A_683, %mul3A_685 : vector<16xf32>
        %swap3A_687 = arith.index_cast %add3A_643 : i32 to index
        %swap3A_688 = arith.constant 48 : index
        %swap3A_689 = tpu.vector_load %arg9[%swap3A_687, %swap3A_688] {strides = array<i32>} : memref<200x128xf32, #tpu.memory_space<vmem>>, vector<1x16xf32>,
        %swap3A_690 = vector.shape_cast %swap3A_689 : vector<1x16xf32> to vector<16xf32>
        %swap3A_691 = vector.shape_cast %mul3A_686 : vector<16xf32> to vector<1x16xf32>
        tpu.vector_store %arg9[%swap3A_687, %swap3A_688], %swap3A_691 {strides = array<i32>} : memref<200x128xf32, #tpu.memory_space<vmem>>, vector<1x16xf32>,
        %get3A_692 = arith.index_cast %add3A_643 : i32 to index
        %get3A_693 = arith.constant 64 : index
        %get3A_694 = tpu.vector_load %arg9[%get3A_692, %get3A_693] {strides = array<i32>} : memref<200x128xf32, #tpu.memory_space<vmem>>, vector<1x16xf32>,
        %get3A_695 = vector.shape_cast %get3A_694 : vector<1x16xf32> to vector<16xf32>
        %mul3A_696 = arith.constant 11.3137083 : f32
        %mul3A_697 = vector.broadcast %mul3A_696 : f32 to vector<16xf32>
        %mul3A_698 = arith.mulf %get3A_695, %mul3A_697 : vector<16xf32>
        %swap3A_699 = arith.index_cast %add3A_643 : i32 to index
        %swap3A_700 = arith.constant 64 : index
        %swap3A_701 = tpu.vector_load %arg9[%swap3A_699, %swap3A_700] {strides = array<i32>} : memref<200x128xf32, #tpu.memory_space<vmem>>, vector<1x16xf32>,
        %swap3A_702 = vector.shape_cast %swap3A_701 : vector<1x16xf32> to vector<16xf32>
        %swap3A_703 = vector.shape_cast %mul3A_698 : vector<16xf32> to vector<1x16xf32>
        tpu.vector_store %arg9[%swap3A_699, %swap3A_700], %swap3A_703 {strides = array<i32>} : memref<200x128xf32, #tpu.memory_space<vmem>>, vector<1x16xf32>,
        %get3A_704 = arith.index_cast %add3A_643 : i32 to index
        %get3A_705 = arith.constant 80 : index
        %get3A_706 = tpu.vector_load %arg9[%get3A_704, %get3A_705] {strides = array<i32>} : memref<200x128xf32, #tpu.memory_space<vmem>>, vector<1x16xf32>,
        %get3A_707 = vector.shape_cast %get3A_706 : vector<1x16xf32> to vector<16xf32>
        %mul3A_708 = arith.constant 11.3137083 : f32
        %mul3A_709 = vector.broadcast %mul3A_708 : f32 to vector<16xf32>
        %mul3A_710 = arith.mulf %get3A_707, %mul3A_709 : vector<16xf32>
        %swap3A_711 = arith.index_cast %add3A_643 : i32 to index
        %swap3A_712 = arith.constant 80 : index
        %swap3A_713 = tpu.vector_load %arg9[%swap3A_711, %swap3A_712] {strides = array<i32>} : memref<200x128xf32, #tpu.memory_space<vmem>>, vector<1x16xf32>,
        %swap3A_714 = vector.shape_cast %swap3A_713 : vector<1x16xf32> to vector<16xf32>
        %swap3A_715 = vector.shape_cast %mul3A_710 : vector<16xf32> to vector<1x16xf32>
        tpu.vector_store %arg9[%swap3A_711, %swap3A_712], %swap3A_715 {strides = array<i32>} : memref<200x128xf32, #tpu.memory_space<vmem>>, vector<1x16xf32>,
        %get3A_716 = arith.index_cast %add3A_643 : i32 to index
        %get3A_717 = arith.constant 96 : index
        %get3A_718 = tpu.vector_load %arg9[%get3A_716, %get3A_717] {strides = array<i32>} : memref<200x128xf32, #tpu.memory_space<vmem>>, vector<1x16xf32>,
        %get3A_719 = vector.shape_cast %get3A_718 : vector<1x16xf32> to vector<16xf32>
        %mul3A_720 = arith.constant 11.3137083 : f32
        %mul3A_721 = vector.broadcast %mul3A_720 : f32 to vector<16xf32>
        %mul3A_722 = arith.mulf %get3A_719, %mul3A_721 : vector<16xf32>
        %swap3A_723 = arith.index_cast %add3A_643 : i32 to index
        %swap3A_724 = arith.constant 96 : index
        %swap3A_725 = tpu.vector_load %arg9[%swap3A_723, %swap3A_724] {strides = array<i32>} : memref<200x128xf32, #tpu.memory_space<vmem>>, vector<1x16xf32>,
        %swap3A_726 = vector.shape_cast %swap3A_725 : vector<1x16xf32> to vector<16xf32>
        %swap3A_727 = vector.shape_cast %mul3A_722 : vector<16xf32> to vector<1x16xf32>
        tpu.vector_store %arg9[%swap3A_723, %swap3A_724], %swap3A_727 {strides = array<i32>} : memref<200x128xf32, #tpu.memory_space<vmem>>, vector<1x16xf32>,
        %get3A_728 = arith.index_cast %add3A_643 : i32 to index
        %get3A_729 = arith.constant 112 : index
        %get3A_730 = tpu.vector_load %arg9[%get3A_728, %get3A_729] {strides = array<i32>} : memref<200x128xf32, #tpu.memory_space<vmem>>, vector<1x16xf32>,
        %get3A_731 = vector.shape_cast %get3A_730 : vector<1x16xf32> to vector<16xf32>
        %mul3A_732 = arith.constant 11.3137083 : f32
        %mul3A_733 = vector.broadcast %mul3A_732 : f32 to vector<16xf32>
        %mul3A_734 = arith.mulf %get3A_731, %mul3A_733 : vector<16xf32>
        %swap3A_735 = arith.index_cast %add3A_643 : i32 to index
        %swap3A_736 = arith.constant 112 : index
        %swap3A_737 = tpu.vector_load %arg9[%swap3A_735, %swap3A_736] {strides = array<i32>} : memref<200x128xf32, #tpu.memory_space<vmem>>, vector<1x16xf32>,
        %swap3A_738 = vector.shape_cast %swap3A_737 : vector<1x16xf32> to vector<16xf32>
        %swap3A_739 = vector.shape_cast %mul3A_734 : vector<16xf32> to vector<1x16xf32>
        tpu.vector_store %arg9[%swap3A_735, %swap3A_736], %swap3A_739 {strides = array<i32>} : memref<200x128xf32, #tpu.memory_space<vmem>>, vector<1x16xf32>,
      }
      %scan3A_180 = arith.constant 200 : i32
      %add3A_181 = arith.addi %mul3A_2, %add3A_155 : i32
      %dma_start3A_182 = arith.constant 0 : i32
      %dma_start3A_183 = arith.constant 0 : i32
      %dma_start3A_184 = tpu.memref_slice %arg4[%add3A_181, %dma_start3A_182, %dma_start3A_183] : memref<1024x200x128xf32, #tpu.memory_space<hbm>> -> memref<1x200x128xf32, #tpu.memory_space<hbm>>
      %dma_start3A_185 = tpu.memref_squeeze %dma_start3A_184 : memref<1x200x128xf32, #tpu.memory_space<hbm>> -> memref<200x128xf32, #tpu.memory_space<hbm>>
      %dma_start3A_186 = arith.constant 0 : i32
      %dma_start3A_187 = arith.constant 0 : i32
      %dma_start3A_188 = tpu.memref_slice %arg4[%add3A_181, %dma_start3A_186, %dma_start3A_187] : memref<1024x200x128xf32, #tpu.memory_space<hbm>> -> memref<1x200x128xf32, #tpu.memory_space<hbm>>
      %dma_start3A_189 = tpu.memref_squeeze %dma_start3A_188 : memref<1x200x128xf32, #tpu.memory_space<hbm>> -> memref<200x128xf32, #tpu.memory_space<hbm>>
      tpu.enqueue_dma source(%arg9 : memref<200x128xf32, #tpu.memory_space<vmem>>) target(%dma_start3A_189 : memref<200x128xf32, #tpu.memory_space<hbm>>) target_semaphore(%arg21 : memref<!tpu.dma_semaphore, #tpu.memory_space<semaphore_mem>>)
      %add3A_190 = arith.constant 3 : i32
      %add3A_191 = arith.addi %add3A_155, %add3A_190 : i32
      %lt3A_192 = arith.constant 32 : i32
      %lt3A_193 = arith.cmpi slt, %add3A_191, %lt3A_192 : i32
      %convert_element_type3A_194 = arith.extui %lt3A_193 : i1 to i32
      %cond3A_195 = arith.constant 0 : i32
      %cond3A_196 = arith.cmpi ne, %convert_element_type3A_194, %cond3A_195 : i32
      scf.if %cond3A_196 {
        %ge3A = arith.constant 4 : i32
        %ge3A_335 = arith.cmpi sge, %add3A_191, %ge3A : i32
        %convert_element_type3A_336 = arith.extui %ge3A_335 : i1 to i32
        %cond3A_337 = arith.constant 0 : i32
        %cond3A_338 = arith.cmpi ne, %convert_element_type3A_336, %cond3A_337 : i32
        scf.if %cond3A_338 {
          %sub3A = arith.constant 4 : i32
          %sub3A_362 = arith.subi %add3A_191, %sub3A : i32
          %add3A_363 = arith.addi %mul3A_2, %sub3A_362 : i32
          %dma_wait3A_364 = arith.constant 0 : i32
          %dma_wait3A_365 = arith.constant 0 : i32
          %dma_wait3A_366 = tpu.memref_slice %arg4[%add3A_363, %dma_wait3A_364, %dma_wait3A_365] : memref<1024x200x128xf32, #tpu.memory_space<hbm>> -> memref<1x200x128xf32, #tpu.memory_space<hbm>>
          %dma_wait3A_367 = tpu.memref_squeeze %dma_wait3A_366 : memref<1x200x128xf32, #tpu.memory_space<hbm>> -> memref<200x128xf32, #tpu.memory_space<hbm>>
          %dma_wait3A_368 = arith.constant 0 : i32
          %dma_wait3A_369 = arith.constant 0 : i32
          %dma_wait3A_370 = tpu.memref_slice %arg4[%add3A_363, %dma_wait3A_368, %dma_wait3A_369] : memref<1024x200x128xf32, #tpu.memory_space<hbm>> -> memref<1x200x128xf32, #tpu.memory_space<hbm>>
          %dma_wait3A_371 = tpu.memref_squeeze %dma_wait3A_370 : memref<1x200x128xf32, #tpu.memory_space<hbm>> -> memref<200x128xf32, #tpu.memory_space<hbm>>
          tpu.wait_dma2 semaphore(%arg24 : memref<!tpu.dma_semaphore, #tpu.memory_space<semaphore_mem>>) src(%arg12 : memref<200x128xf32, #tpu.memory_space<vmem>>) dst(%dma_wait3A_371 : memref<200x128xf32, #tpu.memory_space<hbm>>)
        } else {
        }
        %add3A_339 = arith.addi %mul3A_2, %add3A_191 : i32
        %dma_wait3A_340 = arith.constant 0 : i32
        %dma_wait3A_341 = tpu.memref_slice %arg2[%add3A_339, %dma_wait3A_340] : memref<1024x200xi32, #tpu.memory_space<hbm>> -> memref<1x200xi32, #tpu.memory_space<hbm>>
        %dma_wait3A_342 = tpu.memref_squeeze %dma_wait3A_341 : memref<1x200xi32, #tpu.memory_space<hbm>> -> memref<200xi32, #tpu.memory_space<hbm>>
        %dma_wait3A_343 = arith.constant 0 : i32
        %dma_wait3A_344 = tpu.memref_slice %arg2[%add3A_339, %dma_wait3A_343] : memref<1024x200xi32, #tpu.memory_space<hbm>> -> memref<1x200xi32, #tpu.memory_space<hbm>>
        %dma_wait3A_345 = tpu.memref_squeeze %dma_wait3A_344 : memref<1x200xi32, #tpu.memory_space<hbm>> -> memref<200xi32, #tpu.memory_space<hbm>>
        tpu.wait_dma2 semaphore(%arg16 : memref<!tpu.dma_semaphore, #tpu.memory_space<semaphore_mem>>) src(%dma_wait3A_345 : memref<200xi32, #tpu.memory_space<hbm>>) dst(%arg8 : memref<200xi32, #tpu.memory_space<vmem>>)
        %dma_start3A_346 = arith.constant 0 : i32
        %dma_start3A_347 = arith.constant 0 : i32
        %dma_start3A_348 = tpu.memref_slice %arg12[%dma_start3A_346, %dma_start3A_347] : memref<200x128xf32, #tpu.memory_space<vmem>> -> memref<128x128xf32, #tpu.memory_space<vmem>>
        %dma_start3A_349 = arith.constant 0 : i32
        %dma_start3A_350 = tpu.memref_slice %arg8[%dma_start3A_349] : memref<200xi32, #tpu.memory_space<vmem>> -> memref<128xi32, #tpu.memory_space<vmem>>
        %dma_start3A_351 = arith.constant 0 : i32
        %dma_start3A_352 = arith.constant 0 : i32
        %dma_start3A_353 = tpu.memref_slice %arg3[%dma_start3A_351, %dma_start3A_352] : memref<1000000x128xf32, #tpu.memory_space<hbm>> -> memref<1000000x128xf32, #tpu.memory_space<hbm>>
        tpu.enqueue_indirect_dma source(%dma_start3A_353 : memref<1000000x128xf32, #tpu.memory_space<hbm>>) target(%dma_start3A_348 : memref<128x128xf32, #tpu.memory_space<vmem>>) offsets(%dma_start3A_350 : memref<128xi32, #tpu.memory_space<vmem>>) semaphore(%arg20 : memref<!tpu.dma_semaphore, #tpu.memory_space<semaphore_mem>>)
        %dma_start3A_354 = arith.constant 128 : i32
        %dma_start3A_355 = arith.constant 0 : i32
        %dma_start3A_356 = tpu.memref_slice %arg12[%dma_start3A_354, %dma_start3A_355] : memref<200x128xf32, #tpu.memory_space<vmem>> -> memref<72x128xf32, #tpu.memory_space<vmem>>
        %dma_start3A_357 = arith.constant 128 : i32
        %dma_start3A_358 = tpu.memref_slice %arg8[%dma_start3A_357] : memref<200xi32, #tpu.memory_space<vmem>> -> memref<72xi32, #tpu.memory_space<vmem>>
        %dma_start3A_359 = arith.constant 0 : i32
        %dma_start3A_360 = arith.constant 0 : i32
        %dma_start3A_361 = tpu.memref_slice %arg3[%dma_start3A_359, %dma_start3A_360] : memref<1000000x128xf32, #tpu.memory_space<hbm>> -> memref<1000000x128xf32, #tpu.memory_space<hbm>>
        tpu.enqueue_indirect_dma source(%dma_start3A_361 : memref<1000000x128xf32, #tpu.memory_space<hbm>>) target(%dma_start3A_356 : memref<72x128xf32, #tpu.memory_space<vmem>>) offsets(%dma_start3A_358 : memref<72xi32, #tpu.memory_space<vmem>>) semaphore(%arg20 : memref<!tpu.dma_semaphore, #tpu.memory_space<semaphore_mem>>)
      } else {
      }
      %add3A_197 = arith.constant 1 : i32
      %add3A_198 = arith.addi %add3A_153, %add3A_197 : i32
      %dma_wait3A_199 = arith.constant 0 : i32
      %dma_wait3A_200 = arith.constant 0 : i32
      %dma_wait3A_201 = tpu.memref_slice %arg10[%dma_wait3A_199, %dma_wait3A_200] : memref<200x128xf32, #tpu.memory_space<vmem>> -> memref<128x128xf32, #tpu.memory_space<vmem>>
      %dma_wait3A_202 = arith.constant 0 : i32
      %dma_wait3A_203 = tpu.memref_slice %arg6[%dma_wait3A_202] : memref<200xi32, #tpu.memory_space<vmem>> -> memref<128xi32, #tpu.memory_space<vmem>>
      %dma_wait3A_204 = arith.constant 0 : i32
      %dma_wait3A_205 = arith.constant 0 : i32
      %dma_wait3A_206 = tpu.memref_slice %arg3[%dma_wait3A_204, %dma_wait3A_205] : memref<1000000x128xf32, #tpu.memory_space<hbm>> -> memref<1000000x128xf32, #tpu.memory_space<hbm>>
      tpu.wait_indirect_dma semaphore(%arg18 : memref<!tpu.dma_semaphore, #tpu.memory_space<semaphore_mem>>) src(%dma_wait3A_206 : memref<1000000x128xf32, #tpu.memory_space<hbm>>) dst(%dma_wait3A_201 : memref<128x128xf32, #tpu.memory_space<vmem>>)
      %dma_wait3A_207 = arith.constant 128 : i32
      %dma_wait3A_208 = arith.constant 0 : i32
      %dma_wait3A_209 = tpu.memref_slice %arg10[%dma_wait3A_207, %dma_wait3A_208] : memref<200x128xf32, #tpu.memory_space<vmem>> -> memref<72x128xf32, #tpu.memory_space<vmem>>
      %dma_wait3A_210 = arith.constant 128 : i32
      %dma_wait3A_211 = tpu.memref_slice %arg6[%dma_wait3A_210] : memref<200xi32, #tpu.memory_space<vmem>> -> memref<72xi32, #tpu.memory_space<vmem>>
      %dma_wait3A_212 = arith.constant 0 : i32
      %dma_wait3A_213 = arith.constant 0 : i32
      %dma_wait3A_214 = tpu.memref_slice %arg3[%dma_wait3A_212, %dma_wait3A_213] : memref<1000000x128xf32, #tpu.memory_space<hbm>> -> memref<1000000x128xf32, #tpu.memory_space<hbm>>
      tpu.wait_indirect_dma semaphore(%arg18 : memref<!tpu.dma_semaphore, #tpu.memory_space<semaphore_mem>>) src(%dma_wait3A_214 : memref<1000000x128xf32, #tpu.memory_space<hbm>>) dst(%dma_wait3A_209 : memref<72x128xf32, #tpu.memory_space<vmem>>)
      %add3A_215 = arith.constant 4 : i32
      %add3A_216 = arith.addi %add3A_198, %add3A_215 : i32
      %lt3A_217 = arith.constant 32 : i32
      %lt3A_218 = arith.cmpi slt, %add3A_216, %lt3A_217 : i32
      %convert_element_type3A_219 = arith.extui %lt3A_218 : i1 to i32
      %cond3A_220 = arith.constant 0 : i32
      %cond3A_221 = arith.cmpi ne, %convert_element_type3A_219, %cond3A_220 : i32
      scf.if %cond3A_221 {
        %add3A_335 = arith.addi %mul3A_2, %add3A_216 : i32
        %dma_start3A_336 = arith.constant 0 : i32
        %dma_start3A_337 = tpu.memref_slice %arg2[%add3A_335, %dma_start3A_336] : memref<1024x200xi32, #tpu.memory_space<hbm>> -> memref<1x200xi32, #tpu.memory_space<hbm>>
        %dma_start3A_338 = tpu.memref_squeeze %dma_start3A_337 : memref<1x200xi32, #tpu.memory_space<hbm>> -> memref<200xi32, #tpu.memory_space<hbm>>
        %dma_start3A_339 = arith.constant 0 : i32
        %dma_start3A_340 = tpu.memref_slice %arg2[%add3A_335, %dma_start3A_339] : memref<1024x200xi32, #tpu.memory_space<hbm>> -> memref<1x200xi32, #tpu.memory_space<hbm>>
        %dma_start3A_341 = tpu.memref_squeeze %dma_start3A_340 : memref<1x200xi32, #tpu.memory_space<hbm>> -> memref<200xi32, #tpu.memory_space<hbm>>
        tpu.enqueue_dma source(%dma_start3A_341 : memref<200xi32, #tpu.memory_space<hbm>>) target(%arg6 : memref<200xi32, #tpu.memory_space<vmem>>) target_semaphore(%arg14 : memref<!tpu.dma_semaphore, #tpu.memory_space<semaphore_mem>>)
      } else {
      }
      %scan3A_222 = arith.constant 0 : i32
      %scan3A_223 = arith.constant 200 : i32
      %scan3A_224 = arith.addi %scan3A_222, %scan3A_223 : i32
      %scan3A_225 = arith.constant 4 : i32
      scf.for %scan3A_335 = %scan3A_222 to %scan3A_224 step %scan3A_225  : i32 {
        %mul3A_336 = arith.constant 1 : i32
        %mul3A_337 = arith.muli %scan3A_335, %mul3A_336 : i32
        %add3A_338 = arith.constant 0 : i32
        %add3A_339 = arith.addi %add3A_338, %mul3A_337 : i32
        %get3A = arith.index_cast %add3A_339 : i32 to index
        %get3A_340 = arith.constant 0 : index
        %get3A_341 = tpu.vector_load %arg10[%get3A, %get3A_340] {strides = array<i32>} : memref<200x128xf32, #tpu.memory_space<vmem>>, vector<1x16xf32>,
        %get3A_342 = vector.shape_cast %get3A_341 : vector<1x16xf32> to vector<16xf32>
        %mul3A_343 = arith.constant 11.3137083 : f32
        %mul3A_344 = vector.broadcast %mul3A_343 : f32 to vector<16xf32>
        %mul3A_345 = arith.mulf %get3A_342, %mul3A_344 : vector<16xf32>
        %swap3A = arith.index_cast %add3A_339 : i32 to index
        %swap3A_346 = arith.constant 0 : index
        %swap3A_347 = tpu.vector_load %arg10[%swap3A, %swap3A_346] {strides = array<i32>} : memref<200x128xf32, #tpu.memory_space<vmem>>, vector<1x16xf32>,
        %swap3A_348 = vector.shape_cast %swap3A_347 : vector<1x16xf32> to vector<16xf32>
        %swap3A_349 = vector.shape_cast %mul3A_345 : vector<16xf32> to vector<1x16xf32>
        tpu.vector_store %arg10[%swap3A, %swap3A_346], %swap3A_349 {strides = array<i32>} : memref<200x128xf32, #tpu.memory_space<vmem>>, vector<1x16xf32>,
        %get3A_350 = arith.index_cast %add3A_339 : i32 to index
        %get3A_351 = arith.constant 16 : index
        %get3A_352 = tpu.vector_load %arg10[%get3A_350, %get3A_351] {strides = array<i32>} : memref<200x128xf32, #tpu.memory_space<vmem>>, vector<1x16xf32>,
        %get3A_353 = vector.shape_cast %get3A_352 : vector<1x16xf32> to vector<16xf32>
        %mul3A_354 = arith.constant 11.3137083 : f32
        %mul3A_355 = vector.broadcast %mul3A_354 : f32 to vector<16xf32>
        %mul3A_356 = arith.mulf %get3A_353, %mul3A_355 : vector<16xf32>
        %swap3A_357 = arith.index_cast %add3A_339 : i32 to index
        %swap3A_358 = arith.constant 16 : index
        %swap3A_359 = tpu.vector_load %arg10[%swap3A_357, %swap3A_358] {strides = array<i32>} : memref<200x128xf32, #tpu.memory_space<vmem>>, vector<1x16xf32>,
        %swap3A_360 = vector.shape_cast %swap3A_359 : vector<1x16xf32> to vector<16xf32>
        %swap3A_361 = vector.shape_cast %mul3A_356 : vector<16xf32> to vector<1x16xf32>
        tpu.vector_store %arg10[%swap3A_357, %swap3A_358], %swap3A_361 {strides = array<i32>} : memref<200x128xf32, #tpu.memory_space<vmem>>, vector<1x16xf32>,
        %get3A_362 = arith.index_cast %add3A_339 : i32 to index
        %get3A_363 = arith.constant 32 : index
        %get3A_364 = tpu.vector_load %arg10[%get3A_362, %get3A_363] {strides = array<i32>} : memref<200x128xf32, #tpu.memory_space<vmem>>, vector<1x16xf32>,
        %get3A_365 = vector.shape_cast %get3A_364 : vector<1x16xf32> to vector<16xf32>
        %mul3A_366 = arith.constant 11.3137083 : f32
        %mul3A_367 = vector.broadcast %mul3A_366 : f32 to vector<16xf32>
        %mul3A_368 = arith.mulf %get3A_365, %mul3A_367 : vector<16xf32>
        %swap3A_369 = arith.index_cast %add3A_339 : i32 to index
        %swap3A_370 = arith.constant 32 : index
        %swap3A_371 = tpu.vector_load %arg10[%swap3A_369, %swap3A_370] {strides = array<i32>} : memref<200x128xf32, #tpu.memory_space<vmem>>, vector<1x16xf32>,
        %swap3A_372 = vector.shape_cast %swap3A_371 : vector<1x16xf32> to vector<16xf32>
        %swap3A_373 = vector.shape_cast %mul3A_368 : vector<16xf32> to vector<1x16xf32>
        tpu.vector_store %arg10[%swap3A_369, %swap3A_370], %swap3A_373 {strides = array<i32>} : memref<200x128xf32, #tpu.memory_space<vmem>>, vector<1x16xf32>,
        %get3A_374 = arith.index_cast %add3A_339 : i32 to index
        %get3A_375 = arith.constant 48 : index
        %get3A_376 = tpu.vector_load %arg10[%get3A_374, %get3A_375] {strides = array<i32>} : memref<200x128xf32, #tpu.memory_space<vmem>>, vector<1x16xf32>,
        %get3A_377 = vector.shape_cast %get3A_376 : vector<1x16xf32> to vector<16xf32>
        %mul3A_378 = arith.constant 11.3137083 : f32
        %mul3A_379 = vector.broadcast %mul3A_378 : f32 to vector<16xf32>
        %mul3A_380 = arith.mulf %get3A_377, %mul3A_379 : vector<16xf32>
        %swap3A_381 = arith.index_cast %add3A_339 : i32 to index
        %swap3A_382 = arith.constant 48 : index
        %swap3A_383 = tpu.vector_load %arg10[%swap3A_381, %swap3A_382] {strides = array<i32>} : memref<200x128xf32, #tpu.memory_space<vmem>>, vector<1x16xf32>,
        %swap3A_384 = vector.shape_cast %swap3A_383 : vector<1x16xf32> to vector<16xf32>
        %swap3A_385 = vector.shape_cast %mul3A_380 : vector<16xf32> to vector<1x16xf32>
        tpu.vector_store %arg10[%swap3A_381, %swap3A_382], %swap3A_385 {strides = array<i32>} : memref<200x128xf32, #tpu.memory_space<vmem>>, vector<1x16xf32>,
        %get3A_386 = arith.index_cast %add3A_339 : i32 to index
        %get3A_387 = arith.constant 64 : index
        %get3A_388 = tpu.vector_load %arg10[%get3A_386, %get3A_387] {strides = array<i32>} : memref<200x128xf32, #tpu.memory_space<vmem>>, vector<1x16xf32>,
        %get3A_389 = vector.shape_cast %get3A_388 : vector<1x16xf32> to vector<16xf32>
        %mul3A_390 = arith.constant 11.3137083 : f32
        %mul3A_391 = vector.broadcast %mul3A_390 : f32 to vector<16xf32>
        %mul3A_392 = arith.mulf %get3A_389, %mul3A_391 : vector<16xf32>
        %swap3A_393 = arith.index_cast %add3A_339 : i32 to index
        %swap3A_394 = arith.constant 64 : index
        %swap3A_395 = tpu.vector_load %arg10[%swap3A_393, %swap3A_394] {strides = array<i32>} : memref<200x128xf32, #tpu.memory_space<vmem>>, vector<1x16xf32>,
        %swap3A_396 = vector.shape_cast %swap3A_395 : vector<1x16xf32> to vector<16xf32>
        %swap3A_397 = vector.shape_cast %mul3A_392 : vector<16xf32> to vector<1x16xf32>
        tpu.vector_store %arg10[%swap3A_393, %swap3A_394], %swap3A_397 {strides = array<i32>} : memref<200x128xf32, #tpu.memory_space<vmem>>, vector<1x16xf32>,
        %get3A_398 = arith.index_cast %add3A_339 : i32 to index
        %get3A_399 = arith.constant 80 : index
        %get3A_400 = tpu.vector_load %arg10[%get3A_398, %get3A_399] {strides = array<i32>} : memref<200x128xf32, #tpu.memory_space<vmem>>, vector<1x16xf32>,
        %get3A_401 = vector.shape_cast %get3A_400 : vector<1x16xf32> to vector<16xf32>
        %mul3A_402 = arith.constant 11.3137083 : f32
        %mul3A_403 = vector.broadcast %mul3A_402 : f32 to vector<16xf32>
        %mul3A_404 = arith.mulf %get3A_401, %mul3A_403 : vector<16xf32>
        %swap3A_405 = arith.index_cast %add3A_339 : i32 to index
        %swap3A_406 = arith.constant 80 : index
        %swap3A_407 = tpu.vector_load %arg10[%swap3A_405, %swap3A_406] {strides = array<i32>} : memref<200x128xf32, #tpu.memory_space<vmem>>, vector<1x16xf32>,
        %swap3A_408 = vector.shape_cast %swap3A_407 : vector<1x16xf32> to vector<16xf32>
        %swap3A_409 = vector.shape_cast %mul3A_404 : vector<16xf32> to vector<1x16xf32>
        tpu.vector_store %arg10[%swap3A_405, %swap3A_406], %swap3A_409 {strides = array<i32>} : memref<200x128xf32, #tpu.memory_space<vmem>>, vector<1x16xf32>,
        %get3A_410 = arith.index_cast %add3A_339 : i32 to index
        %get3A_411 = arith.constant 96 : index
        %get3A_412 = tpu.vector_load %arg10[%get3A_410, %get3A_411] {strides = array<i32>} : memref<200x128xf32, #tpu.memory_space<vmem>>, vector<1x16xf32>,
        %get3A_413 = vector.shape_cast %get3A_412 : vector<1x16xf32> to vector<16xf32>
        %mul3A_414 = arith.constant 11.3137083 : f32
        %mul3A_415 = vector.broadcast %mul3A_414 : f32 to vector<16xf32>
        %mul3A_416 = arith.mulf %get3A_413, %mul3A_415 : vector<16xf32>
        %swap3A_417 = arith.index_cast %add3A_339 : i32 to index
        %swap3A_418 = arith.constant 96 : index
        %swap3A_419 = tpu.vector_load %arg10[%swap3A_417, %swap3A_418] {strides = array<i32>} : memref<200x128xf32, #tpu.memory_space<vmem>>, vector<1x16xf32>,
        %swap3A_420 = vector.shape_cast %swap3A_419 : vector<1x16xf32> to vector<16xf32>
        %swap3A_421 = vector.shape_cast %mul3A_416 : vector<16xf32> to vector<1x16xf32>
        tpu.vector_store %arg10[%swap3A_417, %swap3A_418], %swap3A_421 {strides = array<i32>} : memref<200x128xf32, #tpu.memory_space<vmem>>, vector<1x16xf32>,
        %get3A_422 = arith.index_cast %add3A_339 : i32 to index
        %get3A_423 = arith.constant 112 : index
        %get3A_424 = tpu.vector_load %arg10[%get3A_422, %get3A_423] {strides = array<i32>} : memref<200x128xf32, #tpu.memory_space<vmem>>, vector<1x16xf32>,
        %get3A_425 = vector.shape_cast %get3A_424 : vector<1x16xf32> to vector<16xf32>
        %mul3A_426 = arith.constant 11.3137083 : f32
        %mul3A_427 = vector.broadcast %mul3A_426 : f32 to vector<16xf32>
        %mul3A_428 = arith.mulf %get3A_425, %mul3A_427 : vector<16xf32>
        %swap3A_429 = arith.index_cast %add3A_339 : i32 to index
        %swap3A_430 = arith.constant 112 : index
        %swap3A_431 = tpu.vector_load %arg10[%swap3A_429, %swap3A_430] {strides = array<i32>} : memref<200x128xf32, #tpu.memory_space<vmem>>, vector<1x16xf32>,
        %swap3A_432 = vector.shape_cast %swap3A_431 : vector<1x16xf32> to vector<16xf32>
        %swap3A_433 = vector.shape_cast %mul3A_428 : vector<16xf32> to vector<1x16xf32>
        tpu.vector_store %arg10[%swap3A_429, %swap3A_430], %swap3A_433 {strides = array<i32>} : memref<200x128xf32, #tpu.memory_space<vmem>>, vector<1x16xf32>,
        %scan3A_434 = arith.constant 1 : i32
        %scan3A_435 = arith.addi %scan3A_335, %scan3A_434 : i32
        %mul3A_436 = arith.constant 1 : i32
        %mul3A_437 = arith.muli %scan3A_435, %mul3A_436 : i32
        %add3A_438 = arith.constant 0 : i32
        %add3A_439 = arith.addi %add3A_438, %mul3A_437 : i32
        %get3A_440 = arith.index_cast %add3A_439 : i32 to index
        %get3A_441 = arith.constant 0 : index
        %get3A_442 = tpu.vector_load %arg10[%get3A_440, %get3A_441] {strides = array<i32>} : memref<200x128xf32, #tpu.memory_space<vmem>>, vector<1x16xf32>,
        %get3A_443 = vector.shape_cast %get3A_442 : vector<1x16xf32> to vector<16xf32>
        %mul3A_444 = arith.constant 11.3137083 : f32
        %mul3A_445 = vector.broadcast %mul3A_444 : f32 to vector<16xf32>
        %mul3A_446 = arith.mulf %get3A_443, %mul3A_445 : vector<16xf32>
        %swap3A_447 = arith.index_cast %add3A_439 : i32 to index
        %swap3A_448 = arith.constant 0 : index
        %swap3A_449 = tpu.vector_load %arg10[%swap3A_447, %swap3A_448] {strides = array<i32>} : memref<200x128xf32, #tpu.memory_space<vmem>>, vector<1x16xf32>,
        %swap3A_450 = vector.shape_cast %swap3A_449 : vector<1x16xf32> to vector<16xf32>
        %swap3A_451 = vector.shape_cast %mul3A_446 : vector<16xf32> to vector<1x16xf32>
        tpu.vector_store %arg10[%swap3A_447, %swap3A_448], %swap3A_451 {strides = array<i32>} : memref<200x128xf32, #tpu.memory_space<vmem>>, vector<1x16xf32>,
        %get3A_452 = arith.index_cast %add3A_439 : i32 to index
        %get3A_453 = arith.constant 16 : index
        %get3A_454 = tpu.vector_load %arg10[%get3A_452, %get3A_453] {strides = array<i32>} : memref<200x128xf32, #tpu.memory_space<vmem>>, vector<1x16xf32>,
        %get3A_455 = vector.shape_cast %get3A_454 : vector<1x16xf32> to vector<16xf32>
        %mul3A_456 = arith.constant 11.3137083 : f32
        %mul3A_457 = vector.broadcast %mul3A_456 : f32 to vector<16xf32>
        %mul3A_458 = arith.mulf %get3A_455, %mul3A_457 : vector<16xf32>
        %swap3A_459 = arith.index_cast %add3A_439 : i32 to index
        %swap3A_460 = arith.constant 16 : index
        %swap3A_461 = tpu.vector_load %arg10[%swap3A_459, %swap3A_460] {strides = array<i32>} : memref<200x128xf32, #tpu.memory_space<vmem>>, vector<1x16xf32>,
        %swap3A_462 = vector.shape_cast %swap3A_461 : vector<1x16xf32> to vector<16xf32>
        %swap3A_463 = vector.shape_cast %mul3A_458 : vector<16xf32> to vector<1x16xf32>
        tpu.vector_store %arg10[%swap3A_459, %swap3A_460], %swap3A_463 {strides = array<i32>} : memref<200x128xf32, #tpu.memory_space<vmem>>, vector<1x16xf32>,
        %get3A_464 = arith.index_cast %add3A_439 : i32 to index
        %get3A_465 = arith.constant 32 : index
        %get3A_466 = tpu.vector_load %arg10[%get3A_464, %get3A_465] {strides = array<i32>} : memref<200x128xf32, #tpu.memory_space<vmem>>, vector<1x16xf32>,
        %get3A_467 = vector.shape_cast %get3A_466 : vector<1x16xf32> to vector<16xf32>
        %mul3A_468 = arith.constant 11.3137083 : f32
        %mul3A_469 = vector.broadcast %mul3A_468 : f32 to vector<16xf32>
        %mul3A_470 = arith.mulf %get3A_467, %mul3A_469 : vector<16xf32>
        %swap3A_471 = arith.index_cast %add3A_439 : i32 to index
        %swap3A_472 = arith.constant 32 : index
        %swap3A_473 = tpu.vector_load %arg10[%swap3A_471, %swap3A_472] {strides = array<i32>} : memref<200x128xf32, #tpu.memory_space<vmem>>, vector<1x16xf32>,
        %swap3A_474 = vector.shape_cast %swap3A_473 : vector<1x16xf32> to vector<16xf32>
        %swap3A_475 = vector.shape_cast %mul3A_470 : vector<16xf32> to vector<1x16xf32>
        tpu.vector_store %arg10[%swap3A_471, %swap3A_472], %swap3A_475 {strides = array<i32>} : memref<200x128xf32, #tpu.memory_space<vmem>>, vector<1x16xf32>,
        %get3A_476 = arith.index_cast %add3A_439 : i32 to index
        %get3A_477 = arith.constant 48 : index
        %get3A_478 = tpu.vector_load %arg10[%get3A_476, %get3A_477] {strides = array<i32>} : memref<200x128xf32, #tpu.memory_space<vmem>>, vector<1x16xf32>,
        %get3A_479 = vector.shape_cast %get3A_478 : vector<1x16xf32> to vector<16xf32>
        %mul3A_480 = arith.constant 11.3137083 : f32
        %mul3A_481 = vector.broadcast %mul3A_480 : f32 to vector<16xf32>
        %mul3A_482 = arith.mulf %get3A_479, %mul3A_481 : vector<16xf32>
        %swap3A_483 = arith.index_cast %add3A_439 : i32 to index
        %swap3A_484 = arith.constant 48 : index
        %swap3A_485 = tpu.vector_load %arg10[%swap3A_483, %swap3A_484] {strides = array<i32>} : memref<200x128xf32, #tpu.memory_space<vmem>>, vector<1x16xf32>,
        %swap3A_486 = vector.shape_cast %swap3A_485 : vector<1x16xf32> to vector<16xf32>
        %swap3A_487 = vector.shape_cast %mul3A_482 : vector<16xf32> to vector<1x16xf32>
        tpu.vector_store %arg10[%swap3A_483, %swap3A_484], %swap3A_487 {strides = array<i32>} : memref<200x128xf32, #tpu.memory_space<vmem>>, vector<1x16xf32>,
        %get3A_488 = arith.index_cast %add3A_439 : i32 to index
        %get3A_489 = arith.constant 64 : index
        %get3A_490 = tpu.vector_load %arg10[%get3A_488, %get3A_489] {strides = array<i32>} : memref<200x128xf32, #tpu.memory_space<vmem>>, vector<1x16xf32>,
        %get3A_491 = vector.shape_cast %get3A_490 : vector<1x16xf32> to vector<16xf32>
        %mul3A_492 = arith.constant 11.3137083 : f32
        %mul3A_493 = vector.broadcast %mul3A_492 : f32 to vector<16xf32>
        %mul3A_494 = arith.mulf %get3A_491, %mul3A_493 : vector<16xf32>
        %swap3A_495 = arith.index_cast %add3A_439 : i32 to index
        %swap3A_496 = arith.constant 64 : index
        %swap3A_497 = tpu.vector_load %arg10[%swap3A_495, %swap3A_496] {strides = array<i32>} : memref<200x128xf32, #tpu.memory_space<vmem>>, vector<1x16xf32>,
        %swap3A_498 = vector.shape_cast %swap3A_497 : vector<1x16xf32> to vector<16xf32>
        %swap3A_499 = vector.shape_cast %mul3A_494 : vector<16xf32> to vector<1x16xf32>
        tpu.vector_store %arg10[%swap3A_495, %swap3A_496], %swap3A_499 {strides = array<i32>} : memref<200x128xf32, #tpu.memory_space<vmem>>, vector<1x16xf32>,
        %get3A_500 = arith.index_cast %add3A_439 : i32 to index
        %get3A_501 = arith.constant 80 : index
        %get3A_502 = tpu.vector_load %arg10[%get3A_500, %get3A_501] {strides = array<i32>} : memref<200x128xf32, #tpu.memory_space<vmem>>, vector<1x16xf32>,
        %get3A_503 = vector.shape_cast %get3A_502 : vector<1x16xf32> to vector<16xf32>
        %mul3A_504 = arith.constant 11.3137083 : f32
        %mul3A_505 = vector.broadcast %mul3A_504 : f32 to vector<16xf32>
        %mul3A_506 = arith.mulf %get3A_503, %mul3A_505 : vector<16xf32>
        %swap3A_507 = arith.index_cast %add3A_439 : i32 to index
        %swap3A_508 = arith.constant 80 : index
        %swap3A_509 = tpu.vector_load %arg10[%swap3A_507, %swap3A_508] {strides = array<i32>} : memref<200x128xf32, #tpu.memory_space<vmem>>, vector<1x16xf32>,
        %swap3A_510 = vector.shape_cast %swap3A_509 : vector<1x16xf32> to vector<16xf32>
        %swap3A_511 = vector.shape_cast %mul3A_506 : vector<16xf32> to vector<1x16xf32>
        tpu.vector_store %arg10[%swap3A_507, %swap3A_508], %swap3A_511 {strides = array<i32>} : memref<200x128xf32, #tpu.memory_space<vmem>>, vector<1x16xf32>,
        %get3A_512 = arith.index_cast %add3A_439 : i32 to index
        %get3A_513 = arith.constant 96 : index
        %get3A_514 = tpu.vector_load %arg10[%get3A_512, %get3A_513] {strides = array<i32>} : memref<200x128xf32, #tpu.memory_space<vmem>>, vector<1x16xf32>,
        %get3A_515 = vector.shape_cast %get3A_514 : vector<1x16xf32> to vector<16xf32>
        %mul3A_516 = arith.constant 11.3137083 : f32
        %mul3A_517 = vector.broadcast %mul3A_516 : f32 to vector<16xf32>
        %mul3A_518 = arith.mulf %get3A_515, %mul3A_517 : vector<16xf32>
        %swap3A_519 = arith.index_cast %add3A_439 : i32 to index
        %swap3A_520 = arith.constant 96 : index
        %swap3A_521 = tpu.vector_load %arg10[%swap3A_519, %swap3A_520] {strides = array<i32>} : memref<200x128xf32, #tpu.memory_space<vmem>>, vector<1x16xf32>,
        %swap3A_522 = vector.shape_cast %swap3A_521 : vector<1x16xf32> to vector<16xf32>
        %swap3A_523 = vector.shape_cast %mul3A_518 : vector<16xf32> to vector<1x16xf32>
        tpu.vector_store %arg10[%swap3A_519, %swap3A_520], %swap3A_523 {strides = array<i32>} : memref<200x128xf32, #tpu.memory_space<vmem>>, vector<1x16xf32>,
        %get3A_524 = arith.index_cast %add3A_439 : i32 to index
        %get3A_525 = arith.constant 112 : index
        %get3A_526 = tpu.vector_load %arg10[%get3A_524, %get3A_525] {strides = array<i32>} : memref<200x128xf32, #tpu.memory_space<vmem>>, vector<1x16xf32>,
        %get3A_527 = vector.shape_cast %get3A_526 : vector<1x16xf32> to vector<16xf32>
        %mul3A_528 = arith.constant 11.3137083 : f32
        %mul3A_529 = vector.broadcast %mul3A_528 : f32 to vector<16xf32>
        %mul3A_530 = arith.mulf %get3A_527, %mul3A_529 : vector<16xf32>
        %swap3A_531 = arith.index_cast %add3A_439 : i32 to index
        %swap3A_532 = arith.constant 112 : index
        %swap3A_533 = tpu.vector_load %arg10[%swap3A_531, %swap3A_532] {strides = array<i32>} : memref<200x128xf32, #tpu.memory_space<vmem>>, vector<1x16xf32>,
        %swap3A_534 = vector.shape_cast %swap3A_533 : vector<1x16xf32> to vector<16xf32>
        %swap3A_535 = vector.shape_cast %mul3A_530 : vector<16xf32> to vector<1x16xf32>
        tpu.vector_store %arg10[%swap3A_531, %swap3A_532], %swap3A_535 {strides = array<i32>} : memref<200x128xf32, #tpu.memory_space<vmem>>, vector<1x16xf32>,
        %scan3A_536 = arith.constant 2 : i32
        %scan3A_537 = arith.addi %scan3A_335, %scan3A_536 : i32
        %mul3A_538 = arith.constant 1 : i32
        %mul3A_539 = arith.muli %scan3A_537, %mul3A_538 : i32
        %add3A_540 = arith.constant 0 : i32
        %add3A_541 = arith.addi %add3A_540, %mul3A_539 : i32
        %get3A_542 = arith.index_cast %add3A_541 : i32 to index
        %get3A_543 = arith.constant 0 : index
        %get3A_544 = tpu.vector_load %arg10[%get3A_542, %get3A_543] {strides = array<i32>} : memref<200x128xf32, #tpu.memory_space<vmem>>, vector<1x16xf32>,
        %get3A_545 = vector.shape_cast %get3A_544 : vector<1x16xf32> to vector<16xf32>
        %mul3A_546 = arith.constant 11.3137083 : f32
        %mul3A_547 = vector.broadcast %mul3A_546 : f32 to vector<16xf32>
        %mul3A_548 = arith.mulf %get3A_545, %mul3A_547 : vector<16xf32>
        %swap3A_549 = arith.index_cast %add3A_541 : i32 to index
        %swap3A_550 = arith.constant 0 : index
        %swap3A_551 = tpu.vector_load %arg10[%swap3A_549, %swap3A_550] {strides = array<i32>} : memref<200x128xf32, #tpu.memory_space<vmem>>, vector<1x16xf32>,
        %swap3A_552 = vector.shape_cast %swap3A_551 : vector<1x16xf32> to vector<16xf32>
        %swap3A_553 = vector.shape_cast %mul3A_548 : vector<16xf32> to vector<1x16xf32>
        tpu.vector_store %arg10[%swap3A_549, %swap3A_550], %swap3A_553 {strides = array<i32>} : memref<200x128xf32, #tpu.memory_space<vmem>>, vector<1x16xf32>,
        %get3A_554 = arith.index_cast %add3A_541 : i32 to index
        %get3A_555 = arith.constant 16 : index
        %get3A_556 = tpu.vector_load %arg10[%get3A_554, %get3A_555] {strides = array<i32>} : memref<200x128xf32, #tpu.memory_space<vmem>>, vector<1x16xf32>,
        %get3A_557 = vector.shape_cast %get3A_556 : vector<1x16xf32> to vector<16xf32>
        %mul3A_558 = arith.constant 11.3137083 : f32
        %mul3A_559 = vector.broadcast %mul3A_558 : f32 to vector<16xf32>
        %mul3A_560 = arith.mulf %get3A_557, %mul3A_559 : vector<16xf32>
        %swap3A_561 = arith.index_cast %add3A_541 : i32 to index
        %swap3A_562 = arith.constant 16 : index
        %swap3A_563 = tpu.vector_load %arg10[%swap3A_561, %swap3A_562] {strides = array<i32>} : memref<200x128xf32, #tpu.memory_space<vmem>>, vector<1x16xf32>,
        %swap3A_564 = vector.shape_cast %swap3A_563 : vector<1x16xf32> to vector<16xf32>
        %swap3A_565 = vector.shape_cast %mul3A_560 : vector<16xf32> to vector<1x16xf32>
        tpu.vector_store %arg10[%swap3A_561, %swap3A_562], %swap3A_565 {strides = array<i32>} : memref<200x128xf32, #tpu.memory_space<vmem>>, vector<1x16xf32>,
        %get3A_566 = arith.index_cast %add3A_541 : i32 to index
        %get3A_567 = arith.constant 32 : index
        %get3A_568 = tpu.vector_load %arg10[%get3A_566, %get3A_567] {strides = array<i32>} : memref<200x128xf32, #tpu.memory_space<vmem>>, vector<1x16xf32>,
        %get3A_569 = vector.shape_cast %get3A_568 : vector<1x16xf32> to vector<16xf32>
        %mul3A_570 = arith.constant 11.3137083 : f32
        %mul3A_571 = vector.broadcast %mul3A_570 : f32 to vector<16xf32>
        %mul3A_572 = arith.mulf %get3A_569, %mul3A_571 : vector<16xf32>
        %swap3A_573 = arith.index_cast %add3A_541 : i32 to index
        %swap3A_574 = arith.constant 32 : index
        %swap3A_575 = tpu.vector_load %arg10[%swap3A_573, %swap3A_574] {strides = array<i32>} : memref<200x128xf32, #tpu.memory_space<vmem>>, vector<1x16xf32>,
        %swap3A_576 = vector.shape_cast %swap3A_575 : vector<1x16xf32> to vector<16xf32>
        %swap3A_577 = vector.shape_cast %mul3A_572 : vector<16xf32> to vector<1x16xf32>
        tpu.vector_store %arg10[%swap3A_573, %swap3A_574], %swap3A_577 {strides = array<i32>} : memref<200x128xf32, #tpu.memory_space<vmem>>, vector<1x16xf32>,
        %get3A_578 = arith.index_cast %add3A_541 : i32 to index
        %get3A_579 = arith.constant 48 : index
        %get3A_580 = tpu.vector_load %arg10[%get3A_578, %get3A_579] {strides = array<i32>} : memref<200x128xf32, #tpu.memory_space<vmem>>, vector<1x16xf32>,
        %get3A_581 = vector.shape_cast %get3A_580 : vector<1x16xf32> to vector<16xf32>
        %mul3A_582 = arith.constant 11.3137083 : f32
        %mul3A_583 = vector.broadcast %mul3A_582 : f32 to vector<16xf32>
        %mul3A_584 = arith.mulf %get3A_581, %mul3A_583 : vector<16xf32>
        %swap3A_585 = arith.index_cast %add3A_541 : i32 to index
        %swap3A_586 = arith.constant 48 : index
        %swap3A_587 = tpu.vector_load %arg10[%swap3A_585, %swap3A_586] {strides = array<i32>} : memref<200x128xf32, #tpu.memory_space<vmem>>, vector<1x16xf32>,
        %swap3A_588 = vector.shape_cast %swap3A_587 : vector<1x16xf32> to vector<16xf32>
        %swap3A_589 = vector.shape_cast %mul3A_584 : vector<16xf32> to vector<1x16xf32>
        tpu.vector_store %arg10[%swap3A_585, %swap3A_586], %swap3A_589 {strides = array<i32>} : memref<200x128xf32, #tpu.memory_space<vmem>>, vector<1x16xf32>,
        %get3A_590 = arith.index_cast %add3A_541 : i32 to index
        %get3A_591 = arith.constant 64 : index
        %get3A_592 = tpu.vector_load %arg10[%get3A_590, %get3A_591] {strides = array<i32>} : memref<200x128xf32, #tpu.memory_space<vmem>>, vector<1x16xf32>,
        %get3A_593 = vector.shape_cast %get3A_592 : vector<1x16xf32> to vector<16xf32>
        %mul3A_594 = arith.constant 11.3137083 : f32
        %mul3A_595 = vector.broadcast %mul3A_594 : f32 to vector<16xf32>
        %mul3A_596 = arith.mulf %get3A_593, %mul3A_595 : vector<16xf32>
        %swap3A_597 = arith.index_cast %add3A_541 : i32 to index
        %swap3A_598 = arith.constant 64 : index
        %swap3A_599 = tpu.vector_load %arg10[%swap3A_597, %swap3A_598] {strides = array<i32>} : memref<200x128xf32, #tpu.memory_space<vmem>>, vector<1x16xf32>,
        %swap3A_600 = vector.shape_cast %swap3A_599 : vector<1x16xf32> to vector<16xf32>
        %swap3A_601 = vector.shape_cast %mul3A_596 : vector<16xf32> to vector<1x16xf32>
        tpu.vector_store %arg10[%swap3A_597, %swap3A_598], %swap3A_601 {strides = array<i32>} : memref<200x128xf32, #tpu.memory_space<vmem>>, vector<1x16xf32>,
        %get3A_602 = arith.index_cast %add3A_541 : i32 to index
        %get3A_603 = arith.constant 80 : index
        %get3A_604 = tpu.vector_load %arg10[%get3A_602, %get3A_603] {strides = array<i32>} : memref<200x128xf32, #tpu.memory_space<vmem>>, vector<1x16xf32>,
        %get3A_605 = vector.shape_cast %get3A_604 : vector<1x16xf32> to vector<16xf32>
        %mul3A_606 = arith.constant 11.3137083 : f32
        %mul3A_607 = vector.broadcast %mul3A_606 : f32 to vector<16xf32>
        %mul3A_608 = arith.mulf %get3A_605, %mul3A_607 : vector<16xf32>
        %swap3A_609 = arith.index_cast %add3A_541 : i32 to index
        %swap3A_610 = arith.constant 80 : index
        %swap3A_611 = tpu.vector_load %arg10[%swap3A_609, %swap3A_610] {strides = array<i32>} : memref<200x128xf32, #tpu.memory_space<vmem>>, vector<1x16xf32>,
        %swap3A_612 = vector.shape_cast %swap3A_611 : vector<1x16xf32> to vector<16xf32>
        %swap3A_613 = vector.shape_cast %mul3A_608 : vector<16xf32> to vector<1x16xf32>
        tpu.vector_store %arg10[%swap3A_609, %swap3A_610], %swap3A_613 {strides = array<i32>} : memref<200x128xf32, #tpu.memory_space<vmem>>, vector<1x16xf32>,
        %get3A_614 = arith.index_cast %add3A_541 : i32 to index
        %get3A_615 = arith.constant 96 : index
        %get3A_616 = tpu.vector_load %arg10[%get3A_614, %get3A_615] {strides = array<i32>} : memref<200x128xf32, #tpu.memory_space<vmem>>, vector<1x16xf32>,
        %get3A_617 = vector.shape_cast %get3A_616 : vector<1x16xf32> to vector<16xf32>
        %mul3A_618 = arith.constant 11.3137083 : f32
        %mul3A_619 = vector.broadcast %mul3A_618 : f32 to vector<16xf32>
        %mul3A_620 = arith.mulf %get3A_617, %mul3A_619 : vector<16xf32>
        %swap3A_621 = arith.index_cast %add3A_541 : i32 to index
        %swap3A_622 = arith.constant 96 : index
        %swap3A_623 = tpu.vector_load %arg10[%swap3A_621, %swap3A_622] {strides = array<i32>} : memref<200x128xf32, #tpu.memory_space<vmem>>, vector<1x16xf32>,
        %swap3A_624 = vector.shape_cast %swap3A_623 : vector<1x16xf32> to vector<16xf32>
        %swap3A_625 = vector.shape_cast %mul3A_620 : vector<16xf32> to vector<1x16xf32>
        tpu.vector_store %arg10[%swap3A_621, %swap3A_622], %swap3A_625 {strides = array<i32>} : memref<200x128xf32, #tpu.memory_space<vmem>>, vector<1x16xf32>,
        %get3A_626 = arith.index_cast %add3A_541 : i32 to index
        %get3A_627 = arith.constant 112 : index
        %get3A_628 = tpu.vector_load %arg10[%get3A_626, %get3A_627] {strides = array<i32>} : memref<200x128xf32, #tpu.memory_space<vmem>>, vector<1x16xf32>,
        %get3A_629 = vector.shape_cast %get3A_628 : vector<1x16xf32> to vector<16xf32>
        %mul3A_630 = arith.constant 11.3137083 : f32
        %mul3A_631 = vector.broadcast %mul3A_630 : f32 to vector<16xf32>
        %mul3A_632 = arith.mulf %get3A_629, %mul3A_631 : vector<16xf32>
        %swap3A_633 = arith.index_cast %add3A_541 : i32 to index
        %swap3A_634 = arith.constant 112 : index
        %swap3A_635 = tpu.vector_load %arg10[%swap3A_633, %swap3A_634] {strides = array<i32>} : memref<200x128xf32, #tpu.memory_space<vmem>>, vector<1x16xf32>,
        %swap3A_636 = vector.shape_cast %swap3A_635 : vector<1x16xf32> to vector<16xf32>
        %swap3A_637 = vector.shape_cast %mul3A_632 : vector<16xf32> to vector<1x16xf32>
        tpu.vector_store %arg10[%swap3A_633, %swap3A_634], %swap3A_637 {strides = array<i32>} : memref<200x128xf32, #tpu.memory_space<vmem>>, vector<1x16xf32>,
        %scan3A_638 = arith.constant 3 : i32
        %scan3A_639 = arith.addi %scan3A_335, %scan3A_638 : i32
        %mul3A_640 = arith.constant 1 : i32
        %mul3A_641 = arith.muli %scan3A_639, %mul3A_640 : i32
        %add3A_642 = arith.constant 0 : i32
        %add3A_643 = arith.addi %add3A_642, %mul3A_641 : i32
        %get3A_644 = arith.index_cast %add3A_643 : i32 to index
        %get3A_645 = arith.constant 0 : index
        %get3A_646 = tpu.vector_load %arg10[%get3A_644, %get3A_645] {strides = array<i32>} : memref<200x128xf32, #tpu.memory_space<vmem>>, vector<1x16xf32>,
        %get3A_647 = vector.shape_cast %get3A_646 : vector<1x16xf32> to vector<16xf32>
        %mul3A_648 = arith.constant 11.3137083 : f32
        %mul3A_649 = vector.broadcast %mul3A_648 : f32 to vector<16xf32>
        %mul3A_650 = arith.mulf %get3A_647, %mul3A_649 : vector<16xf32>
        %swap3A_651 = arith.index_cast %add3A_643 : i32 to index
        %swap3A_652 = arith.constant 0 : index
        %swap3A_653 = tpu.vector_load %arg10[%swap3A_651, %swap3A_652] {strides = array<i32>} : memref<200x128xf32, #tpu.memory_space<vmem>>, vector<1x16xf32>,
        %swap3A_654 = vector.shape_cast %swap3A_653 : vector<1x16xf32> to vector<16xf32>
        %swap3A_655 = vector.shape_cast %mul3A_650 : vector<16xf32> to vector<1x16xf32>
        tpu.vector_store %arg10[%swap3A_651, %swap3A_652], %swap3A_655 {strides = array<i32>} : memref<200x128xf32, #tpu.memory_space<vmem>>, vector<1x16xf32>,
        %get3A_656 = arith.index_cast %add3A_643 : i32 to index
        %get3A_657 = arith.constant 16 : index
        %get3A_658 = tpu.vector_load %arg10[%get3A_656, %get3A_657] {strides = array<i32>} : memref<200x128xf32, #tpu.memory_space<vmem>>, vector<1x16xf32>,
        %get3A_659 = vector.shape_cast %get3A_658 : vector<1x16xf32> to vector<16xf32>
        %mul3A_660 = arith.constant 11.3137083 : f32
        %mul3A_661 = vector.broadcast %mul3A_660 : f32 to vector<16xf32>
        %mul3A_662 = arith.mulf %get3A_659, %mul3A_661 : vector<16xf32>
        %swap3A_663 = arith.index_cast %add3A_643 : i32 to index
        %swap3A_664 = arith.constant 16 : index
        %swap3A_665 = tpu.vector_load %arg10[%swap3A_663, %swap3A_664] {strides = array<i32>} : memref<200x128xf32, #tpu.memory_space<vmem>>, vector<1x16xf32>,
        %swap3A_666 = vector.shape_cast %swap3A_665 : vector<1x16xf32> to vector<16xf32>
        %swap3A_667 = vector.shape_cast %mul3A_662 : vector<16xf32> to vector<1x16xf32>
        tpu.vector_store %arg10[%swap3A_663, %swap3A_664], %swap3A_667 {strides = array<i32>} : memref<200x128xf32, #tpu.memory_space<vmem>>, vector<1x16xf32>,
        %get3A_668 = arith.index_cast %add3A_643 : i32 to index
        %get3A_669 = arith.constant 32 : index
        %get3A_670 = tpu.vector_load %arg10[%get3A_668, %get3A_669] {strides = array<i32>} : memref<200x128xf32, #tpu.memory_space<vmem>>, vector<1x16xf32>,
        %get3A_671 = vector.shape_cast %get3A_670 : vector<1x16xf32> to vector<16xf32>
        %mul3A_672 = arith.constant 11.3137083 : f32
        %mul3A_673 = vector.broadcast %mul3A_672 : f32 to vector<16xf32>
        %mul3A_674 = arith.mulf %get3A_671, %mul3A_673 : vector<16xf32>
        %swap3A_675 = arith.index_cast %add3A_643 : i32 to index
        %swap3A_676 = arith.constant 32 : index
        %swap3A_677 = tpu.vector_load %arg10[%swap3A_675, %swap3A_676] {strides = array<i32>} : memref<200x128xf32, #tpu.memory_space<vmem>>, vector<1x16xf32>,
        %swap3A_678 = vector.shape_cast %swap3A_677 : vector<1x16xf32> to vector<16xf32>
        %swap3A_679 = vector.shape_cast %mul3A_674 : vector<16xf32> to vector<1x16xf32>
        tpu.vector_store %arg10[%swap3A_675, %swap3A_676], %swap3A_679 {strides = array<i32>} : memref<200x128xf32, #tpu.memory_space<vmem>>, vector<1x16xf32>,
        %get3A_680 = arith.index_cast %add3A_643 : i32 to index
        %get3A_681 = arith.constant 48 : index
        %get3A_682 = tpu.vector_load %arg10[%get3A_680, %get3A_681] {strides = array<i32>} : memref<200x128xf32, #tpu.memory_space<vmem>>, vector<1x16xf32>,
        %get3A_683 = vector.shape_cast %get3A_682 : vector<1x16xf32> to vector<16xf32>
        %mul3A_684 = arith.constant 11.3137083 : f32
        %mul3A_685 = vector.broadcast %mul3A_684 : f32 to vector<16xf32>
        %mul3A_686 = arith.mulf %get3A_683, %mul3A_685 : vector<16xf32>
        %swap3A_687 = arith.index_cast %add3A_643 : i32 to index
        %swap3A_688 = arith.constant 48 : index
        %swap3A_689 = tpu.vector_load %arg10[%swap3A_687, %swap3A_688] {strides = array<i32>} : memref<200x128xf32, #tpu.memory_space<vmem>>, vector<1x16xf32>,
        %swap3A_690 = vector.shape_cast %swap3A_689 : vector<1x16xf32> to vector<16xf32>
        %swap3A_691 = vector.shape_cast %mul3A_686 : vector<16xf32> to vector<1x16xf32>
        tpu.vector_store %arg10[%swap3A_687, %swap3A_688], %swap3A_691 {strides = array<i32>} : memref<200x128xf32, #tpu.memory_space<vmem>>, vector<1x16xf32>,
        %get3A_692 = arith.index_cast %add3A_643 : i32 to index
        %get3A_693 = arith.constant 64 : index
        %get3A_694 = tpu.vector_load %arg10[%get3A_692, %get3A_693] {strides = array<i32>} : memref<200x128xf32, #tpu.memory_space<vmem>>, vector<1x16xf32>,
        %get3A_695 = vector.shape_cast %get3A_694 : vector<1x16xf32> to vector<16xf32>
        %mul3A_696 = arith.constant 11.3137083 : f32
        %mul3A_697 = vector.broadcast %mul3A_696 : f32 to vector<16xf32>
        %mul3A_698 = arith.mulf %get3A_695, %mul3A_697 : vector<16xf32>
        %swap3A_699 = arith.index_cast %add3A_643 : i32 to index
        %swap3A_700 = arith.constant 64 : index
        %swap3A_701 = tpu.vector_load %arg10[%swap3A_699, %swap3A_700] {strides = array<i32>} : memref<200x128xf32, #tpu.memory_space<vmem>>, vector<1x16xf32>,
        %swap3A_702 = vector.shape_cast %swap3A_701 : vector<1x16xf32> to vector<16xf32>
        %swap3A_703 = vector.shape_cast %mul3A_698 : vector<16xf32> to vector<1x16xf32>
        tpu.vector_store %arg10[%swap3A_699, %swap3A_700], %swap3A_703 {strides = array<i32>} : memref<200x128xf32, #tpu.memory_space<vmem>>, vector<1x16xf32>,
        %get3A_704 = arith.index_cast %add3A_643 : i32 to index
        %get3A_705 = arith.constant 80 : index
        %get3A_706 = tpu.vector_load %arg10[%get3A_704, %get3A_705] {strides = array<i32>} : memref<200x128xf32, #tpu.memory_space<vmem>>, vector<1x16xf32>,
        %get3A_707 = vector.shape_cast %get3A_706 : vector<1x16xf32> to vector<16xf32>
        %mul3A_708 = arith.constant 11.3137083 : f32
        %mul3A_709 = vector.broadcast %mul3A_708 : f32 to vector<16xf32>
        %mul3A_710 = arith.mulf %get3A_707, %mul3A_709 : vector<16xf32>
        %swap3A_711 = arith.index_cast %add3A_643 : i32 to index
        %swap3A_712 = arith.constant 80 : index
        %swap3A_713 = tpu.vector_load %arg10[%swap3A_711, %swap3A_712] {strides = array<i32>} : memref<200x128xf32, #tpu.memory_space<vmem>>, vector<1x16xf32>,
        %swap3A_714 = vector.shape_cast %swap3A_713 : vector<1x16xf32> to vector<16xf32>
        %swap3A_715 = vector.shape_cast %mul3A_710 : vector<16xf32> to vector<1x16xf32>
        tpu.vector_store %arg10[%swap3A_711, %swap3A_712], %swap3A_715 {strides = array<i32>} : memref<200x128xf32, #tpu.memory_space<vmem>>, vector<1x16xf32>,
        %get3A_716 = arith.index_cast %add3A_643 : i32 to index
        %get3A_717 = arith.constant 96 : index
        %get3A_718 = tpu.vector_load %arg10[%get3A_716, %get3A_717] {strides = array<i32>} : memref<200x128xf32, #tpu.memory_space<vmem>>, vector<1x16xf32>,
        %get3A_719 = vector.shape_cast %get3A_718 : vector<1x16xf32> to vector<16xf32>
        %mul3A_720 = arith.constant 11.3137083 : f32
        %mul3A_721 = vector.broadcast %mul3A_720 : f32 to vector<16xf32>
        %mul3A_722 = arith.mulf %get3A_719, %mul3A_721 : vector<16xf32>
        %swap3A_723 = arith.index_cast %add3A_643 : i32 to index
        %swap3A_724 = arith.constant 96 : index
        %swap3A_725 = tpu.vector_load %arg10[%swap3A_723, %swap3A_724] {strides = array<i32>} : memref<200x128xf32, #tpu.memory_space<vmem>>, vector<1x16xf32>,
        %swap3A_726 = vector.shape_cast %swap3A_725 : vector<1x16xf32> to vector<16xf32>
        %swap3A_727 = vector.shape_cast %mul3A_722 : vector<16xf32> to vector<1x16xf32>
        tpu.vector_store %arg10[%swap3A_723, %swap3A_724], %swap3A_727 {strides = array<i32>} : memref<200x128xf32, #tpu.memory_space<vmem>>, vector<1x16xf32>,
        %get3A_728 = arith.index_cast %add3A_643 : i32 to index
        %get3A_729 = arith.constant 112 : index
        %get3A_730 = tpu.vector_load %arg10[%get3A_728, %get3A_729] {strides = array<i32>} : memref<200x128xf32, #tpu.memory_space<vmem>>, vector<1x16xf32>,
        %get3A_731 = vector.shape_cast %get3A_730 : vector<1x16xf32> to vector<16xf32>
        %mul3A_732 = arith.constant 11.3137083 : f32
        %mul3A_733 = vector.broadcast %mul3A_732 : f32 to vector<16xf32>
        %mul3A_734 = arith.mulf %get3A_731, %mul3A_733 : vector<16xf32>
        %swap3A_735 = arith.index_cast %add3A_643 : i32 to index
        %swap3A_736 = arith.constant 112 : index
        %swap3A_737 = tpu.vector_load %arg10[%swap3A_735, %swap3A_736] {strides = array<i32>} : memref<200x128xf32, #tpu.memory_space<vmem>>, vector<1x16xf32>,
        %swap3A_738 = vector.shape_cast %swap3A_737 : vector<1x16xf32> to vector<16xf32>
        %swap3A_739 = vector.shape_cast %mul3A_734 : vector<16xf32> to vector<1x16xf32>
        tpu.vector_store %arg10[%swap3A_735, %swap3A_736], %swap3A_739 {strides = array<i32>} : memref<200x128xf32, #tpu.memory_space<vmem>>, vector<1x16xf32>,
      }
      %scan3A_226 = arith.constant 200 : i32
      %add3A_227 = arith.addi %mul3A_2, %add3A_198 : i32
      %dma_start3A_228 = arith.constant 0 : i32
      %dma_start3A_229 = arith.constant 0 : i32
      %dma_start3A_230 = tpu.memref_slice %arg4[%add3A_227, %dma_start3A_228, %dma_start3A_229] : memref<1024x200x128xf32, #tpu.memory_space<hbm>> -> memref<1x200x128xf32, #tpu.memory_space<hbm>>
      %dma_start3A_231 = tpu.memref_squeeze %dma_start3A_230 : memref<1x200x128xf32, #tpu.memory_space<hbm>> -> memref<200x128xf32, #tpu.memory_space<hbm>>
      %dma_start3A_232 = arith.constant 0 : i32
      %dma_start3A_233 = arith.constant 0 : i32
      %dma_start3A_234 = tpu.memref_slice %arg4[%add3A_227, %dma_start3A_232, %dma_start3A_233] : memref<1024x200x128xf32, #tpu.memory_space<hbm>> -> memref<1x200x128xf32, #tpu.memory_space<hbm>>
      %dma_start3A_235 = tpu.memref_squeeze %dma_start3A_234 : memref<1x200x128xf32, #tpu.memory_space<hbm>> -> memref<200x128xf32, #tpu.memory_space<hbm>>
      tpu.enqueue_dma source(%arg10 : memref<200x128xf32, #tpu.memory_space<vmem>>) target(%dma_start3A_235 : memref<200x128xf32, #tpu.memory_space<hbm>>) target_semaphore(%arg22 : memref<!tpu.dma_semaphore, #tpu.memory_space<semaphore_mem>>)
      %add3A_236 = arith.constant 3 : i32
      %add3A_237 = arith.addi %add3A_198, %add3A_236 : i32
      %lt3A_238 = arith.constant 32 : i32
      %lt3A_239 = arith.cmpi slt, %add3A_237, %lt3A_238 : i32
      %convert_element_type3A_240 = arith.extui %lt3A_239 : i1 to i32
      %cond3A_241 = arith.constant 0 : i32
      %cond3A_242 = arith.cmpi ne, %convert_element_type3A_240, %cond3A_241 : i32
      scf.if %cond3A_242 {
        %ge3A = arith.constant 4 : i32
        %ge3A_335 = arith.cmpi sge, %add3A_237, %ge3A : i32
        %convert_element_type3A_336 = arith.extui %ge3A_335 : i1 to i32
        %cond3A_337 = arith.constant 0 : i32
        %cond3A_338 = arith.cmpi ne, %convert_element_type3A_336, %cond3A_337 : i32
        scf.if %cond3A_338 {
          %sub3A = arith.constant 4 : i32
          %sub3A_362 = arith.subi %add3A_237, %sub3A : i32
          %add3A_363 = arith.addi %mul3A_2, %sub3A_362 : i32
          %dma_wait3A_364 = arith.constant 0 : i32
          %dma_wait3A_365 = arith.constant 0 : i32
          %dma_wait3A_366 = tpu.memref_slice %arg4[%add3A_363, %dma_wait3A_364, %dma_wait3A_365] : memref<1024x200x128xf32, #tpu.memory_space<hbm>> -> memref<1x200x128xf32, #tpu.memory_space<hbm>>
          %dma_wait3A_367 = tpu.memref_squeeze %dma_wait3A_366 : memref<1x200x128xf32, #tpu.memory_space<hbm>> -> memref<200x128xf32, #tpu.memory_space<hbm>>
          %dma_wait3A_368 = arith.constant 0 : i32
          %dma_wait3A_369 = arith.constant 0 : i32
          %dma_wait3A_370 = tpu.memref_slice %arg4[%add3A_363, %dma_wait3A_368, %dma_wait3A_369] : memref<1024x200x128xf32, #tpu.memory_space<hbm>> -> memref<1x200x128xf32, #tpu.memory_space<hbm>>
          %dma_wait3A_371 = tpu.memref_squeeze %dma_wait3A_370 : memref<1x200x128xf32, #tpu.memory_space<hbm>> -> memref<200x128xf32, #tpu.memory_space<hbm>>
          tpu.wait_dma2 semaphore(%arg21 : memref<!tpu.dma_semaphore, #tpu.memory_space<semaphore_mem>>) src(%arg9 : memref<200x128xf32, #tpu.memory_space<vmem>>) dst(%dma_wait3A_371 : memref<200x128xf32, #tpu.memory_space<hbm>>)
        } else {
        }
        %add3A_339 = arith.addi %mul3A_2, %add3A_237 : i32
        %dma_wait3A_340 = arith.constant 0 : i32
        %dma_wait3A_341 = tpu.memref_slice %arg2[%add3A_339, %dma_wait3A_340] : memref<1024x200xi32, #tpu.memory_space<hbm>> -> memref<1x200xi32, #tpu.memory_space<hbm>>
        %dma_wait3A_342 = tpu.memref_squeeze %dma_wait3A_341 : memref<1x200xi32, #tpu.memory_space<hbm>> -> memref<200xi32, #tpu.memory_space<hbm>>
        %dma_wait3A_343 = arith.constant 0 : i32
        %dma_wait3A_344 = tpu.memref_slice %arg2[%add3A_339, %dma_wait3A_343] : memref<1024x200xi32, #tpu.memory_space<hbm>> -> memref<1x200xi32, #tpu.memory_space<hbm>>
        %dma_wait3A_345 = tpu.memref_squeeze %dma_wait3A_344 : memref<1x200xi32, #tpu.memory_space<hbm>> -> memref<200xi32, #tpu.memory_space<hbm>>
        tpu.wait_dma2 semaphore(%arg13 : memref<!tpu.dma_semaphore, #tpu.memory_space<semaphore_mem>>) src(%dma_wait3A_345 : memref<200xi32, #tpu.memory_space<hbm>>) dst(%arg5 : memref<200xi32, #tpu.memory_space<vmem>>)
        %dma_start3A_346 = arith.constant 0 : i32
        %dma_start3A_347 = arith.constant 0 : i32
        %dma_start3A_348 = tpu.memref_slice %arg9[%dma_start3A_346, %dma_start3A_347] : memref<200x128xf32, #tpu.memory_space<vmem>> -> memref<128x128xf32, #tpu.memory_space<vmem>>
        %dma_start3A_349 = arith.constant 0 : i32
        %dma_start3A_350 = tpu.memref_slice %arg5[%dma_start3A_349] : memref<200xi32, #tpu.memory_space<vmem>> -> memref<128xi32, #tpu.memory_space<vmem>>
        %dma_start3A_351 = arith.constant 0 : i32
        %dma_start3A_352 = arith.constant 0 : i32
        %dma_start3A_353 = tpu.memref_slice %arg3[%dma_start3A_351, %dma_start3A_352] : memref<1000000x128xf32, #tpu.memory_space<hbm>> -> memref<1000000x128xf32, #tpu.memory_space<hbm>>
        tpu.enqueue_indirect_dma source(%dma_start3A_353 : memref<1000000x128xf32, #tpu.memory_space<hbm>>) target(%dma_start3A_348 : memref<128x128xf32, #tpu.memory_space<vmem>>) offsets(%dma_start3A_350 : memref<128xi32, #tpu.memory_space<vmem>>) semaphore(%arg17 : memref<!tpu.dma_semaphore, #tpu.memory_space<semaphore_mem>>)
        %dma_start3A_354 = arith.constant 128 : i32
        %dma_start3A_355 = arith.constant 0 : i32
        %dma_start3A_356 = tpu.memref_slice %arg9[%dma_start3A_354, %dma_start3A_355] : memref<200x128xf32, #tpu.memory_space<vmem>> -> memref<72x128xf32, #tpu.memory_space<vmem>>
        %dma_start3A_357 = arith.constant 128 : i32
        %dma_start3A_358 = tpu.memref_slice %arg5[%dma_start3A_357] : memref<200xi32, #tpu.memory_space<vmem>> -> memref<72xi32, #tpu.memory_space<vmem>>
        %dma_start3A_359 = arith.constant 0 : i32
        %dma_start3A_360 = arith.constant 0 : i32
        %dma_start3A_361 = tpu.memref_slice %arg3[%dma_start3A_359, %dma_start3A_360] : memref<1000000x128xf32, #tpu.memory_space<hbm>> -> memref<1000000x128xf32, #tpu.memory_space<hbm>>
        tpu.enqueue_indirect_dma source(%dma_start3A_361 : memref<1000000x128xf32, #tpu.memory_space<hbm>>) target(%dma_start3A_356 : memref<72x128xf32, #tpu.memory_space<vmem>>) offsets(%dma_start3A_358 : memref<72xi32, #tpu.memory_space<vmem>>) semaphore(%arg17 : memref<!tpu.dma_semaphore, #tpu.memory_space<semaphore_mem>>)
      } else {
      }
      %add3A_243 = arith.constant 2 : i32
      %add3A_244 = arith.addi %add3A_153, %add3A_243 : i32
      %dma_wait3A_245 = arith.constant 0 : i32
      %dma_wait3A_246 = arith.constant 0 : i32
      %dma_wait3A_247 = tpu.memref_slice %arg11[%dma_wait3A_245, %dma_wait3A_246] : memref<200x128xf32, #tpu.memory_space<vmem>> -> memref<128x128xf32, #tpu.memory_space<vmem>>
      %dma_wait3A_248 = arith.constant 0 : i32
      %dma_wait3A_249 = tpu.memref_slice %arg7[%dma_wait3A_248] : memref<200xi32, #tpu.memory_space<vmem>> -> memref<128xi32, #tpu.memory_space<vmem>>
      %dma_wait3A_250 = arith.constant 0 : i32
      %dma_wait3A_251 = arith.constant 0 : i32
      %dma_wait3A_252 = tpu.memref_slice %arg3[%dma_wait3A_250, %dma_wait3A_251] : memref<1000000x128xf32, #tpu.memory_space<hbm>> -> memref<1000000x128xf32, #tpu.memory_space<hbm>>
      tpu.wait_indirect_dma semaphore(%arg19 : memref<!tpu.dma_semaphore, #tpu.memory_space<semaphore_mem>>) src(%dma_wait3A_252 : memref<1000000x128xf32, #tpu.memory_space<hbm>>) dst(%dma_wait3A_247 : memref<128x128xf32, #tpu.memory_space<vmem>>)
      %dma_wait3A_253 = arith.constant 128 : i32
      %dma_wait3A_254 = arith.constant 0 : i32
      %dma_wait3A_255 = tpu.memref_slice %arg11[%dma_wait3A_253, %dma_wait3A_254] : memref<200x128xf32, #tpu.memory_space<vmem>> -> memref<72x128xf32, #tpu.memory_space<vmem>>
      %dma_wait3A_256 = arith.constant 128 : i32
      %dma_wait3A_257 = tpu.memref_slice %arg7[%dma_wait3A_256] : memref<200xi32, #tpu.memory_space<vmem>> -> memref<72xi32, #tpu.memory_space<vmem>>
      %dma_wait3A_258 = arith.constant 0 : i32
      %dma_wait3A_259 = arith.constant 0 : i32
      %dma_wait3A_260 = tpu.memref_slice %arg3[%dma_wait3A_258, %dma_wait3A_259] : memref<1000000x128xf32, #tpu.memory_space<hbm>> -> memref<1000000x128xf32, #tpu.memory_space<hbm>>
      tpu.wait_indirect_dma semaphore(%arg19 : memref<!tpu.dma_semaphore, #tpu.memory_space<semaphore_mem>>) src(%dma_wait3A_260 : memref<1000000x128xf32, #tpu.memory_space<hbm>>) dst(%dma_wait3A_255 : memref<72x128xf32, #tpu.memory_space<vmem>>)
      %add3A_261 = arith.constant 4 : i32
      %add3A_262 = arith.addi %add3A_244, %add3A_261 : i32
      %lt3A_263 = arith.constant 32 : i32
      %lt3A_264 = arith.cmpi slt, %add3A_262, %lt3A_263 : i32
      %convert_element_type3A_265 = arith.extui %lt3A_264 : i1 to i32
      %cond3A_266 = arith.constant 0 : i32
      %cond3A_267 = arith.cmpi ne, %convert_element_type3A_265, %cond3A_266 : i32
      scf.if %cond3A_267 {
        %add3A_335 = arith.addi %mul3A_2, %add3A_262 : i32
        %dma_start3A_336 = arith.constant 0 : i32
        %dma_start3A_337 = tpu.memref_slice %arg2[%add3A_335, %dma_start3A_336] : memref<1024x200xi32, #tpu.memory_space<hbm>> -> memref<1x200xi32, #tpu.memory_space<hbm>>
        %dma_start3A_338 = tpu.memref_squeeze %dma_start3A_337 : memref<1x200xi32, #tpu.memory_space<hbm>> -> memref<200xi32, #tpu.memory_space<hbm>>
        %dma_start3A_339 = arith.constant 0 : i32
        %dma_start3A_340 = tpu.memref_slice %arg2[%add3A_335, %dma_start3A_339] : memref<1024x200xi32, #tpu.memory_space<hbm>> -> memref<1x200xi32, #tpu.memory_space<hbm>>
        %dma_start3A_341 = tpu.memref_squeeze %dma_start3A_340 : memref<1x200xi32, #tpu.memory_space<hbm>> -> memref<200xi32, #tpu.memory_space<hbm>>
        tpu.enqueue_dma source(%dma_start3A_341 : memref<200xi32, #tpu.memory_space<hbm>>) target(%arg7 : memref<200xi32, #tpu.memory_space<vmem>>) target_semaphore(%arg15 : memref<!tpu.dma_semaphore, #tpu.memory_space<semaphore_mem>>)
      } else {
      }
      %scan3A_268 = arith.constant 0 : i32
      %scan3A_269 = arith.constant 200 : i32
      %scan3A_270 = arith.addi %scan3A_268, %scan3A_269 : i32
      %scan3A_271 = arith.constant 4 : i32
      scf.for %scan3A_335 = %scan3A_268 to %scan3A_270 step %scan3A_271  : i32 {
        %mul3A_336 = arith.constant 1 : i32
        %mul3A_337 = arith.muli %scan3A_335, %mul3A_336 : i32
        %add3A_338 = arith.constant 0 : i32
        %add3A_339 = arith.addi %add3A_338, %mul3A_337 : i32
        %get3A = arith.index_cast %add3A_339 : i32 to index
        %get3A_340 = arith.constant 0 : index
        %get3A_341 = tpu.vector_load %arg11[%get3A, %get3A_340] {strides = array<i32>} : memref<200x128xf32, #tpu.memory_space<vmem>>, vector<1x16xf32>,
        %get3A_342 = vector.shape_cast %get3A_341 : vector<1x16xf32> to vector<16xf32>
        %mul3A_343 = arith.constant 11.3137083 : f32
        %mul3A_344 = vector.broadcast %mul3A_343 : f32 to vector<16xf32>
        %mul3A_345 = arith.mulf %get3A_342, %mul3A_344 : vector<16xf32>
        %swap3A = arith.index_cast %add3A_339 : i32 to index
        %swap3A_346 = arith.constant 0 : index
        %swap3A_347 = tpu.vector_load %arg11[%swap3A, %swap3A_346] {strides = array<i32>} : memref<200x128xf32, #tpu.memory_space<vmem>>, vector<1x16xf32>,
        %swap3A_348 = vector.shape_cast %swap3A_347 : vector<1x16xf32> to vector<16xf32>
        %swap3A_349 = vector.shape_cast %mul3A_345 : vector<16xf32> to vector<1x16xf32>
        tpu.vector_store %arg11[%swap3A, %swap3A_346], %swap3A_349 {strides = array<i32>} : memref<200x128xf32, #tpu.memory_space<vmem>>, vector<1x16xf32>,
        %get3A_350 = arith.index_cast %add3A_339 : i32 to index
        %get3A_351 = arith.constant 16 : index
        %get3A_352 = tpu.vector_load %arg11[%get3A_350, %get3A_351] {strides = array<i32>} : memref<200x128xf32, #tpu.memory_space<vmem>>, vector<1x16xf32>,
        %get3A_353 = vector.shape_cast %get3A_352 : vector<1x16xf32> to vector<16xf32>
        %mul3A_354 = arith.constant 11.3137083 : f32
        %mul3A_355 = vector.broadcast %mul3A_354 : f32 to vector<16xf32>
        %mul3A_356 = arith.mulf %get3A_353, %mul3A_355 : vector<16xf32>
        %swap3A_357 = arith.index_cast %add3A_339 : i32 to index
        %swap3A_358 = arith.constant 16 : index
        %swap3A_359 = tpu.vector_load %arg11[%swap3A_357, %swap3A_358] {strides = array<i32>} : memref<200x128xf32, #tpu.memory_space<vmem>>, vector<1x16xf32>,
        %swap3A_360 = vector.shape_cast %swap3A_359 : vector<1x16xf32> to vector<16xf32>
        %swap3A_361 = vector.shape_cast %mul3A_356 : vector<16xf32> to vector<1x16xf32>
        tpu.vector_store %arg11[%swap3A_357, %swap3A_358], %swap3A_361 {strides = array<i32>} : memref<200x128xf32, #tpu.memory_space<vmem>>, vector<1x16xf32>,
        %get3A_362 = arith.index_cast %add3A_339 : i32 to index
        %get3A_363 = arith.constant 32 : index
        %get3A_364 = tpu.vector_load %arg11[%get3A_362, %get3A_363] {strides = array<i32>} : memref<200x128xf32, #tpu.memory_space<vmem>>, vector<1x16xf32>,
        %get3A_365 = vector.shape_cast %get3A_364 : vector<1x16xf32> to vector<16xf32>
        %mul3A_366 = arith.constant 11.3137083 : f32
        %mul3A_367 = vector.broadcast %mul3A_366 : f32 to vector<16xf32>
        %mul3A_368 = arith.mulf %get3A_365, %mul3A_367 : vector<16xf32>
        %swap3A_369 = arith.index_cast %add3A_339 : i32 to index
        %swap3A_370 = arith.constant 32 : index
        %swap3A_371 = tpu.vector_load %arg11[%swap3A_369, %swap3A_370] {strides = array<i32>} : memref<200x128xf32, #tpu.memory_space<vmem>>, vector<1x16xf32>,
        %swap3A_372 = vector.shape_cast %swap3A_371 : vector<1x16xf32> to vector<16xf32>
        %swap3A_373 = vector.shape_cast %mul3A_368 : vector<16xf32> to vector<1x16xf32>
        tpu.vector_store %arg11[%swap3A_369, %swap3A_370], %swap3A_373 {strides = array<i32>} : memref<200x128xf32, #tpu.memory_space<vmem>>, vector<1x16xf32>,
        %get3A_374 = arith.index_cast %add3A_339 : i32 to index
        %get3A_375 = arith.constant 48 : index
        %get3A_376 = tpu.vector_load %arg11[%get3A_374, %get3A_375] {strides = array<i32>} : memref<200x128xf32, #tpu.memory_space<vmem>>, vector<1x16xf32>,
        %get3A_377 = vector.shape_cast %get3A_376 : vector<1x16xf32> to vector<16xf32>
        %mul3A_378 = arith.constant 11.3137083 : f32
        %mul3A_379 = vector.broadcast %mul3A_378 : f32 to vector<16xf32>
        %mul3A_380 = arith.mulf %get3A_377, %mul3A_379 : vector<16xf32>
        %swap3A_381 = arith.index_cast %add3A_339 : i32 to index
        %swap3A_382 = arith.constant 48 : index
        %swap3A_383 = tpu.vector_load %arg11[%swap3A_381, %swap3A_382] {strides = array<i32>} : memref<200x128xf32, #tpu.memory_space<vmem>>, vector<1x16xf32>,
        %swap3A_384 = vector.shape_cast %swap3A_383 : vector<1x16xf32> to vector<16xf32>
        %swap3A_385 = vector.shape_cast %mul3A_380 : vector<16xf32> to vector<1x16xf32>
        tpu.vector_store %arg11[%swap3A_381, %swap3A_382], %swap3A_385 {strides = array<i32>} : memref<200x128xf32, #tpu.memory_space<vmem>>, vector<1x16xf32>,
        %get3A_386 = arith.index_cast %add3A_339 : i32 to index
        %get3A_387 = arith.constant 64 : index
        %get3A_388 = tpu.vector_load %arg11[%get3A_386, %get3A_387] {strides = array<i32>} : memref<200x128xf32, #tpu.memory_space<vmem>>, vector<1x16xf32>,
        %get3A_389 = vector.shape_cast %get3A_388 : vector<1x16xf32> to vector<16xf32>
        %mul3A_390 = arith.constant 11.3137083 : f32
        %mul3A_391 = vector.broadcast %mul3A_390 : f32 to vector<16xf32>
        %mul3A_392 = arith.mulf %get3A_389, %mul3A_391 : vector<16xf32>
        %swap3A_393 = arith.index_cast %add3A_339 : i32 to index
        %swap3A_394 = arith.constant 64 : index
        %swap3A_395 = tpu.vector_load %arg11[%swap3A_393, %swap3A_394] {strides = array<i32>} : memref<200x128xf32, #tpu.memory_space<vmem>>, vector<1x16xf32>,
        %swap3A_396 = vector.shape_cast %swap3A_395 : vector<1x16xf32> to vector<16xf32>
        %swap3A_397 = vector.shape_cast %mul3A_392 : vector<16xf32> to vector<1x16xf32>
        tpu.vector_store %arg11[%swap3A_393, %swap3A_394], %swap3A_397 {strides = array<i32>} : memref<200x128xf32, #tpu.memory_space<vmem>>, vector<1x16xf32>,
        %get3A_398 = arith.index_cast %add3A_339 : i32 to index
        %get3A_399 = arith.constant 80 : index
        %get3A_400 = tpu.vector_load %arg11[%get3A_398, %get3A_399] {strides = array<i32>} : memref<200x128xf32, #tpu.memory_space<vmem>>, vector<1x16xf32>,
        %get3A_401 = vector.shape_cast %get3A_400 : vector<1x16xf32> to vector<16xf32>
        %mul3A_402 = arith.constant 11.3137083 : f32
        %mul3A_403 = vector.broadcast %mul3A_402 : f32 to vector<16xf32>
        %mul3A_404 = arith.mulf %get3A_401, %mul3A_403 : vector<16xf32>
        %swap3A_405 = arith.index_cast %add3A_339 : i32 to index
        %swap3A_406 = arith.constant 80 : index
        %swap3A_407 = tpu.vector_load %arg11[%swap3A_405, %swap3A_406] {strides = array<i32>} : memref<200x128xf32, #tpu.memory_space<vmem>>, vector<1x16xf32>,
        %swap3A_408 = vector.shape_cast %swap3A_407 : vector<1x16xf32> to vector<16xf32>
        %swap3A_409 = vector.shape_cast %mul3A_404 : vector<16xf32> to vector<1x16xf32>
        tpu.vector_store %arg11[%swap3A_405, %swap3A_406], %swap3A_409 {strides = array<i32>} : memref<200x128xf32, #tpu.memory_space<vmem>>, vector<1x16xf32>,
        %get3A_410 = arith.index_cast %add3A_339 : i32 to index
        %get3A_411 = arith.constant 96 : index
        %get3A_412 = tpu.vector_load %arg11[%get3A_410, %get3A_411] {strides = array<i32>} : memref<200x128xf32, #tpu.memory_space<vmem>>, vector<1x16xf32>,
        %get3A_413 = vector.shape_cast %get3A_412 : vector<1x16xf32> to vector<16xf32>
        %mul3A_414 = arith.constant 11.3137083 : f32
        %mul3A_415 = vector.broadcast %mul3A_414 : f32 to vector<16xf32>
        %mul3A_416 = arith.mulf %get3A_413, %mul3A_415 : vector<16xf32>
        %swap3A_417 = arith.index_cast %add3A_339 : i32 to index
        %swap3A_418 = arith.constant 96 : index
        %swap3A_419 = tpu.vector_load %arg11[%swap3A_417, %swap3A_418] {strides = array<i32>} : memref<200x128xf32, #tpu.memory_space<vmem>>, vector<1x16xf32>,
        %swap3A_420 = vector.shape_cast %swap3A_419 : vector<1x16xf32> to vector<16xf32>
        %swap3A_421 = vector.shape_cast %mul3A_416 : vector<16xf32> to vector<1x16xf32>
        tpu.vector_store %arg11[%swap3A_417, %swap3A_418], %swap3A_421 {strides = array<i32>} : memref<200x128xf32, #tpu.memory_space<vmem>>, vector<1x16xf32>,
        %get3A_422 = arith.index_cast %add3A_339 : i32 to index
        %get3A_423 = arith.constant 112 : index
        %get3A_424 = tpu.vector_load %arg11[%get3A_422, %get3A_423] {strides = array<i32>} : memref<200x128xf32, #tpu.memory_space<vmem>>, vector<1x16xf32>,
        %get3A_425 = vector.shape_cast %get3A_424 : vector<1x16xf32> to vector<16xf32>
        %mul3A_426 = arith.constant 11.3137083 : f32
        %mul3A_427 = vector.broadcast %mul3A_426 : f32 to vector<16xf32>
        %mul3A_428 = arith.mulf %get3A_425, %mul3A_427 : vector<16xf32>
        %swap3A_429 = arith.index_cast %add3A_339 : i32 to index
        %swap3A_430 = arith.constant 112 : index
        %swap3A_431 = tpu.vector_load %arg11[%swap3A_429, %swap3A_430] {strides = array<i32>} : memref<200x128xf32, #tpu.memory_space<vmem>>, vector<1x16xf32>,
        %swap3A_432 = vector.shape_cast %swap3A_431 : vector<1x16xf32> to vector<16xf32>
        %swap3A_433 = vector.shape_cast %mul3A_428 : vector<16xf32> to vector<1x16xf32>
        tpu.vector_store %arg11[%swap3A_429, %swap3A_430], %swap3A_433 {strides = array<i32>} : memref<200x128xf32, #tpu.memory_space<vmem>>, vector<1x16xf32>,
        %scan3A_434 = arith.constant 1 : i32
        %scan3A_435 = arith.addi %scan3A_335, %scan3A_434 : i32
        %mul3A_436 = arith.constant 1 : i32
        %mul3A_437 = arith.muli %scan3A_435, %mul3A_436 : i32
        %add3A_438 = arith.constant 0 : i32
        %add3A_439 = arith.addi %add3A_438, %mul3A_437 : i32
        %get3A_440 = arith.index_cast %add3A_439 : i32 to index
        %get3A_441 = arith.constant 0 : index
        %get3A_442 = tpu.vector_load %arg11[%get3A_440, %get3A_441] {strides = array<i32>} : memref<200x128xf32, #tpu.memory_space<vmem>>, vector<1x16xf32>,
        %get3A_443 = vector.shape_cast %get3A_442 : vector<1x16xf32> to vector<16xf32>
        %mul3A_444 = arith.constant 11.3137083 : f32
        %mul3A_445 = vector.broadcast %mul3A_444 : f32 to vector<16xf32>
        %mul3A_446 = arith.mulf %get3A_443, %mul3A_445 : vector<16xf32>
        %swap3A_447 = arith.index_cast %add3A_439 : i32 to index
        %swap3A_448 = arith.constant 0 : index
        %swap3A_449 = tpu.vector_load %arg11[%swap3A_447, %swap3A_448] {strides = array<i32>} : memref<200x128xf32, #tpu.memory_space<vmem>>, vector<1x16xf32>,
        %swap3A_450 = vector.shape_cast %swap3A_449 : vector<1x16xf32> to vector<16xf32>
        %swap3A_451 = vector.shape_cast %mul3A_446 : vector<16xf32> to vector<1x16xf32>
        tpu.vector_store %arg11[%swap3A_447, %swap3A_448], %swap3A_451 {strides = array<i32>} : memref<200x128xf32, #tpu.memory_space<vmem>>, vector<1x16xf32>,
        %get3A_452 = arith.index_cast %add3A_439 : i32 to index
        %get3A_453 = arith.constant 16 : index
        %get3A_454 = tpu.vector_load %arg11[%get3A_452, %get3A_453] {strides = array<i32>} : memref<200x128xf32, #tpu.memory_space<vmem>>, vector<1x16xf32>,
        %get3A_455 = vector.shape_cast %get3A_454 : vector<1x16xf32> to vector<16xf32>
        %mul3A_456 = arith.constant 11.3137083 : f32
        %mul3A_457 = vector.broadcast %mul3A_456 : f32 to vector<16xf32>
        %mul3A_458 = arith.mulf %get3A_455, %mul3A_457 : vector<16xf32>
        %swap3A_459 = arith.index_cast %add3A_439 : i32 to index
        %swap3A_460 = arith.constant 16 : index
        %swap3A_461 = tpu.vector_load %arg11[%swap3A_459, %swap3A_460] {strides = array<i32>} : memref<200x128xf32, #tpu.memory_space<vmem>>, vector<1x16xf32>,
        %swap3A_462 = vector.shape_cast %swap3A_461 : vector<1x16xf32> to vector<16xf32>
        %swap3A_463 = vector.shape_cast %mul3A_458 : vector<16xf32> to vector<1x16xf32>
        tpu.vector_store %arg11[%swap3A_459, %swap3A_460], %swap3A_463 {strides = array<i32>} : memref<200x128xf32, #tpu.memory_space<vmem>>, vector<1x16xf32>,
        %get3A_464 = arith.index_cast %add3A_439 : i32 to index
        %get3A_465 = arith.constant 32 : index
        %get3A_466 = tpu.vector_load %arg11[%get3A_464, %get3A_465] {strides = array<i32>} : memref<200x128xf32, #tpu.memory_space<vmem>>, vector<1x16xf32>,
        %get3A_467 = vector.shape_cast %get3A_466 : vector<1x16xf32> to vector<16xf32>
        %mul3A_468 = arith.constant 11.3137083 : f32
        %mul3A_469 = vector.broadcast %mul3A_468 : f32 to vector<16xf32>
        %mul3A_470 = arith.mulf %get3A_467, %mul3A_469 : vector<16xf32>
        %swap3A_471 = arith.index_cast %add3A_439 : i32 to index
        %swap3A_472 = arith.constant 32 : index
        %swap3A_473 = tpu.vector_load %arg11[%swap3A_471, %swap3A_472] {strides = array<i32>} : memref<200x128xf32, #tpu.memory_space<vmem>>, vector<1x16xf32>,
        %swap3A_474 = vector.shape_cast %swap3A_473 : vector<1x16xf32> to vector<16xf32>
        %swap3A_475 = vector.shape_cast %mul3A_470 : vector<16xf32> to vector<1x16xf32>
        tpu.vector_store %arg11[%swap3A_471, %swap3A_472], %swap3A_475 {strides = array<i32>} : memref<200x128xf32, #tpu.memory_space<vmem>>, vector<1x16xf32>,
        %get3A_476 = arith.index_cast %add3A_439 : i32 to index
        %get3A_477 = arith.constant 48 : index
        %get3A_478 = tpu.vector_load %arg11[%get3A_476, %get3A_477] {strides = array<i32>} : memref<200x128xf32, #tpu.memory_space<vmem>>, vector<1x16xf32>,
        %get3A_479 = vector.shape_cast %get3A_478 : vector<1x16xf32> to vector<16xf32>
        %mul3A_480 = arith.constant 11.3137083 : f32
        %mul3A_481 = vector.broadcast %mul3A_480 : f32 to vector<16xf32>
        %mul3A_482 = arith.mulf %get3A_479, %mul3A_481 : vector<16xf32>
        %swap3A_483 = arith.index_cast %add3A_439 : i32 to index
        %swap3A_484 = arith.constant 48 : index
        %swap3A_485 = tpu.vector_load %arg11[%swap3A_483, %swap3A_484] {strides = array<i32>} : memref<200x128xf32, #tpu.memory_space<vmem>>, vector<1x16xf32>,
        %swap3A_486 = vector.shape_cast %swap3A_485 : vector<1x16xf32> to vector<16xf32>
        %swap3A_487 = vector.shape_cast %mul3A_482 : vector<16xf32> to vector<1x16xf32>
        tpu.vector_store %arg11[%swap3A_483, %swap3A_484], %swap3A_487 {strides = array<i32>} : memref<200x128xf32, #tpu.memory_space<vmem>>, vector<1x16xf32>,
        %get3A_488 = arith.index_cast %add3A_439 : i32 to index
        %get3A_489 = arith.constant 64 : index
        %get3A_490 = tpu.vector_load %arg11[%get3A_488, %get3A_489] {strides = array<i32>} : memref<200x128xf32, #tpu.memory_space<vmem>>, vector<1x16xf32>,
        %get3A_491 = vector.shape_cast %get3A_490 : vector<1x16xf32> to vector<16xf32>
        %mul3A_492 = arith.constant 11.3137083 : f32
        %mul3A_493 = vector.broadcast %mul3A_492 : f32 to vector<16xf32>
        %mul3A_494 = arith.mulf %get3A_491, %mul3A_493 : vector<16xf32>
        %swap3A_495 = arith.index_cast %add3A_439 : i32 to index
        %swap3A_496 = arith.constant 64 : index
        %swap3A_497 = tpu.vector_load %arg11[%swap3A_495, %swap3A_496] {strides = array<i32>} : memref<200x128xf32, #tpu.memory_space<vmem>>, vector<1x16xf32>,
        %swap3A_498 = vector.shape_cast %swap3A_497 : vector<1x16xf32> to vector<16xf32>
        %swap3A_499 = vector.shape_cast %mul3A_494 : vector<16xf32> to vector<1x16xf32>
        tpu.vector_store %arg11[%swap3A_495, %swap3A_496], %swap3A_499 {strides = array<i32>} : memref<200x128xf32, #tpu.memory_space<vmem>>, vector<1x16xf32>,
        %get3A_500 = arith.index_cast %add3A_439 : i32 to index
        %get3A_501 = arith.constant 80 : index
        %get3A_502 = tpu.vector_load %arg11[%get3A_500, %get3A_501] {strides = array<i32>} : memref<200x128xf32, #tpu.memory_space<vmem>>, vector<1x16xf32>,
        %get3A_503 = vector.shape_cast %get3A_502 : vector<1x16xf32> to vector<16xf32>
        %mul3A_504 = arith.constant 11.3137083 : f32
        %mul3A_505 = vector.broadcast %mul3A_504 : f32 to vector<16xf32>
        %mul3A_506 = arith.mulf %get3A_503, %mul3A_505 : vector<16xf32>
        %swap3A_507 = arith.index_cast %add3A_439 : i32 to index
        %swap3A_508 = arith.constant 80 : index
        %swap3A_509 = tpu.vector_load %arg11[%swap3A_507, %swap3A_508] {strides = array<i32>} : memref<200x128xf32, #tpu.memory_space<vmem>>, vector<1x16xf32>,
        %swap3A_510 = vector.shape_cast %swap3A_509 : vector<1x16xf32> to vector<16xf32>
        %swap3A_511 = vector.shape_cast %mul3A_506 : vector<16xf32> to vector<1x16xf32>
        tpu.vector_store %arg11[%swap3A_507, %swap3A_508], %swap3A_511 {strides = array<i32>} : memref<200x128xf32, #tpu.memory_space<vmem>>, vector<1x16xf32>,
        %get3A_512 = arith.index_cast %add3A_439 : i32 to index
        %get3A_513 = arith.constant 96 : index
        %get3A_514 = tpu.vector_load %arg11[%get3A_512, %get3A_513] {strides = array<i32>} : memref<200x128xf32, #tpu.memory_space<vmem>>, vector<1x16xf32>,
        %get3A_515 = vector.shape_cast %get3A_514 : vector<1x16xf32> to vector<16xf32>
        %mul3A_516 = arith.constant 11.3137083 : f32
        %mul3A_517 = vector.broadcast %mul3A_516 : f32 to vector<16xf32>
        %mul3A_518 = arith.mulf %get3A_515, %mul3A_517 : vector<16xf32>
        %swap3A_519 = arith.index_cast %add3A_439 : i32 to index
        %swap3A_520 = arith.constant 96 : index
        %swap3A_521 = tpu.vector_load %arg11[%swap3A_519, %swap3A_520] {strides = array<i32>} : memref<200x128xf32, #tpu.memory_space<vmem>>, vector<1x16xf32>,
        %swap3A_522 = vector.shape_cast %swap3A_521 : vector<1x16xf32> to vector<16xf32>
        %swap3A_523 = vector.shape_cast %mul3A_518 : vector<16xf32> to vector<1x16xf32>
        tpu.vector_store %arg11[%swap3A_519, %swap3A_520], %swap3A_523 {strides = array<i32>} : memref<200x128xf32, #tpu.memory_space<vmem>>, vector<1x16xf32>,
        %get3A_524 = arith.index_cast %add3A_439 : i32 to index
        %get3A_525 = arith.constant 112 : index
        %get3A_526 = tpu.vector_load %arg11[%get3A_524, %get3A_525] {strides = array<i32>} : memref<200x128xf32, #tpu.memory_space<vmem>>, vector<1x16xf32>,
        %get3A_527 = vector.shape_cast %get3A_526 : vector<1x16xf32> to vector<16xf32>
        %mul3A_528 = arith.constant 11.3137083 : f32
        %mul3A_529 = vector.broadcast %mul3A_528 : f32 to vector<16xf32>
        %mul3A_530 = arith.mulf %get3A_527, %mul3A_529 : vector<16xf32>
        %swap3A_531 = arith.index_cast %add3A_439 : i32 to index
        %swap3A_532 = arith.constant 112 : index
        %swap3A_533 = tpu.vector_load %arg11[%swap3A_531, %swap3A_532] {strides = array<i32>} : memref<200x128xf32, #tpu.memory_space<vmem>>, vector<1x16xf32>,
        %swap3A_534 = vector.shape_cast %swap3A_533 : vector<1x16xf32> to vector<16xf32>
        %swap3A_535 = vector.shape_cast %mul3A_530 : vector<16xf32> to vector<1x16xf32>
        tpu.vector_store %arg11[%swap3A_531, %swap3A_532], %swap3A_535 {strides = array<i32>} : memref<200x128xf32, #tpu.memory_space<vmem>>, vector<1x16xf32>,
        %scan3A_536 = arith.constant 2 : i32
        %scan3A_537 = arith.addi %scan3A_335, %scan3A_536 : i32
        %mul3A_538 = arith.constant 1 : i32
        %mul3A_539 = arith.muli %scan3A_537, %mul3A_538 : i32
        %add3A_540 = arith.constant 0 : i32
        %add3A_541 = arith.addi %add3A_540, %mul3A_539 : i32
        %get3A_542 = arith.index_cast %add3A_541 : i32 to index
        %get3A_543 = arith.constant 0 : index
        %get3A_544 = tpu.vector_load %arg11[%get3A_542, %get3A_543] {strides = array<i32>} : memref<200x128xf32, #tpu.memory_space<vmem>>, vector<1x16xf32>,
        %get3A_545 = vector.shape_cast %get3A_544 : vector<1x16xf32> to vector<16xf32>
        %mul3A_546 = arith.constant 11.3137083 : f32
        %mul3A_547 = vector.broadcast %mul3A_546 : f32 to vector<16xf32>
        %mul3A_548 = arith.mulf %get3A_545, %mul3A_547 : vector<16xf32>
        %swap3A_549 = arith.index_cast %add3A_541 : i32 to index
        %swap3A_550 = arith.constant 0 : index
        %swap3A_551 = tpu.vector_load %arg11[%swap3A_549, %swap3A_550] {strides = array<i32>} : memref<200x128xf32, #tpu.memory_space<vmem>>, vector<1x16xf32>,
        %swap3A_552 = vector.shape_cast %swap3A_551 : vector<1x16xf32> to vector<16xf32>
        %swap3A_553 = vector.shape_cast %mul3A_548 : vector<16xf32> to vector<1x16xf32>
        tpu.vector_store %arg11[%swap3A_549, %swap3A_550], %swap3A_553 {strides = array<i32>} : memref<200x128xf32, #tpu.memory_space<vmem>>, vector<1x16xf32>,
        %get3A_554 = arith.index_cast %add3A_541 : i32 to index
        %get3A_555 = arith.constant 16 : index
        %get3A_556 = tpu.vector_load %arg11[%get3A_554, %get3A_555] {strides = array<i32>} : memref<200x128xf32, #tpu.memory_space<vmem>>, vector<1x16xf32>,
        %get3A_557 = vector.shape_cast %get3A_556 : vector<1x16xf32> to vector<16xf32>
        %mul3A_558 = arith.constant 11.3137083 : f32
        %mul3A_559 = vector.broadcast %mul3A_558 : f32 to vector<16xf32>
        %mul3A_560 = arith.mulf %get3A_557, %mul3A_559 : vector<16xf32>
        %swap3A_561 = arith.index_cast %add3A_541 : i32 to index
        %swap3A_562 = arith.constant 16 : index
        %swap3A_563 = tpu.vector_load %arg11[%swap3A_561, %swap3A_562] {strides = array<i32>} : memref<200x128xf32, #tpu.memory_space<vmem>>, vector<1x16xf32>,
        %swap3A_564 = vector.shape_cast %swap3A_563 : vector<1x16xf32> to vector<16xf32>
        %swap3A_565 = vector.shape_cast %mul3A_560 : vector<16xf32> to vector<1x16xf32>
        tpu.vector_store %arg11[%swap3A_561, %swap3A_562], %swap3A_565 {strides = array<i32>} : memref<200x128xf32, #tpu.memory_space<vmem>>, vector<1x16xf32>,
        %get3A_566 = arith.index_cast %add3A_541 : i32 to index
        %get3A_567 = arith.constant 32 : index
        %get3A_568 = tpu.vector_load %arg11[%get3A_566, %get3A_567] {strides = array<i32>} : memref<200x128xf32, #tpu.memory_space<vmem>>, vector<1x16xf32>,
        %get3A_569 = vector.shape_cast %get3A_568 : vector<1x16xf32> to vector<16xf32>
        %mul3A_570 = arith.constant 11.3137083 : f32
        %mul3A_571 = vector.broadcast %mul3A_570 : f32 to vector<16xf32>
        %mul3A_572 = arith.mulf %get3A_569, %mul3A_571 : vector<16xf32>
        %swap3A_573 = arith.index_cast %add3A_541 : i32 to index
        %swap3A_574 = arith.constant 32 : index
        %swap3A_575 = tpu.vector_load %arg11[%swap3A_573, %swap3A_574] {strides = array<i32>} : memref<200x128xf32, #tpu.memory_space<vmem>>, vector<1x16xf32>,
        %swap3A_576 = vector.shape_cast %swap3A_575 : vector<1x16xf32> to vector<16xf32>
        %swap3A_577 = vector.shape_cast %mul3A_572 : vector<16xf32> to vector<1x16xf32>
        tpu.vector_store %arg11[%swap3A_573, %swap3A_574], %swap3A_577 {strides = array<i32>} : memref<200x128xf32, #tpu.memory_space<vmem>>, vector<1x16xf32>,
        %get3A_578 = arith.index_cast %add3A_541 : i32 to index
        %get3A_579 = arith.constant 48 : index
        %get3A_580 = tpu.vector_load %arg11[%get3A_578, %get3A_579] {strides = array<i32>} : memref<200x128xf32, #tpu.memory_space<vmem>>, vector<1x16xf32>,
        %get3A_581 = vector.shape_cast %get3A_580 : vector<1x16xf32> to vector<16xf32>
        %mul3A_582 = arith.constant 11.3137083 : f32
        %mul3A_583 = vector.broadcast %mul3A_582 : f32 to vector<16xf32>
        %mul3A_584 = arith.mulf %get3A_581, %mul3A_583 : vector<16xf32>
        %swap3A_585 = arith.index_cast %add3A_541 : i32 to index
        %swap3A_586 = arith.constant 48 : index
        %swap3A_587 = tpu.vector_load %arg11[%swap3A_585, %swap3A_586] {strides = array<i32>} : memref<200x128xf32, #tpu.memory_space<vmem>>, vector<1x16xf32>,
        %swap3A_588 = vector.shape_cast %swap3A_587 : vector<1x16xf32> to vector<16xf32>
        %swap3A_589 = vector.shape_cast %mul3A_584 : vector<16xf32> to vector<1x16xf32>
        tpu.vector_store %arg11[%swap3A_585, %swap3A_586], %swap3A_589 {strides = array<i32>} : memref<200x128xf32, #tpu.memory_space<vmem>>, vector<1x16xf32>,
        %get3A_590 = arith.index_cast %add3A_541 : i32 to index
        %get3A_591 = arith.constant 64 : index
        %get3A_592 = tpu.vector_load %arg11[%get3A_590, %get3A_591] {strides = array<i32>} : memref<200x128xf32, #tpu.memory_space<vmem>>, vector<1x16xf32>,
        %get3A_593 = vector.shape_cast %get3A_592 : vector<1x16xf32> to vector<16xf32>
        %mul3A_594 = arith.constant 11.3137083 : f32
        %mul3A_595 = vector.broadcast %mul3A_594 : f32 to vector<16xf32>
        %mul3A_596 = arith.mulf %get3A_593, %mul3A_595 : vector<16xf32>
        %swap3A_597 = arith.index_cast %add3A_541 : i32 to index
        %swap3A_598 = arith.constant 64 : index
        %swap3A_599 = tpu.vector_load %arg11[%swap3A_597, %swap3A_598] {strides = array<i32>} : memref<200x128xf32, #tpu.memory_space<vmem>>, vector<1x16xf32>,
        %swap3A_600 = vector.shape_cast %swap3A_599 : vector<1x16xf32> to vector<16xf32>
        %swap3A_601 = vector.shape_cast %mul3A_596 : vector<16xf32> to vector<1x16xf32>
        tpu.vector_store %arg11[%swap3A_597, %swap3A_598], %swap3A_601 {strides = array<i32>} : memref<200x128xf32, #tpu.memory_space<vmem>>, vector<1x16xf32>,
        %get3A_602 = arith.index_cast %add3A_541 : i32 to index
        %get3A_603 = arith.constant 80 : index
        %get3A_604 = tpu.vector_load %arg11[%get3A_602, %get3A_603] {strides = array<i32>} : memref<200x128xf32, #tpu.memory_space<vmem>>, vector<1x16xf32>,
        %get3A_605 = vector.shape_cast %get3A_604 : vector<1x16xf32> to vector<16xf32>
        %mul3A_606 = arith.constant 11.3137083 : f32
        %mul3A_607 = vector.broadcast %mul3A_606 : f32 to vector<16xf32>
        %mul3A_608 = arith.mulf %get3A_605, %mul3A_607 : vector<16xf32>
        %swap3A_609 = arith.index_cast %add3A_541 : i32 to index
        %swap3A_610 = arith.constant 80 : index
        %swap3A_611 = tpu.vector_load %arg11[%swap3A_609, %swap3A_610] {strides = array<i32>} : memref<200x128xf32, #tpu.memory_space<vmem>>, vector<1x16xf32>,
        %swap3A_612 = vector.shape_cast %swap3A_611 : vector<1x16xf32> to vector<16xf32>
        %swap3A_613 = vector.shape_cast %mul3A_608 : vector<16xf32> to vector<1x16xf32>
        tpu.vector_store %arg11[%swap3A_609, %swap3A_610], %swap3A_613 {strides = array<i32>} : memref<200x128xf32, #tpu.memory_space<vmem>>, vector<1x16xf32>,
        %get3A_614 = arith.index_cast %add3A_541 : i32 to index
        %get3A_615 = arith.constant 96 : index
        %get3A_616 = tpu.vector_load %arg11[%get3A_614, %get3A_615] {strides = array<i32>} : memref<200x128xf32, #tpu.memory_space<vmem>>, vector<1x16xf32>,
        %get3A_617 = vector.shape_cast %get3A_616 : vector<1x16xf32> to vector<16xf32>
        %mul3A_618 = arith.constant 11.3137083 : f32
        %mul3A_619 = vector.broadcast %mul3A_618 : f32 to vector<16xf32>
        %mul3A_620 = arith.mulf %get3A_617, %mul3A_619 : vector<16xf32>
        %swap3A_621 = arith.index_cast %add3A_541 : i32 to index
        %swap3A_622 = arith.constant 96 : index
        %swap3A_623 = tpu.vector_load %arg11[%swap3A_621, %swap3A_622] {strides = array<i32>} : memref<200x128xf32, #tpu.memory_space<vmem>>, vector<1x16xf32>,
        %swap3A_624 = vector.shape_cast %swap3A_623 : vector<1x16xf32> to vector<16xf32>
        %swap3A_625 = vector.shape_cast %mul3A_620 : vector<16xf32> to vector<1x16xf32>
        tpu.vector_store %arg11[%swap3A_621, %swap3A_622], %swap3A_625 {strides = array<i32>} : memref<200x128xf32, #tpu.memory_space<vmem>>, vector<1x16xf32>,
        %get3A_626 = arith.index_cast %add3A_541 : i32 to index
        %get3A_627 = arith.constant 112 : index
        %get3A_628 = tpu.vector_load %arg11[%get3A_626, %get3A_627] {strides = array<i32>} : memref<200x128xf32, #tpu.memory_space<vmem>>, vector<1x16xf32>,
        %get3A_629 = vector.shape_cast %get3A_628 : vector<1x16xf32> to vector<16xf32>
        %mul3A_630 = arith.constant 11.3137083 : f32
        %mul3A_631 = vector.broadcast %mul3A_630 : f32 to vector<16xf32>
        %mul3A_632 = arith.mulf %get3A_629, %mul3A_631 : vector<16xf32>
        %swap3A_633 = arith.index_cast %add3A_541 : i32 to index
        %swap3A_634 = arith.constant 112 : index
        %swap3A_635 = tpu.vector_load %arg11[%swap3A_633, %swap3A_634] {strides = array<i32>} : memref<200x128xf32, #tpu.memory_space<vmem>>, vector<1x16xf32>,
        %swap3A_636 = vector.shape_cast %swap3A_635 : vector<1x16xf32> to vector<16xf32>
        %swap3A_637 = vector.shape_cast %mul3A_632 : vector<16xf32> to vector<1x16xf32>
        tpu.vector_store %arg11[%swap3A_633, %swap3A_634], %swap3A_637 {strides = array<i32>} : memref<200x128xf32, #tpu.memory_space<vmem>>, vector<1x16xf32>,
        %scan3A_638 = arith.constant 3 : i32
        %scan3A_639 = arith.addi %scan3A_335, %scan3A_638 : i32
        %mul3A_640 = arith.constant 1 : i32
        %mul3A_641 = arith.muli %scan3A_639, %mul3A_640 : i32
        %add3A_642 = arith.constant 0 : i32
        %add3A_643 = arith.addi %add3A_642, %mul3A_641 : i32
        %get3A_644 = arith.index_cast %add3A_643 : i32 to index
        %get3A_645 = arith.constant 0 : index
        %get3A_646 = tpu.vector_load %arg11[%get3A_644, %get3A_645] {strides = array<i32>} : memref<200x128xf32, #tpu.memory_space<vmem>>, vector<1x16xf32>,
        %get3A_647 = vector.shape_cast %get3A_646 : vector<1x16xf32> to vector<16xf32>
        %mul3A_648 = arith.constant 11.3137083 : f32
        %mul3A_649 = vector.broadcast %mul3A_648 : f32 to vector<16xf32>
        %mul3A_650 = arith.mulf %get3A_647, %mul3A_649 : vector<16xf32>
        %swap3A_651 = arith.index_cast %add3A_643 : i32 to index
        %swap3A_652 = arith.constant 0 : index
        %swap3A_653 = tpu.vector_load %arg11[%swap3A_651, %swap3A_652] {strides = array<i32>} : memref<200x128xf32, #tpu.memory_space<vmem>>, vector<1x16xf32>,
        %swap3A_654 = vector.shape_cast %swap3A_653 : vector<1x16xf32> to vector<16xf32>
        %swap3A_655 = vector.shape_cast %mul3A_650 : vector<16xf32> to vector<1x16xf32>
        tpu.vector_store %arg11[%swap3A_651, %swap3A_652], %swap3A_655 {strides = array<i32>} : memref<200x128xf32, #tpu.memory_space<vmem>>, vector<1x16xf32>,
        %get3A_656 = arith.index_cast %add3A_643 : i32 to index
        %get3A_657 = arith.constant 16 : index
        %get3A_658 = tpu.vector_load %arg11[%get3A_656, %get3A_657] {strides = array<i32>} : memref<200x128xf32, #tpu.memory_space<vmem>>, vector<1x16xf32>,
        %get3A_659 = vector.shape_cast %get3A_658 : vector<1x16xf32> to vector<16xf32>
        %mul3A_660 = arith.constant 11.3137083 : f32
        %mul3A_661 = vector.broadcast %mul3A_660 : f32 to vector<16xf32>
        %mul3A_662 = arith.mulf %get3A_659, %mul3A_661 : vector<16xf32>
        %swap3A_663 = arith.index_cast %add3A_643 : i32 to index
        %swap3A_664 = arith.constant 16 : index
        %swap3A_665 = tpu.vector_load %arg11[%swap3A_663, %swap3A_664] {strides = array<i32>} : memref<200x128xf32, #tpu.memory_space<vmem>>, vector<1x16xf32>,
        %swap3A_666 = vector.shape_cast %swap3A_665 : vector<1x16xf32> to vector<16xf32>
        %swap3A_667 = vector.shape_cast %mul3A_662 : vector<16xf32> to vector<1x16xf32>
        tpu.vector_store %arg11[%swap3A_663, %swap3A_664], %swap3A_667 {strides = array<i32>} : memref<200x128xf32, #tpu.memory_space<vmem>>, vector<1x16xf32>,
        %get3A_668 = arith.index_cast %add3A_643 : i32 to index
        %get3A_669 = arith.constant 32 : index
        %get3A_670 = tpu.vector_load %arg11[%get3A_668, %get3A_669] {strides = array<i32>} : memref<200x128xf32, #tpu.memory_space<vmem>>, vector<1x16xf32>,
        %get3A_671 = vector.shape_cast %get3A_670 : vector<1x16xf32> to vector<16xf32>
        %mul3A_672 = arith.constant 11.3137083 : f32
        %mul3A_673 = vector.broadcast %mul3A_672 : f32 to vector<16xf32>
        %mul3A_674 = arith.mulf %get3A_671, %mul3A_673 : vector<16xf32>
        %swap3A_675 = arith.index_cast %add3A_643 : i32 to index
        %swap3A_676 = arith.constant 32 : index
        %swap3A_677 = tpu.vector_load %arg11[%swap3A_675, %swap3A_676] {strides = array<i32>} : memref<200x128xf32, #tpu.memory_space<vmem>>, vector<1x16xf32>,
        %swap3A_678 = vector.shape_cast %swap3A_677 : vector<1x16xf32> to vector<16xf32>
        %swap3A_679 = vector.shape_cast %mul3A_674 : vector<16xf32> to vector<1x16xf32>
        tpu.vector_store %arg11[%swap3A_675, %swap3A_676], %swap3A_679 {strides = array<i32>} : memref<200x128xf32, #tpu.memory_space<vmem>>, vector<1x16xf32>,
        %get3A_680 = arith.index_cast %add3A_643 : i32 to index
        %get3A_681 = arith.constant 48 : index
        %get3A_682 = tpu.vector_load %arg11[%get3A_680, %get3A_681] {strides = array<i32>} : memref<200x128xf32, #tpu.memory_space<vmem>>, vector<1x16xf32>,
        %get3A_683 = vector.shape_cast %get3A_682 : vector<1x16xf32> to vector<16xf32>
        %mul3A_684 = arith.constant 11.3137083 : f32
        %mul3A_685 = vector.broadcast %mul3A_684 : f32 to vector<16xf32>
        %mul3A_686 = arith.mulf %get3A_683, %mul3A_685 : vector<16xf32>
        %swap3A_687 = arith.index_cast %add3A_643 : i32 to index
        %swap3A_688 = arith.constant 48 : index
        %swap3A_689 = tpu.vector_load %arg11[%swap3A_687, %swap3A_688] {strides = array<i32>} : memref<200x128xf32, #tpu.memory_space<vmem>>, vector<1x16xf32>,
        %swap3A_690 = vector.shape_cast %swap3A_689 : vector<1x16xf32> to vector<16xf32>
        %swap3A_691 = vector.shape_cast %mul3A_686 : vector<16xf32> to vector<1x16xf32>
        tpu.vector_store %arg11[%swap3A_687, %swap3A_688], %swap3A_691 {strides = array<i32>} : memref<200x128xf32, #tpu.memory_space<vmem>>, vector<1x16xf32>,
        %get3A_692 = arith.index_cast %add3A_643 : i32 to index
        %get3A_693 = arith.constant 64 : index
        %get3A_694 = tpu.vector_load %arg11[%get3A_692, %get3A_693] {strides = array<i32>} : memref<200x128xf32, #tpu.memory_space<vmem>>, vector<1x16xf32>,
        %get3A_695 = vector.shape_cast %get3A_694 : vector<1x16xf32> to vector<16xf32>
        %mul3A_696 = arith.constant 11.3137083 : f32
        %mul3A_697 = vector.broadcast %mul3A_696 : f32 to vector<16xf32>
        %mul3A_698 = arith.mulf %get3A_695, %mul3A_697 : vector<16xf32>
        %swap3A_699 = arith.index_cast %add3A_643 : i32 to index
        %swap3A_700 = arith.constant 64 : index
        %swap3A_701 = tpu.vector_load %arg11[%swap3A_699, %swap3A_700] {strides = array<i32>} : memref<200x128xf32, #tpu.memory_space<vmem>>, vector<1x16xf32>,
        %swap3A_702 = vector.shape_cast %swap3A_701 : vector<1x16xf32> to vector<16xf32>
        %swap3A_703 = vector.shape_cast %mul3A_698 : vector<16xf32> to vector<1x16xf32>
        tpu.vector_store %arg11[%swap3A_699, %swap3A_700], %swap3A_703 {strides = array<i32>} : memref<200x128xf32, #tpu.memory_space<vmem>>, vector<1x16xf32>,
        %get3A_704 = arith.index_cast %add3A_643 : i32 to index
        %get3A_705 = arith.constant 80 : index
        %get3A_706 = tpu.vector_load %arg11[%get3A_704, %get3A_705] {strides = array<i32>} : memref<200x128xf32, #tpu.memory_space<vmem>>, vector<1x16xf32>,
        %get3A_707 = vector.shape_cast %get3A_706 : vector<1x16xf32> to vector<16xf32>
        %mul3A_708 = arith.constant 11.3137083 : f32
        %mul3A_709 = vector.broadcast %mul3A_708 : f32 to vector<16xf32>
        %mul3A_710 = arith.mulf %get3A_707, %mul3A_709 : vector<16xf32>
        %swap3A_711 = arith.index_cast %add3A_643 : i32 to index
        %swap3A_712 = arith.constant 80 : index
        %swap3A_713 = tpu.vector_load %arg11[%swap3A_711, %swap3A_712] {strides = array<i32>} : memref<200x128xf32, #tpu.memory_space<vmem>>, vector<1x16xf32>,
        %swap3A_714 = vector.shape_cast %swap3A_713 : vector<1x16xf32> to vector<16xf32>
        %swap3A_715 = vector.shape_cast %mul3A_710 : vector<16xf32> to vector<1x16xf32>
        tpu.vector_store %arg11[%swap3A_711, %swap3A_712], %swap3A_715 {strides = array<i32>} : memref<200x128xf32, #tpu.memory_space<vmem>>, vector<1x16xf32>,
        %get3A_716 = arith.index_cast %add3A_643 : i32 to index
        %get3A_717 = arith.constant 96 : index
        %get3A_718 = tpu.vector_load %arg11[%get3A_716, %get3A_717] {strides = array<i32>} : memref<200x128xf32, #tpu.memory_space<vmem>>, vector<1x16xf32>,
        %get3A_719 = vector.shape_cast %get3A_718 : vector<1x16xf32> to vector<16xf32>
        %mul3A_720 = arith.constant 11.3137083 : f32
        %mul3A_721 = vector.broadcast %mul3A_720 : f32 to vector<16xf32>
        %mul3A_722 = arith.mulf %get3A_719, %mul3A_721 : vector<16xf32>
        %swap3A_723 = arith.index_cast %add3A_643 : i32 to index
        %swap3A_724 = arith.constant 96 : index
        %swap3A_725 = tpu.vector_load %arg11[%swap3A_723, %swap3A_724] {strides = array<i32>} : memref<200x128xf32, #tpu.memory_space<vmem>>, vector<1x16xf32>,
        %swap3A_726 = vector.shape_cast %swap3A_725 : vector<1x16xf32> to vector<16xf32>
        %swap3A_727 = vector.shape_cast %mul3A_722 : vector<16xf32> to vector<1x16xf32>
        tpu.vector_store %arg11[%swap3A_723, %swap3A_724], %swap3A_727 {strides = array<i32>} : memref<200x128xf32, #tpu.memory_space<vmem>>, vector<1x16xf32>,
        %get3A_728 = arith.index_cast %add3A_643 : i32 to index
        %get3A_729 = arith.constant 112 : index
        %get3A_730 = tpu.vector_load %arg11[%get3A_728, %get3A_729] {strides = array<i32>} : memref<200x128xf32, #tpu.memory_space<vmem>>, vector<1x16xf32>,
        %get3A_731 = vector.shape_cast %get3A_730 : vector<1x16xf32> to vector<16xf32>
        %mul3A_732 = arith.constant 11.3137083 : f32
        %mul3A_733 = vector.broadcast %mul3A_732 : f32 to vector<16xf32>
        %mul3A_734 = arith.mulf %get3A_731, %mul3A_733 : vector<16xf32>
        %swap3A_735 = arith.index_cast %add3A_643 : i32 to index
        %swap3A_736 = arith.constant 112 : index
        %swap3A_737 = tpu.vector_load %arg11[%swap3A_735, %swap3A_736] {strides = array<i32>} : memref<200x128xf32, #tpu.memory_space<vmem>>, vector<1x16xf32>,
        %swap3A_738 = vector.shape_cast %swap3A_737 : vector<1x16xf32> to vector<16xf32>
        %swap3A_739 = vector.shape_cast %mul3A_734 : vector<16xf32> to vector<1x16xf32>
        tpu.vector_store %arg11[%swap3A_735, %swap3A_736], %swap3A_739 {strides = array<i32>} : memref<200x128xf32, #tpu.memory_space<vmem>>, vector<1x16xf32>,
      }
      %scan3A_272 = arith.constant 200 : i32
      %add3A_273 = arith.addi %mul3A_2, %add3A_244 : i32
      %dma_start3A_274 = arith.constant 0 : i32
      %dma_start3A_275 = arith.constant 0 : i32
      %dma_start3A_276 = tpu.memref_slice %arg4[%add3A_273, %dma_start3A_274, %dma_start3A_275] : memref<1024x200x128xf32, #tpu.memory_space<hbm>> -> memref<1x200x128xf32, #tpu.memory_space<hbm>>
      %dma_start3A_277 = tpu.memref_squeeze %dma_start3A_276 : memref<1x200x128xf32, #tpu.memory_space<hbm>> -> memref<200x128xf32, #tpu.memory_space<hbm>>
      %dma_start3A_278 = arith.constant 0 : i32
      %dma_start3A_279 = arith.constant 0 : i32
      %dma_start3A_280 = tpu.memref_slice %arg4[%add3A_273, %dma_start3A_278, %dma_start3A_279] : memref<1024x200x128xf32, #tpu.memory_space<hbm>> -> memref<1x200x128xf32, #tpu.memory_space<hbm>>
      %dma_start3A_281 = tpu.memref_squeeze %dma_start3A_280 : memref<1x200x128xf32, #tpu.memory_space<hbm>> -> memref<200x128xf32, #tpu.memory_space<hbm>>
      tpu.enqueue_dma source(%arg11 : memref<200x128xf32, #tpu.memory_space<vmem>>) target(%dma_start3A_281 : memref<200x128xf32, #tpu.memory_space<hbm>>) target_semaphore(%arg23 : memref<!tpu.dma_semaphore, #tpu.memory_space<semaphore_mem>>)
      %add3A_282 = arith.constant 3 : i32
      %add3A_283 = arith.addi %add3A_244, %add3A_282 : i32
      %lt3A_284 = arith.constant 32 : i32
      %lt3A_285 = arith.cmpi slt, %add3A_283, %lt3A_284 : i32
      %convert_element_type3A_286 = arith.extui %lt3A_285 : i1 to i32
      %cond3A_287 = arith.constant 0 : i32
      %cond3A_288 = arith.cmpi ne, %convert_element_type3A_286, %cond3A_287 : i32
      scf.if %cond3A_288 {
        %ge3A = arith.constant 4 : i32
        %ge3A_335 = arith.cmpi sge, %add3A_283, %ge3A : i32
        %convert_element_type3A_336 = arith.extui %ge3A_335 : i1 to i32
        %cond3A_337 = arith.constant 0 : i32
        %cond3A_338 = arith.cmpi ne, %convert_element_type3A_336, %cond3A_337 : i32
        scf.if %cond3A_338 {
          %sub3A = arith.constant 4 : i32
          %sub3A_362 = arith.subi %add3A_283, %sub3A : i32
          %add3A_363 = arith.addi %mul3A_2, %sub3A_362 : i32
          %dma_wait3A_364 = arith.constant 0 : i32
          %dma_wait3A_365 = arith.constant 0 : i32
          %dma_wait3A_366 = tpu.memref_slice %arg4[%add3A_363, %dma_wait3A_364, %dma_wait3A_365] : memref<1024x200x128xf32, #tpu.memory_space<hbm>> -> memref<1x200x128xf32, #tpu.memory_space<hbm>>
          %dma_wait3A_367 = tpu.memref_squeeze %dma_wait3A_366 : memref<1x200x128xf32, #tpu.memory_space<hbm>> -> memref<200x128xf32, #tpu.memory_space<hbm>>
          %dma_wait3A_368 = arith.constant 0 : i32
          %dma_wait3A_369 = arith.constant 0 : i32
          %dma_wait3A_370 = tpu.memref_slice %arg4[%add3A_363, %dma_wait3A_368, %dma_wait3A_369] : memref<1024x200x128xf32, #tpu.memory_space<hbm>> -> memref<1x200x128xf32, #tpu.memory_space<hbm>>
          %dma_wait3A_371 = tpu.memref_squeeze %dma_wait3A_370 : memref<1x200x128xf32, #tpu.memory_space<hbm>> -> memref<200x128xf32, #tpu.memory_space<hbm>>
          tpu.wait_dma2 semaphore(%arg22 : memref<!tpu.dma_semaphore, #tpu.memory_space<semaphore_mem>>) src(%arg10 : memref<200x128xf32, #tpu.memory_space<vmem>>) dst(%dma_wait3A_371 : memref<200x128xf32, #tpu.memory_space<hbm>>)
        } else {
        }
        %add3A_339 = arith.addi %mul3A_2, %add3A_283 : i32
        %dma_wait3A_340 = arith.constant 0 : i32
        %dma_wait3A_341 = tpu.memref_slice %arg2[%add3A_339, %dma_wait3A_340] : memref<1024x200xi32, #tpu.memory_space<hbm>> -> memref<1x200xi32, #tpu.memory_space<hbm>>
        %dma_wait3A_342 = tpu.memref_squeeze %dma_wait3A_341 : memref<1x200xi32, #tpu.memory_space<hbm>> -> memref<200xi32, #tpu.memory_space<hbm>>
        %dma_wait3A_343 = arith.constant 0 : i32
        %dma_wait3A_344 = tpu.memref_slice %arg2[%add3A_339, %dma_wait3A_343] : memref<1024x200xi32, #tpu.memory_space<hbm>> -> memref<1x200xi32, #tpu.memory_space<hbm>>
        %dma_wait3A_345 = tpu.memref_squeeze %dma_wait3A_344 : memref<1x200xi32, #tpu.memory_space<hbm>> -> memref<200xi32, #tpu.memory_space<hbm>>
        tpu.wait_dma2 semaphore(%arg14 : memref<!tpu.dma_semaphore, #tpu.memory_space<semaphore_mem>>) src(%dma_wait3A_345 : memref<200xi32, #tpu.memory_space<hbm>>) dst(%arg6 : memref<200xi32, #tpu.memory_space<vmem>>)
        %dma_start3A_346 = arith.constant 0 : i32
        %dma_start3A_347 = arith.constant 0 : i32
        %dma_start3A_348 = tpu.memref_slice %arg10[%dma_start3A_346, %dma_start3A_347] : memref<200x128xf32, #tpu.memory_space<vmem>> -> memref<128x128xf32, #tpu.memory_space<vmem>>
        %dma_start3A_349 = arith.constant 0 : i32
        %dma_start3A_350 = tpu.memref_slice %arg6[%dma_start3A_349] : memref<200xi32, #tpu.memory_space<vmem>> -> memref<128xi32, #tpu.memory_space<vmem>>
        %dma_start3A_351 = arith.constant 0 : i32
        %dma_start3A_352 = arith.constant 0 : i32
        %dma_start3A_353 = tpu.memref_slice %arg3[%dma_start3A_351, %dma_start3A_352] : memref<1000000x128xf32, #tpu.memory_space<hbm>> -> memref<1000000x128xf32, #tpu.memory_space<hbm>>
        tpu.enqueue_indirect_dma source(%dma_start3A_353 : memref<1000000x128xf32, #tpu.memory_space<hbm>>) target(%dma_start3A_348 : memref<128x128xf32, #tpu.memory_space<vmem>>) offsets(%dma_start3A_350 : memref<128xi32, #tpu.memory_space<vmem>>) semaphore(%arg18 : memref<!tpu.dma_semaphore, #tpu.memory_space<semaphore_mem>>)
        %dma_start3A_354 = arith.constant 128 : i32
        %dma_start3A_355 = arith.constant 0 : i32
        %dma_start3A_356 = tpu.memref_slice %arg10[%dma_start3A_354, %dma_start3A_355] : memref<200x128xf32, #tpu.memory_space<vmem>> -> memref<72x128xf32, #tpu.memory_space<vmem>>
        %dma_start3A_357 = arith.constant 128 : i32
        %dma_start3A_358 = tpu.memref_slice %arg6[%dma_start3A_357] : memref<200xi32, #tpu.memory_space<vmem>> -> memref<72xi32, #tpu.memory_space<vmem>>
        %dma_start3A_359 = arith.constant 0 : i32
        %dma_start3A_360 = arith.constant 0 : i32
        %dma_start3A_361 = tpu.memref_slice %arg3[%dma_start3A_359, %dma_start3A_360] : memref<1000000x128xf32, #tpu.memory_space<hbm>> -> memref<1000000x128xf32, #tpu.memory_space<hbm>>
        tpu.enqueue_indirect_dma source(%dma_start3A_361 : memref<1000000x128xf32, #tpu.memory_space<hbm>>) target(%dma_start3A_356 : memref<72x128xf32, #tpu.memory_space<vmem>>) offsets(%dma_start3A_358 : memref<72xi32, #tpu.memory_space<vmem>>) semaphore(%arg18 : memref<!tpu.dma_semaphore, #tpu.memory_space<semaphore_mem>>)
      } else {
      }
      %add3A_289 = arith.constant 3 : i32
      %add3A_290 = arith.addi %add3A_153, %add3A_289 : i32
      %dma_wait3A_291 = arith.constant 0 : i32
      %dma_wait3A_292 = arith.constant 0 : i32
      %dma_wait3A_293 = tpu.memref_slice %arg12[%dma_wait3A_291, %dma_wait3A_292] : memref<200x128xf32, #tpu.memory_space<vmem>> -> memref<128x128xf32, #tpu.memory_space<vmem>>
      %dma_wait3A_294 = arith.constant 0 : i32
      %dma_wait3A_295 = tpu.memref_slice %arg8[%dma_wait3A_294] : memref<200xi32, #tpu.memory_space<vmem>> -> memref<128xi32, #tpu.memory_space<vmem>>
      %dma_wait3A_296 = arith.constant 0 : i32
      %dma_wait3A_297 = arith.constant 0 : i32
      %dma_wait3A_298 = tpu.memref_slice %arg3[%dma_wait3A_296, %dma_wait3A_297] : memref<1000000x128xf32, #tpu.memory_space<hbm>> -> memref<1000000x128xf32, #tpu.memory_space<hbm>>
      tpu.wait_indirect_dma semaphore(%arg20 : memref<!tpu.dma_semaphore, #tpu.memory_space<semaphore_mem>>) src(%dma_wait3A_298 : memref<1000000x128xf32, #tpu.memory_space<hbm>>) dst(%dma_wait3A_293 : memref<128x128xf32, #tpu.memory_space<vmem>>)
      %dma_wait3A_299 = arith.constant 128 : i32
      %dma_wait3A_300 = arith.constant 0 : i32
      %dma_wait3A_301 = tpu.memref_slice %arg12[%dma_wait3A_299, %dma_wait3A_300] : memref<200x128xf32, #tpu.memory_space<vmem>> -> memref<72x128xf32, #tpu.memory_space<vmem>>
      %dma_wait3A_302 = arith.constant 128 : i32
      %dma_wait3A_303 = tpu.memref_slice %arg8[%dma_wait3A_302] : memref<200xi32, #tpu.memory_space<vmem>> -> memref<72xi32, #tpu.memory_space<vmem>>
      %dma_wait3A_304 = arith.constant 0 : i32
      %dma_wait3A_305 = arith.constant 0 : i32
      %dma_wait3A_306 = tpu.memref_slice %arg3[%dma_wait3A_304, %dma_wait3A_305] : memref<1000000x128xf32, #tpu.memory_space<hbm>> -> memref<1000000x128xf32, #tpu.memory_space<hbm>>
      tpu.wait_indirect_dma semaphore(%arg20 : memref<!tpu.dma_semaphore, #tpu.memory_space<semaphore_mem>>) src(%dma_wait3A_306 : memref<1000000x128xf32, #tpu.memory_space<hbm>>) dst(%dma_wait3A_301 : memref<72x128xf32, #tpu.memory_space<vmem>>)
      %add3A_307 = arith.constant 4 : i32
      %add3A_308 = arith.addi %add3A_290, %add3A_307 : i32
      %lt3A_309 = arith.constant 32 : i32
      %lt3A_310 = arith.cmpi slt, %add3A_308, %lt3A_309 : i32
      %convert_element_type3A_311 = arith.extui %lt3A_310 : i1 to i32
      %cond3A_312 = arith.constant 0 : i32
      %cond3A_313 = arith.cmpi ne, %convert_element_type3A_311, %cond3A_312 : i32
      scf.if %cond3A_313 {
        %add3A_335 = arith.addi %mul3A_2, %add3A_308 : i32
        %dma_start3A_336 = arith.constant 0 : i32
        %dma_start3A_337 = tpu.memref_slice %arg2[%add3A_335, %dma_start3A_336] : memref<1024x200xi32, #tpu.memory_space<hbm>> -> memref<1x200xi32, #tpu.memory_space<hbm>>
        %dma_start3A_338 = tpu.memref_squeeze %dma_start3A_337 : memref<1x200xi32, #tpu.memory_space<hbm>> -> memref<200xi32, #tpu.memory_space<hbm>>
        %dma_start3A_339 = arith.constant 0 : i32
        %dma_start3A_340 = tpu.memref_slice %arg2[%add3A_335, %dma_start3A_339] : memref<1024x200xi32, #tpu.memory_space<hbm>> -> memref<1x200xi32, #tpu.memory_space<hbm>>
        %dma_start3A_341 = tpu.memref_squeeze %dma_start3A_340 : memref<1x200xi32, #tpu.memory_space<hbm>> -> memref<200xi32, #tpu.memory_space<hbm>>
        tpu.enqueue_dma source(%dma_start3A_341 : memref<200xi32, #tpu.memory_space<hbm>>) target(%arg8 : memref<200xi32, #tpu.memory_space<vmem>>) target_semaphore(%arg16 : memref<!tpu.dma_semaphore, #tpu.memory_space<semaphore_mem>>)
      } else {
      }
      %scan3A_314 = arith.constant 0 : i32
      %scan3A_315 = arith.constant 200 : i32
      %scan3A_316 = arith.addi %scan3A_314, %scan3A_315 : i32
      %scan3A_317 = arith.constant 4 : i32
      scf.for %scan3A_335 = %scan3A_314 to %scan3A_316 step %scan3A_317  : i32 {
        %mul3A_336 = arith.constant 1 : i32
        %mul3A_337 = arith.muli %scan3A_335, %mul3A_336 : i32
        %add3A_338 = arith.constant 0 : i32
        %add3A_339 = arith.addi %add3A_338, %mul3A_337 : i32
        %get3A = arith.index_cast %add3A_339 : i32 to index
        %get3A_340 = arith.constant 0 : index
        %get3A_341 = tpu.vector_load %arg12[%get3A, %get3A_340] {strides = array<i32>} : memref<200x128xf32, #tpu.memory_space<vmem>>, vector<1x16xf32>,
        %get3A_342 = vector.shape_cast %get3A_341 : vector<1x16xf32> to vector<16xf32>
        %mul3A_343 = arith.constant 11.3137083 : f32
        %mul3A_344 = vector.broadcast %mul3A_343 : f32 to vector<16xf32>
        %mul3A_345 = arith.mulf %get3A_342, %mul3A_344 : vector<16xf32>
        %swap3A = arith.index_cast %add3A_339 : i32 to index
        %swap3A_346 = arith.constant 0 : index
        %swap3A_347 = tpu.vector_load %arg12[%swap3A, %swap3A_346] {strides = array<i32>} : memref<200x128xf32, #tpu.memory_space<vmem>>, vector<1x16xf32>,
        %swap3A_348 = vector.shape_cast %swap3A_347 : vector<1x16xf32> to vector<16xf32>
        %swap3A_349 = vector.shape_cast %mul3A_345 : vector<16xf32> to vector<1x16xf32>
        tpu.vector_store %arg12[%swap3A, %swap3A_346], %swap3A_349 {strides = array<i32>} : memref<200x128xf32, #tpu.memory_space<vmem>>, vector<1x16xf32>,
        %get3A_350 = arith.index_cast %add3A_339 : i32 to index
        %get3A_351 = arith.constant 16 : index
        %get3A_352 = tpu.vector_load %arg12[%get3A_350, %get3A_351] {strides = array<i32>} : memref<200x128xf32, #tpu.memory_space<vmem>>, vector<1x16xf32>,
        %get3A_353 = vector.shape_cast %get3A_352 : vector<1x16xf32> to vector<16xf32>
        %mul3A_354 = arith.constant 11.3137083 : f32
        %mul3A_355 = vector.broadcast %mul3A_354 : f32 to vector<16xf32>
        %mul3A_356 = arith.mulf %get3A_353, %mul3A_355 : vector<16xf32>
        %swap3A_357 = arith.index_cast %add3A_339 : i32 to index
        %swap3A_358 = arith.constant 16 : index
        %swap3A_359 = tpu.vector_load %arg12[%swap3A_357, %swap3A_358] {strides = array<i32>} : memref<200x128xf32, #tpu.memory_space<vmem>>, vector<1x16xf32>,
        %swap3A_360 = vector.shape_cast %swap3A_359 : vector<1x16xf32> to vector<16xf32>
        %swap3A_361 = vector.shape_cast %mul3A_356 : vector<16xf32> to vector<1x16xf32>
        tpu.vector_store %arg12[%swap3A_357, %swap3A_358], %swap3A_361 {strides = array<i32>} : memref<200x128xf32, #tpu.memory_space<vmem>>, vector<1x16xf32>,
        %get3A_362 = arith.index_cast %add3A_339 : i32 to index
        %get3A_363 = arith.constant 32 : index
        %get3A_364 = tpu.vector_load %arg12[%get3A_362, %get3A_363] {strides = array<i32>} : memref<200x128xf32, #tpu.memory_space<vmem>>, vector<1x16xf32>,
        %get3A_365 = vector.shape_cast %get3A_364 : vector<1x16xf32> to vector<16xf32>
        %mul3A_366 = arith.constant 11.3137083 : f32
        %mul3A_367 = vector.broadcast %mul3A_366 : f32 to vector<16xf32>
        %mul3A_368 = arith.mulf %get3A_365, %mul3A_367 : vector<16xf32>
        %swap3A_369 = arith.index_cast %add3A_339 : i32 to index
        %swap3A_370 = arith.constant 32 : index
        %swap3A_371 = tpu.vector_load %arg12[%swap3A_369, %swap3A_370] {strides = array<i32>} : memref<200x128xf32, #tpu.memory_space<vmem>>, vector<1x16xf32>,
        %swap3A_372 = vector.shape_cast %swap3A_371 : vector<1x16xf32> to vector<16xf32>
        %swap3A_373 = vector.shape_cast %mul3A_368 : vector<16xf32> to vector<1x16xf32>
        tpu.vector_store %arg12[%swap3A_369, %swap3A_370], %swap3A_373 {strides = array<i32>} : memref<200x128xf32, #tpu.memory_space<vmem>>, vector<1x16xf32>,
        %get3A_374 = arith.index_cast %add3A_339 : i32 to index
        %get3A_375 = arith.constant 48 : index
        %get3A_376 = tpu.vector_load %arg12[%get3A_374, %get3A_375] {strides = array<i32>} : memref<200x128xf32, #tpu.memory_space<vmem>>, vector<1x16xf32>,
        %get3A_377 = vector.shape_cast %get3A_376 : vector<1x16xf32> to vector<16xf32>
        %mul3A_378 = arith.constant 11.3137083 : f32
        %mul3A_379 = vector.broadcast %mul3A_378 : f32 to vector<16xf32>
        %mul3A_380 = arith.mulf %get3A_377, %mul3A_379 : vector<16xf32>
        %swap3A_381 = arith.index_cast %add3A_339 : i32 to index
        %swap3A_382 = arith.constant 48 : index
        %swap3A_383 = tpu.vector_load %arg12[%swap3A_381, %swap3A_382] {strides = array<i32>} : memref<200x128xf32, #tpu.memory_space<vmem>>, vector<1x16xf32>,
        %swap3A_384 = vector.shape_cast %swap3A_383 : vector<1x16xf32> to vector<16xf32>
        %swap3A_385 = vector.shape_cast %mul3A_380 : vector<16xf32> to vector<1x16xf32>
        tpu.vector_store %arg12[%swap3A_381, %swap3A_382], %swap3A_385 {strides = array<i32>} : memref<200x128xf32, #tpu.memory_space<vmem>>, vector<1x16xf32>,
        %get3A_386 = arith.index_cast %add3A_339 : i32 to index
        %get3A_387 = arith.constant 64 : index
        %get3A_388 = tpu.vector_load %arg12[%get3A_386, %get3A_387] {strides = array<i32>} : memref<200x128xf32, #tpu.memory_space<vmem>>, vector<1x16xf32>,
        %get3A_389 = vector.shape_cast %get3A_388 : vector<1x16xf32> to vector<16xf32>
        %mul3A_390 = arith.constant 11.3137083 : f32
        %mul3A_391 = vector.broadcast %mul3A_390 : f32 to vector<16xf32>
        %mul3A_392 = arith.mulf %get3A_389, %mul3A_391 : vector<16xf32>
        %swap3A_393 = arith.index_cast %add3A_339 : i32 to index
        %swap3A_394 = arith.constant 64 : index
        %swap3A_395 = tpu.vector_load %arg12[%swap3A_393, %swap3A_394] {strides = array<i32>} : memref<200x128xf32, #tpu.memory_space<vmem>>, vector<1x16xf32>,
        %swap3A_396 = vector.shape_cast %swap3A_395 : vector<1x16xf32> to vector<16xf32>
        %swap3A_397 = vector.shape_cast %mul3A_392 : vector<16xf32> to vector<1x16xf32>
        tpu.vector_store %arg12[%swap3A_393, %swap3A_394], %swap3A_397 {strides = array<i32>} : memref<200x128xf32, #tpu.memory_space<vmem>>, vector<1x16xf32>,
        %get3A_398 = arith.index_cast %add3A_339 : i32 to index
        %get3A_399 = arith.constant 80 : index
        %get3A_400 = tpu.vector_load %arg12[%get3A_398, %get3A_399] {strides = array<i32>} : memref<200x128xf32, #tpu.memory_space<vmem>>, vector<1x16xf32>,
        %get3A_401 = vector.shape_cast %get3A_400 : vector<1x16xf32> to vector<16xf32>
        %mul3A_402 = arith.constant 11.3137083 : f32
        %mul3A_403 = vector.broadcast %mul3A_402 : f32 to vector<16xf32>
        %mul3A_404 = arith.mulf %get3A_401, %mul3A_403 : vector<16xf32>
        %swap3A_405 = arith.index_cast %add3A_339 : i32 to index
        %swap3A_406 = arith.constant 80 : index
        %swap3A_407 = tpu.vector_load %arg12[%swap3A_405, %swap3A_406] {strides = array<i32>} : memref<200x128xf32, #tpu.memory_space<vmem>>, vector<1x16xf32>,
        %swap3A_408 = vector.shape_cast %swap3A_407 : vector<1x16xf32> to vector<16xf32>
        %swap3A_409 = vector.shape_cast %mul3A_404 : vector<16xf32> to vector<1x16xf32>
        tpu.vector_store %arg12[%swap3A_405, %swap3A_406], %swap3A_409 {strides = array<i32>} : memref<200x128xf32, #tpu.memory_space<vmem>>, vector<1x16xf32>,
        %get3A_410 = arith.index_cast %add3A_339 : i32 to index
        %get3A_411 = arith.constant 96 : index
        %get3A_412 = tpu.vector_load %arg12[%get3A_410, %get3A_411] {strides = array<i32>} : memref<200x128xf32, #tpu.memory_space<vmem>>, vector<1x16xf32>,
        %get3A_413 = vector.shape_cast %get3A_412 : vector<1x16xf32> to vector<16xf32>
        %mul3A_414 = arith.constant 11.3137083 : f32
        %mul3A_415 = vector.broadcast %mul3A_414 : f32 to vector<16xf32>
        %mul3A_416 = arith.mulf %get3A_413, %mul3A_415 : vector<16xf32>
        %swap3A_417 = arith.index_cast %add3A_339 : i32 to index
        %swap3A_418 = arith.constant 96 : index
        %swap3A_419 = tpu.vector_load %arg12[%swap3A_417, %swap3A_418] {strides = array<i32>} : memref<200x128xf32, #tpu.memory_space<vmem>>, vector<1x16xf32>,
        %swap3A_420 = vector.shape_cast %swap3A_419 : vector<1x16xf32> to vector<16xf32>
        %swap3A_421 = vector.shape_cast %mul3A_416 : vector<16xf32> to vector<1x16xf32>
        tpu.vector_store %arg12[%swap3A_417, %swap3A_418], %swap3A_421 {strides = array<i32>} : memref<200x128xf32, #tpu.memory_space<vmem>>, vector<1x16xf32>,
        %get3A_422 = arith.index_cast %add3A_339 : i32 to index
        %get3A_423 = arith.constant 112 : index
        %get3A_424 = tpu.vector_load %arg12[%get3A_422, %get3A_423] {strides = array<i32>} : memref<200x128xf32, #tpu.memory_space<vmem>>, vector<1x16xf32>,
        %get3A_425 = vector.shape_cast %get3A_424 : vector<1x16xf32> to vector<16xf32>
        %mul3A_426 = arith.constant 11.3137083 : f32
        %mul3A_427 = vector.broadcast %mul3A_426 : f32 to vector<16xf32>
        %mul3A_428 = arith.mulf %get3A_425, %mul3A_427 : vector<16xf32>
        %swap3A_429 = arith.index_cast %add3A_339 : i32 to index
        %swap3A_430 = arith.constant 112 : index
        %swap3A_431 = tpu.vector_load %arg12[%swap3A_429, %swap3A_430] {strides = array<i32>} : memref<200x128xf32, #tpu.memory_space<vmem>>, vector<1x16xf32>,
        %swap3A_432 = vector.shape_cast %swap3A_431 : vector<1x16xf32> to vector<16xf32>
        %swap3A_433 = vector.shape_cast %mul3A_428 : vector<16xf32> to vector<1x16xf32>
        tpu.vector_store %arg12[%swap3A_429, %swap3A_430], %swap3A_433 {strides = array<i32>} : memref<200x128xf32, #tpu.memory_space<vmem>>, vector<1x16xf32>,
        %scan3A_434 = arith.constant 1 : i32
        %scan3A_435 = arith.addi %scan3A_335, %scan3A_434 : i32
        %mul3A_436 = arith.constant 1 : i32
        %mul3A_437 = arith.muli %scan3A_435, %mul3A_436 : i32
        %add3A_438 = arith.constant 0 : i32
        %add3A_439 = arith.addi %add3A_438, %mul3A_437 : i32
        %get3A_440 = arith.index_cast %add3A_439 : i32 to index
        %get3A_441 = arith.constant 0 : index
        %get3A_442 = tpu.vector_load %arg12[%get3A_440, %get3A_441] {strides = array<i32>} : memref<200x128xf32, #tpu.memory_space<vmem>>, vector<1x16xf32>,
        %get3A_443 = vector.shape_cast %get3A_442 : vector<1x16xf32> to vector<16xf32>
        %mul3A_444 = arith.constant 11.3137083 : f32
        %mul3A_445 = vector.broadcast %mul3A_444 : f32 to vector<16xf32>
        %mul3A_446 = arith.mulf %get3A_443, %mul3A_445 : vector<16xf32>
        %swap3A_447 = arith.index_cast %add3A_439 : i32 to index
        %swap3A_448 = arith.constant 0 : index
        %swap3A_449 = tpu.vector_load %arg12[%swap3A_447, %swap3A_448] {strides = array<i32>} : memref<200x128xf32, #tpu.memory_space<vmem>>, vector<1x16xf32>,
        %swap3A_450 = vector.shape_cast %swap3A_449 : vector<1x16xf32> to vector<16xf32>
        %swap3A_451 = vector.shape_cast %mul3A_446 : vector<16xf32> to vector<1x16xf32>
        tpu.vector_store %arg12[%swap3A_447, %swap3A_448], %swap3A_451 {strides = array<i32>} : memref<200x128xf32, #tpu.memory_space<vmem>>, vector<1x16xf32>,
        %get3A_452 = arith.index_cast %add3A_439 : i32 to index
        %get3A_453 = arith.constant 16 : index
        %get3A_454 = tpu.vector_load %arg12[%get3A_452, %get3A_453] {strides = array<i32>} : memref<200x128xf32, #tpu.memory_space<vmem>>, vector<1x16xf32>,
        %get3A_455 = vector.shape_cast %get3A_454 : vector<1x16xf32> to vector<16xf32>
        %mul3A_456 = arith.constant 11.3137083 : f32
        %mul3A_457 = vector.broadcast %mul3A_456 : f32 to vector<16xf32>
        %mul3A_458 = arith.mulf %get3A_455, %mul3A_457 : vector<16xf32>
        %swap3A_459 = arith.index_cast %add3A_439 : i32 to index
        %swap3A_460 = arith.constant 16 : index
        %swap3A_461 = tpu.vector_load %arg12[%swap3A_459, %swap3A_460] {strides = array<i32>} : memref<200x128xf32, #tpu.memory_space<vmem>>, vector<1x16xf32>,
        %swap3A_462 = vector.shape_cast %swap3A_461 : vector<1x16xf32> to vector<16xf32>
        %swap3A_463 = vector.shape_cast %mul3A_458 : vector<16xf32> to vector<1x16xf32>
        tpu.vector_store %arg12[%swap3A_459, %swap3A_460], %swap3A_463 {strides = array<i32>} : memref<200x128xf32, #tpu.memory_space<vmem>>, vector<1x16xf32>,
        %get3A_464 = arith.index_cast %add3A_439 : i32 to index
        %get3A_465 = arith.constant 32 : index
        %get3A_466 = tpu.vector_load %arg12[%get3A_464, %get3A_465] {strides = array<i32>} : memref<200x128xf32, #tpu.memory_space<vmem>>, vector<1x16xf32>,
        %get3A_467 = vector.shape_cast %get3A_466 : vector<1x16xf32> to vector<16xf32>
        %mul3A_468 = arith.constant 11.3137083 : f32
        %mul3A_469 = vector.broadcast %mul3A_468 : f32 to vector<16xf32>
        %mul3A_470 = arith.mulf %get3A_467, %mul3A_469 : vector<16xf32>
        %swap3A_471 = arith.index_cast %add3A_439 : i32 to index
        %swap3A_472 = arith.constant 32 : index
        %swap3A_473 = tpu.vector_load %arg12[%swap3A_471, %swap3A_472] {strides = array<i32>} : memref<200x128xf32, #tpu.memory_space<vmem>>, vector<1x16xf32>,
        %swap3A_474 = vector.shape_cast %swap3A_473 : vector<1x16xf32> to vector<16xf32>
        %swap3A_475 = vector.shape_cast %mul3A_470 : vector<16xf32> to vector<1x16xf32>
        tpu.vector_store %arg12[%swap3A_471, %swap3A_472], %swap3A_475 {strides = array<i32>} : memref<200x128xf32, #tpu.memory_space<vmem>>, vector<1x16xf32>,
        %get3A_476 = arith.index_cast %add3A_439 : i32 to index
        %get3A_477 = arith.constant 48 : index
        %get3A_478 = tpu.vector_load %arg12[%get3A_476, %get3A_477] {strides = array<i32>} : memref<200x128xf32, #tpu.memory_space<vmem>>, vector<1x16xf32>,
        %get3A_479 = vector.shape_cast %get3A_478 : vector<1x16xf32> to vector<16xf32>
        %mul3A_480 = arith.constant 11.3137083 : f32
        %mul3A_481 = vector.broadcast %mul3A_480 : f32 to vector<16xf32>
        %mul3A_482 = arith.mulf %get3A_479, %mul3A_481 : vector<16xf32>
        %swap3A_483 = arith.index_cast %add3A_439 : i32 to index
        %swap3A_484 = arith.constant 48 : index
        %swap3A_485 = tpu.vector_load %arg12[%swap3A_483, %swap3A_484] {strides = array<i32>} : memref<200x128xf32, #tpu.memory_space<vmem>>, vector<1x16xf32>,
        %swap3A_486 = vector.shape_cast %swap3A_485 : vector<1x16xf32> to vector<16xf32>
        %swap3A_487 = vector.shape_cast %mul3A_482 : vector<16xf32> to vector<1x16xf32>
        tpu.vector_store %arg12[%swap3A_483, %swap3A_484], %swap3A_487 {strides = array<i32>} : memref<200x128xf32, #tpu.memory_space<vmem>>, vector<1x16xf32>,
        %get3A_488 = arith.index_cast %add3A_439 : i32 to index
        %get3A_489 = arith.constant 64 : index
        %get3A_490 = tpu.vector_load %arg12[%get3A_488, %get3A_489] {strides = array<i32>} : memref<200x128xf32, #tpu.memory_space<vmem>>, vector<1x16xf32>,
        %get3A_491 = vector.shape_cast %get3A_490 : vector<1x16xf32> to vector<16xf32>
        %mul3A_492 = arith.constant 11.3137083 : f32
        %mul3A_493 = vector.broadcast %mul3A_492 : f32 to vector<16xf32>
        %mul3A_494 = arith.mulf %get3A_491, %mul3A_493 : vector<16xf32>
        %swap3A_495 = arith.index_cast %add3A_439 : i32 to index
        %swap3A_496 = arith.constant 64 : index
        %swap3A_497 = tpu.vector_load %arg12[%swap3A_495, %swap3A_496] {strides = array<i32>} : memref<200x128xf32, #tpu.memory_space<vmem>>, vector<1x16xf32>,
        %swap3A_498 = vector.shape_cast %swap3A_497 : vector<1x16xf32> to vector<16xf32>
        %swap3A_499 = vector.shape_cast %mul3A_494 : vector<16xf32> to vector<1x16xf32>
        tpu.vector_store %arg12[%swap3A_495, %swap3A_496], %swap3A_499 {strides = array<i32>} : memref<200x128xf32, #tpu.memory_space<vmem>>, vector<1x16xf32>,
        %get3A_500 = arith.index_cast %add3A_439 : i32 to index
        %get3A_501 = arith.constant 80 : index
        %get3A_502 = tpu.vector_load %arg12[%get3A_500, %get3A_501] {strides = array<i32>} : memref<200x128xf32, #tpu.memory_space<vmem>>, vector<1x16xf32>,
        %get3A_503 = vector.shape_cast %get3A_502 : vector<1x16xf32> to vector<16xf32>
        %mul3A_504 = arith.constant 11.3137083 : f32
        %mul3A_505 = vector.broadcast %mul3A_504 : f32 to vector<16xf32>
        %mul3A_506 = arith.mulf %get3A_503, %mul3A_505 : vector<16xf32>
        %swap3A_507 = arith.index_cast %add3A_439 : i32 to index
        %swap3A_508 = arith.constant 80 : index
        %swap3A_509 = tpu.vector_load %arg12[%swap3A_507, %swap3A_508] {strides = array<i32>} : memref<200x128xf32, #tpu.memory_space<vmem>>, vector<1x16xf32>,
        %swap3A_510 = vector.shape_cast %swap3A_509 : vector<1x16xf32> to vector<16xf32>
        %swap3A_511 = vector.shape_cast %mul3A_506 : vector<16xf32> to vector<1x16xf32>
        tpu.vector_store %arg12[%swap3A_507, %swap3A_508], %swap3A_511 {strides = array<i32>} : memref<200x128xf32, #tpu.memory_space<vmem>>, vector<1x16xf32>,
        %get3A_512 = arith.index_cast %add3A_439 : i32 to index
        %get3A_513 = arith.constant 96 : index
        %get3A_514 = tpu.vector_load %arg12[%get3A_512, %get3A_513] {strides = array<i32>} : memref<200x128xf32, #tpu.memory_space<vmem>>, vector<1x16xf32>,
        %get3A_515 = vector.shape_cast %get3A_514 : vector<1x16xf32> to vector<16xf32>
        %mul3A_516 = arith.constant 11.3137083 : f32
        %mul3A_517 = vector.broadcast %mul3A_516 : f32 to vector<16xf32>
        %mul3A_518 = arith.mulf %get3A_515, %mul3A_517 : vector<16xf32>
        %swap3A_519 = arith.index_cast %add3A_439 : i32 to index
        %swap3A_520 = arith.constant 96 : index
        %swap3A_521 = tpu.vector_load %arg12[%swap3A_519, %swap3A_520] {strides = array<i32>} : memref<200x128xf32, #tpu.memory_space<vmem>>, vector<1x16xf32>,
        %swap3A_522 = vector.shape_cast %swap3A_521 : vector<1x16xf32> to vector<16xf32>
        %swap3A_523 = vector.shape_cast %mul3A_518 : vector<16xf32> to vector<1x16xf32>
        tpu.vector_store %arg12[%swap3A_519, %swap3A_520], %swap3A_523 {strides = array<i32>} : memref<200x128xf32, #tpu.memory_space<vmem>>, vector<1x16xf32>,
        %get3A_524 = arith.index_cast %add3A_439 : i32 to index
        %get3A_525 = arith.constant 112 : index
        %get3A_526 = tpu.vector_load %arg12[%get3A_524, %get3A_525] {strides = array<i32>} : memref<200x128xf32, #tpu.memory_space<vmem>>, vector<1x16xf32>,
        %get3A_527 = vector.shape_cast %get3A_526 : vector<1x16xf32> to vector<16xf32>
        %mul3A_528 = arith.constant 11.3137083 : f32
        %mul3A_529 = vector.broadcast %mul3A_528 : f32 to vector<16xf32>
        %mul3A_530 = arith.mulf %get3A_527, %mul3A_529 : vector<16xf32>
        %swap3A_531 = arith.index_cast %add3A_439 : i32 to index
        %swap3A_532 = arith.constant 112 : index
        %swap3A_533 = tpu.vector_load %arg12[%swap3A_531, %swap3A_532] {strides = array<i32>} : memref<200x128xf32, #tpu.memory_space<vmem>>, vector<1x16xf32>,
        %swap3A_534 = vector.shape_cast %swap3A_533 : vector<1x16xf32> to vector<16xf32>
        %swap3A_535 = vector.shape_cast %mul3A_530 : vector<16xf32> to vector<1x16xf32>
        tpu.vector_store %arg12[%swap3A_531, %swap3A_532], %swap3A_535 {strides = array<i32>} : memref<200x128xf32, #tpu.memory_space<vmem>>, vector<1x16xf32>,
        %scan3A_536 = arith.constant 2 : i32
        %scan3A_537 = arith.addi %scan3A_335, %scan3A_536 : i32
        %mul3A_538 = arith.constant 1 : i32
        %mul3A_539 = arith.muli %scan3A_537, %mul3A_538 : i32
        %add3A_540 = arith.constant 0 : i32
        %add3A_541 = arith.addi %add3A_540, %mul3A_539 : i32
        %get3A_542 = arith.index_cast %add3A_541 : i32 to index
        %get3A_543 = arith.constant 0 : index
        %get3A_544 = tpu.vector_load %arg12[%get3A_542, %get3A_543] {strides = array<i32>} : memref<200x128xf32, #tpu.memory_space<vmem>>, vector<1x16xf32>,
        %get3A_545 = vector.shape_cast %get3A_544 : vector<1x16xf32> to vector<16xf32>
        %mul3A_546 = arith.constant 11.3137083 : f32
        %mul3A_547 = vector.broadcast %mul3A_546 : f32 to vector<16xf32>
        %mul3A_548 = arith.mulf %get3A_545, %mul3A_547 : vector<16xf32>
        %swap3A_549 = arith.index_cast %add3A_541 : i32 to index
        %swap3A_550 = arith.constant 0 : index
        %swap3A_551 = tpu.vector_load %arg12[%swap3A_549, %swap3A_550] {strides = array<i32>} : memref<200x128xf32, #tpu.memory_space<vmem>>, vector<1x16xf32>,
        %swap3A_552 = vector.shape_cast %swap3A_551 : vector<1x16xf32> to vector<16xf32>
        %swap3A_553 = vector.shape_cast %mul3A_548 : vector<16xf32> to vector<1x16xf32>
        tpu.vector_store %arg12[%swap3A_549, %swap3A_550], %swap3A_553 {strides = array<i32>} : memref<200x128xf32, #tpu.memory_space<vmem>>, vector<1x16xf32>,
        %get3A_554 = arith.index_cast %add3A_541 : i32 to index
        %get3A_555 = arith.constant 16 : index
        %get3A_556 = tpu.vector_load %arg12[%get3A_554, %get3A_555] {strides = array<i32>} : memref<200x128xf32, #tpu.memory_space<vmem>>, vector<1x16xf32>,
        %get3A_557 = vector.shape_cast %get3A_556 : vector<1x16xf32> to vector<16xf32>
        %mul3A_558 = arith.constant 11.3137083 : f32
        %mul3A_559 = vector.broadcast %mul3A_558 : f32 to vector<16xf32>
        %mul3A_560 = arith.mulf %get3A_557, %mul3A_559 : vector<16xf32>
        %swap3A_561 = arith.index_cast %add3A_541 : i32 to index
        %swap3A_562 = arith.constant 16 : index
        %swap3A_563 = tpu.vector_load %arg12[%swap3A_561, %swap3A_562] {strides = array<i32>} : memref<200x128xf32, #tpu.memory_space<vmem>>, vector<1x16xf32>,
        %swap3A_564 = vector.shape_cast %swap3A_563 : vector<1x16xf32> to vector<16xf32>
        %swap3A_565 = vector.shape_cast %mul3A_560 : vector<16xf32> to vector<1x16xf32>
        tpu.vector_store %arg12[%swap3A_561, %swap3A_562], %swap3A_565 {strides = array<i32>} : memref<200x128xf32, #tpu.memory_space<vmem>>, vector<1x16xf32>,
        %get3A_566 = arith.index_cast %add3A_541 : i32 to index
        %get3A_567 = arith.constant 32 : index
        %get3A_568 = tpu.vector_load %arg12[%get3A_566, %get3A_567] {strides = array<i32>} : memref<200x128xf32, #tpu.memory_space<vmem>>, vector<1x16xf32>,
        %get3A_569 = vector.shape_cast %get3A_568 : vector<1x16xf32> to vector<16xf32>
        %mul3A_570 = arith.constant 11.3137083 : f32
        %mul3A_571 = vector.broadcast %mul3A_570 : f32 to vector<16xf32>
        %mul3A_572 = arith.mulf %get3A_569, %mul3A_571 : vector<16xf32>
        %swap3A_573 = arith.index_cast %add3A_541 : i32 to index
        %swap3A_574 = arith.constant 32 : index
        %swap3A_575 = tpu.vector_load %arg12[%swap3A_573, %swap3A_574] {strides = array<i32>} : memref<200x128xf32, #tpu.memory_space<vmem>>, vector<1x16xf32>,
        %swap3A_576 = vector.shape_cast %swap3A_575 : vector<1x16xf32> to vector<16xf32>
        %swap3A_577 = vector.shape_cast %mul3A_572 : vector<16xf32> to vector<1x16xf32>
        tpu.vector_store %arg12[%swap3A_573, %swap3A_574], %swap3A_577 {strides = array<i32>} : memref<200x128xf32, #tpu.memory_space<vmem>>, vector<1x16xf32>,
        %get3A_578 = arith.index_cast %add3A_541 : i32 to index
        %get3A_579 = arith.constant 48 : index
        %get3A_580 = tpu.vector_load %arg12[%get3A_578, %get3A_579] {strides = array<i32>} : memref<200x128xf32, #tpu.memory_space<vmem>>, vector<1x16xf32>,
        %get3A_581 = vector.shape_cast %get3A_580 : vector<1x16xf32> to vector<16xf32>
        %mul3A_582 = arith.constant 11.3137083 : f32
        %mul3A_583 = vector.broadcast %mul3A_582 : f32 to vector<16xf32>
        %mul3A_584 = arith.mulf %get3A_581, %mul3A_583 : vector<16xf32>
        %swap3A_585 = arith.index_cast %add3A_541 : i32 to index
        %swap3A_586 = arith.constant 48 : index
        %swap3A_587 = tpu.vector_load %arg12[%swap3A_585, %swap3A_586] {strides = array<i32>} : memref<200x128xf32, #tpu.memory_space<vmem>>, vector<1x16xf32>,
        %swap3A_588 = vector.shape_cast %swap3A_587 : vector<1x16xf32> to vector<16xf32>
        %swap3A_589 = vector.shape_cast %mul3A_584 : vector<16xf32> to vector<1x16xf32>
        tpu.vector_store %arg12[%swap3A_585, %swap3A_586], %swap3A_589 {strides = array<i32>} : memref<200x128xf32, #tpu.memory_space<vmem>>, vector<1x16xf32>,
        %get3A_590 = arith.index_cast %add3A_541 : i32 to index
        %get3A_591 = arith.constant 64 : index
        %get3A_592 = tpu.vector_load %arg12[%get3A_590, %get3A_591] {strides = array<i32>} : memref<200x128xf32, #tpu.memory_space<vmem>>, vector<1x16xf32>,
        %get3A_593 = vector.shape_cast %get3A_592 : vector<1x16xf32> to vector<16xf32>
        %mul3A_594 = arith.constant 11.3137083 : f32
        %mul3A_595 = vector.broadcast %mul3A_594 : f32 to vector<16xf32>
        %mul3A_596 = arith.mulf %get3A_593, %mul3A_595 : vector<16xf32>
        %swap3A_597 = arith.index_cast %add3A_541 : i32 to index
        %swap3A_598 = arith.constant 64 : index
        %swap3A_599 = tpu.vector_load %arg12[%swap3A_597, %swap3A_598] {strides = array<i32>} : memref<200x128xf32, #tpu.memory_space<vmem>>, vector<1x16xf32>,
        %swap3A_600 = vector.shape_cast %swap3A_599 : vector<1x16xf32> to vector<16xf32>
        %swap3A_601 = vector.shape_cast %mul3A_596 : vector<16xf32> to vector<1x16xf32>
        tpu.vector_store %arg12[%swap3A_597, %swap3A_598], %swap3A_601 {strides = array<i32>} : memref<200x128xf32, #tpu.memory_space<vmem>>, vector<1x16xf32>,
        %get3A_602 = arith.index_cast %add3A_541 : i32 to index
        %get3A_603 = arith.constant 80 : index
        %get3A_604 = tpu.vector_load %arg12[%get3A_602, %get3A_603] {strides = array<i32>} : memref<200x128xf32, #tpu.memory_space<vmem>>, vector<1x16xf32>,
        %get3A_605 = vector.shape_cast %get3A_604 : vector<1x16xf32> to vector<16xf32>
        %mul3A_606 = arith.constant 11.3137083 : f32
        %mul3A_607 = vector.broadcast %mul3A_606 : f32 to vector<16xf32>
        %mul3A_608 = arith.mulf %get3A_605, %mul3A_607 : vector<16xf32>
        %swap3A_609 = arith.index_cast %add3A_541 : i32 to index
        %swap3A_610 = arith.constant 80 : index
        %swap3A_611 = tpu.vector_load %arg12[%swap3A_609, %swap3A_610] {strides = array<i32>} : memref<200x128xf32, #tpu.memory_space<vmem>>, vector<1x16xf32>,
        %swap3A_612 = vector.shape_cast %swap3A_611 : vector<1x16xf32> to vector<16xf32>
        %swap3A_613 = vector.shape_cast %mul3A_608 : vector<16xf32> to vector<1x16xf32>
        tpu.vector_store %arg12[%swap3A_609, %swap3A_610], %swap3A_613 {strides = array<i32>} : memref<200x128xf32, #tpu.memory_space<vmem>>, vector<1x16xf32>,
        %get3A_614 = arith.index_cast %add3A_541 : i32 to index
        %get3A_615 = arith.constant 96 : index
        %get3A_616 = tpu.vector_load %arg12[%get3A_614, %get3A_615] {strides = array<i32>} : memref<200x128xf32, #tpu.memory_space<vmem>>, vector<1x16xf32>,
        %get3A_617 = vector.shape_cast %get3A_616 : vector<1x16xf32> to vector<16xf32>
        %mul3A_618 = arith.constant 11.3137083 : f32
        %mul3A_619 = vector.broadcast %mul3A_618 : f32 to vector<16xf32>
        %mul3A_620 = arith.mulf %get3A_617, %mul3A_619 : vector<16xf32>
        %swap3A_621 = arith.index_cast %add3A_541 : i32 to index
        %swap3A_622 = arith.constant 96 : index
        %swap3A_623 = tpu.vector_load %arg12[%swap3A_621, %swap3A_622] {strides = array<i32>} : memref<200x128xf32, #tpu.memory_space<vmem>>, vector<1x16xf32>,
        %swap3A_624 = vector.shape_cast %swap3A_623 : vector<1x16xf32> to vector<16xf32>
        %swap3A_625 = vector.shape_cast %mul3A_620 : vector<16xf32> to vector<1x16xf32>
        tpu.vector_store %arg12[%swap3A_621, %swap3A_622], %swap3A_625 {strides = array<i32>} : memref<200x128xf32, #tpu.memory_space<vmem>>, vector<1x16xf32>,
        %get3A_626 = arith.index_cast %add3A_541 : i32 to index
        %get3A_627 = arith.constant 112 : index
        %get3A_628 = tpu.vector_load %arg12[%get3A_626, %get3A_627] {strides = array<i32>} : memref<200x128xf32, #tpu.memory_space<vmem>>, vector<1x16xf32>,
        %get3A_629 = vector.shape_cast %get3A_628 : vector<1x16xf32> to vector<16xf32>
        %mul3A_630 = arith.constant 11.3137083 : f32
        %mul3A_631 = vector.broadcast %mul3A_630 : f32 to vector<16xf32>
        %mul3A_632 = arith.mulf %get3A_629, %mul3A_631 : vector<16xf32>
        %swap3A_633 = arith.index_cast %add3A_541 : i32 to index
        %swap3A_634 = arith.constant 112 : index
        %swap3A_635 = tpu.vector_load %arg12[%swap3A_633, %swap3A_634] {strides = array<i32>} : memref<200x128xf32, #tpu.memory_space<vmem>>, vector<1x16xf32>,
        %swap3A_636 = vector.shape_cast %swap3A_635 : vector<1x16xf32> to vector<16xf32>
        %swap3A_637 = vector.shape_cast %mul3A_632 : vector<16xf32> to vector<1x16xf32>
        tpu.vector_store %arg12[%swap3A_633, %swap3A_634], %swap3A_637 {strides = array<i32>} : memref<200x128xf32, #tpu.memory_space<vmem>>, vector<1x16xf32>,
        %scan3A_638 = arith.constant 3 : i32
        %scan3A_639 = arith.addi %scan3A_335, %scan3A_638 : i32
        %mul3A_640 = arith.constant 1 : i32
        %mul3A_641 = arith.muli %scan3A_639, %mul3A_640 : i32
        %add3A_642 = arith.constant 0 : i32
        %add3A_643 = arith.addi %add3A_642, %mul3A_641 : i32
        %get3A_644 = arith.index_cast %add3A_643 : i32 to index
        %get3A_645 = arith.constant 0 : index
        %get3A_646 = tpu.vector_load %arg12[%get3A_644, %get3A_645] {strides = array<i32>} : memref<200x128xf32, #tpu.memory_space<vmem>>, vector<1x16xf32>,
        %get3A_647 = vector.shape_cast %get3A_646 : vector<1x16xf32> to vector<16xf32>
        %mul3A_648 = arith.constant 11.3137083 : f32
        %mul3A_649 = vector.broadcast %mul3A_648 : f32 to vector<16xf32>
        %mul3A_650 = arith.mulf %get3A_647, %mul3A_649 : vector<16xf32>
        %swap3A_651 = arith.index_cast %add3A_643 : i32 to index
        %swap3A_652 = arith.constant 0 : index
        %swap3A_653 = tpu.vector_load %arg12[%swap3A_651, %swap3A_652] {strides = array<i32>} : memref<200x128xf32, #tpu.memory_space<vmem>>, vector<1x16xf32>,
        %swap3A_654 = vector.shape_cast %swap3A_653 : vector<1x16xf32> to vector<16xf32>
        %swap3A_655 = vector.shape_cast %mul3A_650 : vector<16xf32> to vector<1x16xf32>
        tpu.vector_store %arg12[%swap3A_651, %swap3A_652], %swap3A_655 {strides = array<i32>} : memref<200x128xf32, #tpu.memory_space<vmem>>, vector<1x16xf32>,
        %get3A_656 = arith.index_cast %add3A_643 : i32 to index
        %get3A_657 = arith.constant 16 : index
        %get3A_658 = tpu.vector_load %arg12[%get3A_656, %get3A_657] {strides = array<i32>} : memref<200x128xf32, #tpu.memory_space<vmem>>, vector<1x16xf32>,
        %get3A_659 = vector.shape_cast %get3A_658 : vector<1x16xf32> to vector<16xf32>
        %mul3A_660 = arith.constant 11.3137083 : f32
        %mul3A_661 = vector.broadcast %mul3A_660 : f32 to vector<16xf32>
        %mul3A_662 = arith.mulf %get3A_659, %mul3A_661 : vector<16xf32>
        %swap3A_663 = arith.index_cast %add3A_643 : i32 to index
        %swap3A_664 = arith.constant 16 : index
        %swap3A_665 = tpu.vector_load %arg12[%swap3A_663, %swap3A_664] {strides = array<i32>} : memref<200x128xf32, #tpu.memory_space<vmem>>, vector<1x16xf32>,
        %swap3A_666 = vector.shape_cast %swap3A_665 : vector<1x16xf32> to vector<16xf32>
        %swap3A_667 = vector.shape_cast %mul3A_662 : vector<16xf32> to vector<1x16xf32>
        tpu.vector_store %arg12[%swap3A_663, %swap3A_664], %swap3A_667 {strides = array<i32>} : memref<200x128xf32, #tpu.memory_space<vmem>>, vector<1x16xf32>,
        %get3A_668 = arith.index_cast %add3A_643 : i32 to index
        %get3A_669 = arith.constant 32 : index
        %get3A_670 = tpu.vector_load %arg12[%get3A_668, %get3A_669] {strides = array<i32>} : memref<200x128xf32, #tpu.memory_space<vmem>>, vector<1x16xf32>,
        %get3A_671 = vector.shape_cast %get3A_670 : vector<1x16xf32> to vector<16xf32>
        %mul3A_672 = arith.constant 11.3137083 : f32
        %mul3A_673 = vector.broadcast %mul3A_672 : f32 to vector<16xf32>
        %mul3A_674 = arith.mulf %get3A_671, %mul3A_673 : vector<16xf32>
        %swap3A_675 = arith.index_cast %add3A_643 : i32 to index
        %swap3A_676 = arith.constant 32 : index
        %swap3A_677 = tpu.vector_load %arg12[%swap3A_675, %swap3A_676] {strides = array<i32>} : memref<200x128xf32, #tpu.memory_space<vmem>>, vector<1x16xf32>,
        %swap3A_678 = vector.shape_cast %swap3A_677 : vector<1x16xf32> to vector<16xf32>
        %swap3A_679 = vector.shape_cast %mul3A_674 : vector<16xf32> to vector<1x16xf32>
        tpu.vector_store %arg12[%swap3A_675, %swap3A_676], %swap3A_679 {strides = array<i32>} : memref<200x128xf32, #tpu.memory_space<vmem>>, vector<1x16xf32>,
        %get3A_680 = arith.index_cast %add3A_643 : i32 to index
        %get3A_681 = arith.constant 48 : index
        %get3A_682 = tpu.vector_load %arg12[%get3A_680, %get3A_681] {strides = array<i32>} : memref<200x128xf32, #tpu.memory_space<vmem>>, vector<1x16xf32>,
        %get3A_683 = vector.shape_cast %get3A_682 : vector<1x16xf32> to vector<16xf32>
        %mul3A_684 = arith.constant 11.3137083 : f32
        %mul3A_685 = vector.broadcast %mul3A_684 : f32 to vector<16xf32>
        %mul3A_686 = arith.mulf %get3A_683, %mul3A_685 : vector<16xf32>
        %swap3A_687 = arith.index_cast %add3A_643 : i32 to index
        %swap3A_688 = arith.constant 48 : index
        %swap3A_689 = tpu.vector_load %arg12[%swap3A_687, %swap3A_688] {strides = array<i32>} : memref<200x128xf32, #tpu.memory_space<vmem>>, vector<1x16xf32>,
        %swap3A_690 = vector.shape_cast %swap3A_689 : vector<1x16xf32> to vector<16xf32>
        %swap3A_691 = vector.shape_cast %mul3A_686 : vector<16xf32> to vector<1x16xf32>
        tpu.vector_store %arg12[%swap3A_687, %swap3A_688], %swap3A_691 {strides = array<i32>} : memref<200x128xf32, #tpu.memory_space<vmem>>, vector<1x16xf32>,
        %get3A_692 = arith.index_cast %add3A_643 : i32 to index
        %get3A_693 = arith.constant 64 : index
        %get3A_694 = tpu.vector_load %arg12[%get3A_692, %get3A_693] {strides = array<i32>} : memref<200x128xf32, #tpu.memory_space<vmem>>, vector<1x16xf32>,
        %get3A_695 = vector.shape_cast %get3A_694 : vector<1x16xf32> to vector<16xf32>
        %mul3A_696 = arith.constant 11.3137083 : f32
        %mul3A_697 = vector.broadcast %mul3A_696 : f32 to vector<16xf32>
        %mul3A_698 = arith.mulf %get3A_695, %mul3A_697 : vector<16xf32>
        %swap3A_699 = arith.index_cast %add3A_643 : i32 to index
        %swap3A_700 = arith.constant 64 : index
        %swap3A_701 = tpu.vector_load %arg12[%swap3A_699, %swap3A_700] {strides = array<i32>} : memref<200x128xf32, #tpu.memory_space<vmem>>, vector<1x16xf32>,
        %swap3A_702 = vector.shape_cast %swap3A_701 : vector<1x16xf32> to vector<16xf32>
        %swap3A_703 = vector.shape_cast %mul3A_698 : vector<16xf32> to vector<1x16xf32>
        tpu.vector_store %arg12[%swap3A_699, %swap3A_700], %swap3A_703 {strides = array<i32>} : memref<200x128xf32, #tpu.memory_space<vmem>>, vector<1x16xf32>,
        %get3A_704 = arith.index_cast %add3A_643 : i32 to index
        %get3A_705 = arith.constant 80 : index
        %get3A_706 = tpu.vector_load %arg12[%get3A_704, %get3A_705] {strides = array<i32>} : memref<200x128xf32, #tpu.memory_space<vmem>>, vector<1x16xf32>,
        %get3A_707 = vector.shape_cast %get3A_706 : vector<1x16xf32> to vector<16xf32>
        %mul3A_708 = arith.constant 11.3137083 : f32
        %mul3A_709 = vector.broadcast %mul3A_708 : f32 to vector<16xf32>
        %mul3A_710 = arith.mulf %get3A_707, %mul3A_709 : vector<16xf32>
        %swap3A_711 = arith.index_cast %add3A_643 : i32 to index
        %swap3A_712 = arith.constant 80 : index
        %swap3A_713 = tpu.vector_load %arg12[%swap3A_711, %swap3A_712] {strides = array<i32>} : memref<200x128xf32, #tpu.memory_space<vmem>>, vector<1x16xf32>,
        %swap3A_714 = vector.shape_cast %swap3A_713 : vector<1x16xf32> to vector<16xf32>
        %swap3A_715 = vector.shape_cast %mul3A_710 : vector<16xf32> to vector<1x16xf32>
        tpu.vector_store %arg12[%swap3A_711, %swap3A_712], %swap3A_715 {strides = array<i32>} : memref<200x128xf32, #tpu.memory_space<vmem>>, vector<1x16xf32>,
        %get3A_716 = arith.index_cast %add3A_643 : i32 to index
        %get3A_717 = arith.constant 96 : index
        %get3A_718 = tpu.vector_load %arg12[%get3A_716, %get3A_717] {strides = array<i32>} : memref<200x128xf32, #tpu.memory_space<vmem>>, vector<1x16xf32>,
        %get3A_719 = vector.shape_cast %get3A_718 : vector<1x16xf32> to vector<16xf32>
        %mul3A_720 = arith.constant 11.3137083 : f32
        %mul3A_721 = vector.broadcast %mul3A_720 : f32 to vector<16xf32>
        %mul3A_722 = arith.mulf %get3A_719, %mul3A_721 : vector<16xf32>
        %swap3A_723 = arith.index_cast %add3A_643 : i32 to index
        %swap3A_724 = arith.constant 96 : index
        %swap3A_725 = tpu.vector_load %arg12[%swap3A_723, %swap3A_724] {strides = array<i32>} : memref<200x128xf32, #tpu.memory_space<vmem>>, vector<1x16xf32>,
        %swap3A_726 = vector.shape_cast %swap3A_725 : vector<1x16xf32> to vector<16xf32>
        %swap3A_727 = vector.shape_cast %mul3A_722 : vector<16xf32> to vector<1x16xf32>
        tpu.vector_store %arg12[%swap3A_723, %swap3A_724], %swap3A_727 {strides = array<i32>} : memref<200x128xf32, #tpu.memory_space<vmem>>, vector<1x16xf32>,
        %get3A_728 = arith.index_cast %add3A_643 : i32 to index
        %get3A_729 = arith.constant 112 : index
        %get3A_730 = tpu.vector_load %arg12[%get3A_728, %get3A_729] {strides = array<i32>} : memref<200x128xf32, #tpu.memory_space<vmem>>, vector<1x16xf32>,
        %get3A_731 = vector.shape_cast %get3A_730 : vector<1x16xf32> to vector<16xf32>
        %mul3A_732 = arith.constant 11.3137083 : f32
        %mul3A_733 = vector.broadcast %mul3A_732 : f32 to vector<16xf32>
        %mul3A_734 = arith.mulf %get3A_731, %mul3A_733 : vector<16xf32>
        %swap3A_735 = arith.index_cast %add3A_643 : i32 to index
        %swap3A_736 = arith.constant 112 : index
        %swap3A_737 = tpu.vector_load %arg12[%swap3A_735, %swap3A_736] {strides = array<i32>} : memref<200x128xf32, #tpu.memory_space<vmem>>, vector<1x16xf32>,
        %swap3A_738 = vector.shape_cast %swap3A_737 : vector<1x16xf32> to vector<16xf32>
        %swap3A_739 = vector.shape_cast %mul3A_734 : vector<16xf32> to vector<1x16xf32>
        tpu.vector_store %arg12[%swap3A_735, %swap3A_736], %swap3A_739 {strides = array<i32>} : memref<200x128xf32, #tpu.memory_space<vmem>>, vector<1x16xf32>,
      }
      %scan3A_318 = arith.constant 200 : i32
      %add3A_319 = arith.addi %mul3A_2, %add3A_290 : i32
      %dma_start3A_320 = arith.constant 0 : i32
      %dma_start3A_321 = arith.constant 0 : i32
      %dma_start3A_322 = tpu.memref_slice %arg4[%add3A_319, %dma_start3A_320, %dma_start3A_321] : memref<1024x200x128xf32, #tpu.memory_space<hbm>> -> memref<1x200x128xf32, #tpu.memory_space<hbm>>
      %dma_start3A_323 = tpu.memref_squeeze %dma_start3A_322 : memref<1x200x128xf32, #tpu.memory_space<hbm>> -> memref<200x128xf32, #tpu.memory_space<hbm>>
      %dma_start3A_324 = arith.constant 0 : i32
      %dma_start3A_325 = arith.constant 0 : i32
      %dma_start3A_326 = tpu.memref_slice %arg4[%add3A_319, %dma_start3A_324, %dma_start3A_325] : memref<1024x200x128xf32, #tpu.memory_space<hbm>> -> memref<1x200x128xf32, #tpu.memory_space<hbm>>
      %dma_start3A_327 = tpu.memref_squeeze %dma_start3A_326 : memref<1x200x128xf32, #tpu.memory_space<hbm>> -> memref<200x128xf32, #tpu.memory_space<hbm>>
      tpu.enqueue_dma source(%arg12 : memref<200x128xf32, #tpu.memory_space<vmem>>) target(%dma_start3A_327 : memref<200x128xf32, #tpu.memory_space<hbm>>) target_semaphore(%arg24 : memref<!tpu.dma_semaphore, #tpu.memory_space<semaphore_mem>>)
      %add3A_328 = arith.constant 3 : i32
      %add3A_329 = arith.addi %add3A_290, %add3A_328 : i32
      %lt3A_330 = arith.constant 32 : i32
      %lt3A_331 = arith.cmpi slt, %add3A_329, %lt3A_330 : i32
      %convert_element_type3A_332 = arith.extui %lt3A_331 : i1 to i32
      %cond3A_333 = arith.constant 0 : i32
      %cond3A_334 = arith.cmpi ne, %convert_element_type3A_332, %cond3A_333 : i32
      scf.if %cond3A_334 {
        %ge3A = arith.constant 4 : i32
        %ge3A_335 = arith.cmpi sge, %add3A_329, %ge3A : i32
        %convert_element_type3A_336 = arith.extui %ge3A_335 : i1 to i32
        %cond3A_337 = arith.constant 0 : i32
        %cond3A_338 = arith.cmpi ne, %convert_element_type3A_336, %cond3A_337 : i32
        scf.if %cond3A_338 {
          %sub3A = arith.constant 4 : i32
          %sub3A_362 = arith.subi %add3A_329, %sub3A : i32
          %add3A_363 = arith.addi %mul3A_2, %sub3A_362 : i32
          %dma_wait3A_364 = arith.constant 0 : i32
          %dma_wait3A_365 = arith.constant 0 : i32
          %dma_wait3A_366 = tpu.memref_slice %arg4[%add3A_363, %dma_wait3A_364, %dma_wait3A_365] : memref<1024x200x128xf32, #tpu.memory_space<hbm>> -> memref<1x200x128xf32, #tpu.memory_space<hbm>>
          %dma_wait3A_367 = tpu.memref_squeeze %dma_wait3A_366 : memref<1x200x128xf32, #tpu.memory_space<hbm>> -> memref<200x128xf32, #tpu.memory_space<hbm>>
          %dma_wait3A_368 = arith.constant 0 : i32
          %dma_wait3A_369 = arith.constant 0 : i32
          %dma_wait3A_370 = tpu.memref_slice %arg4[%add3A_363, %dma_wait3A_368, %dma_wait3A_369] : memref<1024x200x128xf32, #tpu.memory_space<hbm>> -> memref<1x200x128xf32, #tpu.memory_space<hbm>>
          %dma_wait3A_371 = tpu.memref_squeeze %dma_wait3A_370 : memref<1x200x128xf32, #tpu.memory_space<hbm>> -> memref<200x128xf32, #tpu.memory_space<hbm>>
          tpu.wait_dma2 semaphore(%arg23 : memref<!tpu.dma_semaphore, #tpu.memory_space<semaphore_mem>>) src(%arg11 : memref<200x128xf32, #tpu.memory_space<vmem>>) dst(%dma_wait3A_371 : memref<200x128xf32, #tpu.memory_space<hbm>>)
        } else {
        }
        %add3A_339 = arith.addi %mul3A_2, %add3A_329 : i32
        %dma_wait3A_340 = arith.constant 0 : i32
        %dma_wait3A_341 = tpu.memref_slice %arg2[%add3A_339, %dma_wait3A_340] : memref<1024x200xi32, #tpu.memory_space<hbm>> -> memref<1x200xi32, #tpu.memory_space<hbm>>
        %dma_wait3A_342 = tpu.memref_squeeze %dma_wait3A_341 : memref<1x200xi32, #tpu.memory_space<hbm>> -> memref<200xi32, #tpu.memory_space<hbm>>
        %dma_wait3A_343 = arith.constant 0 : i32
        %dma_wait3A_344 = tpu.memref_slice %arg2[%add3A_339, %dma_wait3A_343] : memref<1024x200xi32, #tpu.memory_space<hbm>> -> memref<1x200xi32, #tpu.memory_space<hbm>>
        %dma_wait3A_345 = tpu.memref_squeeze %dma_wait3A_344 : memref<1x200xi32, #tpu.memory_space<hbm>> -> memref<200xi32, #tpu.memory_space<hbm>>
        tpu.wait_dma2 semaphore(%arg15 : memref<!tpu.dma_semaphore, #tpu.memory_space<semaphore_mem>>) src(%dma_wait3A_345 : memref<200xi32, #tpu.memory_space<hbm>>) dst(%arg7 : memref<200xi32, #tpu.memory_space<vmem>>)
        %dma_start3A_346 = arith.constant 0 : i32
        %dma_start3A_347 = arith.constant 0 : i32
        %dma_start3A_348 = tpu.memref_slice %arg11[%dma_start3A_346, %dma_start3A_347] : memref<200x128xf32, #tpu.memory_space<vmem>> -> memref<128x128xf32, #tpu.memory_space<vmem>>
        %dma_start3A_349 = arith.constant 0 : i32
        %dma_start3A_350 = tpu.memref_slice %arg7[%dma_start3A_349] : memref<200xi32, #tpu.memory_space<vmem>> -> memref<128xi32, #tpu.memory_space<vmem>>
        %dma_start3A_351 = arith.constant 0 : i32
        %dma_start3A_352 = arith.constant 0 : i32
        %dma_start3A_353 = tpu.memref_slice %arg3[%dma_start3A_351, %dma_start3A_352] : memref<1000000x128xf32, #tpu.memory_space<hbm>> -> memref<1000000x128xf32, #tpu.memory_space<hbm>>
        tpu.enqueue_indirect_dma source(%dma_start3A_353 : memref<1000000x128xf32, #tpu.memory_space<hbm>>) target(%dma_start3A_348 : memref<128x128xf32, #tpu.memory_space<vmem>>) offsets(%dma_start3A_350 : memref<128xi32, #tpu.memory_space<vmem>>) semaphore(%arg19 : memref<!tpu.dma_semaphore, #tpu.memory_space<semaphore_mem>>)
        %dma_start3A_354 = arith.constant 128 : i32
        %dma_start3A_355 = arith.constant 0 : i32
        %dma_start3A_356 = tpu.memref_slice %arg11[%dma_start3A_354, %dma_start3A_355] : memref<200x128xf32, #tpu.memory_space<vmem>> -> memref<72x128xf32, #tpu.memory_space<vmem>>
        %dma_start3A_357 = arith.constant 128 : i32
        %dma_start3A_358 = tpu.memref_slice %arg7[%dma_start3A_357] : memref<200xi32, #tpu.memory_space<vmem>> -> memref<72xi32, #tpu.memory_space<vmem>>
        %dma_start3A_359 = arith.constant 0 : i32
        %dma_start3A_360 = arith.constant 0 : i32
        %dma_start3A_361 = tpu.memref_slice %arg3[%dma_start3A_359, %dma_start3A_360] : memref<1000000x128xf32, #tpu.memory_space<hbm>> -> memref<1000000x128xf32, #tpu.memory_space<hbm>>
        tpu.enqueue_indirect_dma source(%dma_start3A_361 : memref<1000000x128xf32, #tpu.memory_space<hbm>>) target(%dma_start3A_356 : memref<72x128xf32, #tpu.memory_space<vmem>>) offsets(%dma_start3A_358 : memref<72xi32, #tpu.memory_space<vmem>>) semaphore(%arg19 : memref<!tpu.dma_semaphore, #tpu.memory_space<semaphore_mem>>)
      } else {
      }
    }
    %scan3A_108 = arith.constant 8 : i32
    %add3A_109 = arith.constant 28 : i32
    %add3A_110 = arith.addi %mul3A_2, %add3A_109 : i32
    %dma_wait3A_111 = arith.constant 0 : i32
    %dma_wait3A_112 = arith.constant 0 : i32
    %dma_wait3A_113 = tpu.memref_slice %arg4[%add3A_110, %dma_wait3A_111, %dma_wait3A_112] : memref<1024x200x128xf32, #tpu.memory_space<hbm>> -> memref<1x200x128xf32, #tpu.memory_space<hbm>>
    %dma_wait3A_114 = tpu.memref_squeeze %dma_wait3A_113 : memref<1x200x128xf32, #tpu.memory_space<hbm>> -> memref<200x128xf32, #tpu.memory_space<hbm>>
    %dma_wait3A_115 = arith.constant 0 : i32
    %dma_wait3A_116 = arith.constant 0 : i32
    %dma_wait3A_117 = tpu.memref_slice %arg4[%add3A_110, %dma_wait3A_115, %dma_wait3A_116] : memref<1024x200x128xf32, #tpu.memory_space<hbm>> -> memref<1x200x128xf32, #tpu.memory_space<hbm>>
    %dma_wait3A_118 = tpu.memref_squeeze %dma_wait3A_117 : memref<1x200x128xf32, #tpu.memory_space<hbm>> -> memref<200x128xf32, #tpu.memory_space<hbm>>
    tpu.wait_dma2 semaphore(%arg21 : memref<!tpu.dma_semaphore, #tpu.memory_space<semaphore_mem>>) src(%arg9 : memref<200x128xf32, #tpu.memory_space<vmem>>) dst(%dma_wait3A_118 : memref<200x128xf32, #tpu.memory_space<hbm>>)
    %add3A_119 = arith.constant 29 : i32
    %add3A_120 = arith.addi %mul3A_2, %add3A_119 : i32
    %dma_wait3A_121 = arith.constant 0 : i32
    %dma_wait3A_122 = arith.constant 0 : i32
    %dma_wait3A_123 = tpu.memref_slice %arg4[%add3A_120, %dma_wait3A_121, %dma_wait3A_122] : memref<1024x200x128xf32, #tpu.memory_space<hbm>> -> memref<1x200x128xf32, #tpu.memory_space<hbm>>
    %dma_wait3A_124 = tpu.memref_squeeze %dma_wait3A_123 : memref<1x200x128xf32, #tpu.memory_space<hbm>> -> memref<200x128xf32, #tpu.memory_space<hbm>>
    %dma_wait3A_125 = arith.constant 0 : i32
    %dma_wait3A_126 = arith.constant 0 : i32
    %dma_wait3A_127 = tpu.memref_slice %arg4[%add3A_120, %dma_wait3A_125, %dma_wait3A_126] : memref<1024x200x128xf32, #tpu.memory_space<hbm>> -> memref<1x200x128xf32, #tpu.memory_space<hbm>>
    %dma_wait3A_128 = tpu.memref_squeeze %dma_wait3A_127 : memref<1x200x128xf32, #tpu.memory_space<hbm>> -> memref<200x128xf32, #tpu.memory_space<hbm>>
    tpu.wait_dma2 semaphore(%arg22 : memref<!tpu.dma_semaphore, #tpu.memory_space<semaphore_mem>>) src(%arg10 : memref<200x128xf32, #tpu.memory_space<vmem>>) dst(%dma_wait3A_128 : memref<200x128xf32, #tpu.memory_space<hbm>>)
    %add3A_129 = arith.constant 30 : i32
    %add3A_130 = arith.addi %mul3A_2, %add3A_129 : i32
    %dma_wait3A_131 = arith.constant 0 : i32
    %dma_wait3A_132 = arith.constant 0 : i32
    %dma_wait3A_133 = tpu.memref_slice %arg4[%add3A_130, %dma_wait3A_131, %dma_wait3A_132] : memref<1024x200x128xf32, #tpu.memory_space<hbm>> -> memref<1x200x128xf32, #tpu.memory_space<hbm>>
    %dma_wait3A_134 = tpu.memref_squeeze %dma_wait3A_133 : memref<1x200x128xf32, #tpu.memory_space<hbm>> -> memref<200x128xf32, #tpu.memory_space<hbm>>
    %dma_wait3A_135 = arith.constant 0 : i32
    %dma_wait3A_136 = arith.constant 0 : i32
    %dma_wait3A_137 = tpu.memref_slice %arg4[%add3A_130, %dma_wait3A_135, %dma_wait3A_136] : memref<1024x200x128xf32, #tpu.memory_space<hbm>> -> memref<1x200x128xf32, #tpu.memory_space<hbm>>
    %dma_wait3A_138 = tpu.memref_squeeze %dma_wait3A_137 : memref<1x200x128xf32, #tpu.memory_space<hbm>> -> memref<200x128xf32, #tpu.memory_space<hbm>>
    tpu.wait_dma2 semaphore(%arg23 : memref<!tpu.dma_semaphore, #tpu.memory_space<semaphore_mem>>) src(%arg11 : memref<200x128xf32, #tpu.memory_space<vmem>>) dst(%dma_wait3A_138 : memref<200x128xf32, #tpu.memory_space<hbm>>)
    %add3A_139 = arith.constant 31 : i32
    %add3A_140 = arith.addi %mul3A_2, %add3A_139 : i32
    %dma_wait3A_141 = arith.constant 0 : i32
    %dma_wait3A_142 = arith.constant 0 : i32
    %dma_wait3A_143 = tpu.memref_slice %arg4[%add3A_140, %dma_wait3A_141, %dma_wait3A_142] : memref<1024x200x128xf32, #tpu.memory_space<hbm>> -> memref<1x200x128xf32, #tpu.memory_space<hbm>>
    %dma_wait3A_144 = tpu.memref_squeeze %dma_wait3A_143 : memref<1x200x128xf32, #tpu.memory_space<hbm>> -> memref<200x128xf32, #tpu.memory_space<hbm>>
    %dma_wait3A_145 = arith.constant 0 : i32
    %dma_wait3A_146 = arith.constant 0 : i32
    %dma_wait3A_147 = tpu.memref_slice %arg4[%add3A_140, %dma_wait3A_145, %dma_wait3A_146] : memref<1024x200x128xf32, #tpu.memory_space<hbm>> -> memref<1x200x128xf32, #tpu.memory_space<hbm>>
    %dma_wait3A_148 = tpu.memref_squeeze %dma_wait3A_147 : memref<1x200x128xf32, #tpu.memory_space<hbm>> -> memref<200x128xf32, #tpu.memory_space<hbm>>
    tpu.wait_dma2 semaphore(%arg24 : memref<!tpu.dma_semaphore, #tpu.memory_space<semaphore_mem>>) src(%arg12 : memref<200x128xf32, #tpu.memory_space<vmem>>) dst(%dma_wait3A_148 : memref<200x128xf32, #tpu.memory_space<hbm>>)
    return
  }
}

</mosaic_0001>

<sc_bundles>
// kernel: kernel.3.cloned.1.call-start
scs
__scs_entry_jumppad:
0x0: {  	(pc) =	sbr.rel $0x88, $3  }
0x1: {  	(tag) =	ssettag $0x0;
	lr =	simm.s32 $0x1  }
0x2: {  	[smem:$0x3F9F] =	sst lr;
	_ =	strace $0xD0000000  }
0x3: {  	_ = 	snop  }
0x4: {  	_ = 	snop  }
0x5: {  	_ = 	snop  }
0x6: {  	_ = 	snop  }
0x7: {  	_ = 	snop  }
__scs_overlays_trampoline_lowered:
0x8: {  	[smem:$0x3FAE] =	sst s0  }
0x9: {  	[smem:$0x3FAF] =	sst s1  }
0xa: {  	[smem:$0x3FB0] =	sst s2  }
0xb: {  	[smem:$0x3FB1] =	sst s3  }
0xc: {  	[smem:$0x3FB2] =	sst s4  }
0xd: {  	[smem:$0x3FB3] =	sst s5  }
0xe: {  	[smem:$0x3FB4] =	sst s6  }
0xf: {  	[smem:$0x3FB5] =	sst s7  }
0x10: {  	[smem:$0x3FB6] =	sst s8  }
0x11: {  	[smem:$0x3FB7] =	sst s9;
	s0 =	simm.s32 @!p0 $0x0  }
0x12: {  	s1 =	sld [smem:$0x3F9D];
	s0 =	simm.s32 @p0 $0x1  }
0x13: {  	[smem:$0x3FB8] =	sst s0;
	s0 =	simm.s32 @!p1 $0x0  }
0x14: {  	s2 =	sld [smem:$0x3F9C];
	s0 =	simm.s32 @p1 $0x1  }
0x15: {  	[smem:$0x3FB9] =	sst s0;
	s0 =	simm.s32 @!p2 $0x0  }
0x16: {  	s3 =	sld [smem:$0x3FDB];
	s0 =	simm.s32 @p2 $0x1  }
0x17: {  	s4 =	simm.s32 $0x1BF5;
	[smem:$0x3FBB] =	sst s0  }
0x18: {  	s0 =	sld [smem:$0x3F9E];
	_ =	swait.ge [sflag:s4], $0x0  }
0x19: {  	s7 =	sld [smem:$0x3F9F]  }
0x1a: {  	s8 =	sadd.s32 $0xFFFFE003, lr  }
0x1b: {  	s9 =	sadd.s32 $0xFFFFFEF7, lr;
	s5 =	simm.s32 $0xFFFFFFFF;
	p2 =	slt.u32 s8, $0xFFFFF086  }
0x1c: {  	p1 =	slt.u32 s9, $0xF7A;
	s5 =	simm.s32 @!p2 $0x0  }
0x1d: {  	s5 =	simm.s32 @p1 $0x1;
	p0 =	seq.s32 s7, s2  }
0x1e: {  	s7 =	smul.u32 @!p0 $0xF7A, s2;
	p2 =	seq.s32 @!p0 s5, $0x0  }
0x1f: {  	s9 =	smul.u32 $0xF7A, s1;
	s8 =	simm.s32 @!p0 $0x1BF5;
	p2 =	por !p2, p0  }
0x20: {  	[sflag:s8] =	ssyncset.s32 @!p0 $0xFFFFF086;
	s6 =	sadd.s32 @!p0 s3, s7;
	s7 =	simm.s32 @!p0 $0x108  }
0x21: {  	s3 =	sadd.s32 s3, s9;
	s6 =	sadd.s32 @!p0 $0x88, s6;
	s7 =	simm.s32 @p2 $0x1082  }
0x22: {  	[simem:s7], [sflag:s8] =	dma.local @!p0 [hbm:s6], $0xF7A  }
0x23: {  	s9 =	sor.u32 $0xD0000000, s2;
	s6 =	simm.s32 $0x108;
	_ =	swait.ge @!p0 [sflag:s8], $0x0  }
0x24: {  	s3 =	sadd.s32 $0x88, s3;
	s6 =	simm.s32 @!p1 $0x1082;
	[sflag:s4] =	ssyncset.s32 $0xFFFFF086  }
0x25: {  	[simem:s6], [sflag:s4] =	dma.local [hbm:s3], $0xF7A  }
0x26: {  	[smem:$0x3F9F] =	sst s1;
	(tag) =	ssettag s2;
	_ =	strace s9  }
0x27: {  	s1 =	sld [smem:$0x3FAF]  }
0x28: {  	s2 =	sld [smem:$0x3FB0]  }
0x29: {  	s4 =	sld [smem:$0x3FB2]  }
0x2a: {  	p0 =	seq.s32 s5, $0x0;
	s5 =	sld [smem:$0x3FB3]  }
0x2b: {  	s6 =	sld [smem:$0x3FB4]  }
0x2c: {  	s7 =	sld [smem:$0x3FB5]  }
0x2d: {  	s3 =	simm.s32 $0x108;
	s8 =	sld [smem:$0x3FB6]  }
0x2e: {  	s3 =	simm.s32 @!p0 $0x1082;
	s9 =	sld [smem:$0x3FB7]  }
0x2f: {  	lr =	sadd.s32 s0, s3;
	s0 =	sld [smem:$0x3FAE]  }
0x30: {  	s3 =	sld [smem:$0x3FB1]  }
0x31: {  	[smem:$0x3FBA] =	sst s10  }
0x32: {  	s10 =	sld [smem:$0x3FB8];
	_ =	sdelay $0x3  }
0x33: {  	p0 =	seq.s32 s10, $0x1;
	s10 =	sld [smem:$0x3FBA];
	_ =	sdelay $0x3  }
0x34: {  	[smem:$0x3FBA] =	sst s10  }
0x35: {  	s10 =	sld [smem:$0x3FB9];
	_ =	sdelay $0x3  }
0x36: {  	p1 =	seq.s32 s10, $0x1;
	s10 =	sld [smem:$0x3FBA];
	_ =	sdelay $0x3  }
0x37: {  	[smem:$0x3FBA] =	sst s10  }
0x38: {  	s10 =	sld [smem:$0x3FBB]  }
0x39: {  	_ = 	snop;
	(pc) =	sbr.ind lr, $3  }
0x3a: {  	_ = 	snop  }
0x3b: {  	_ = 	snop  }
0x3c: {  	p2 =	seq.s32 s10, $0x1;
	s10 =	sld [smem:$0x3FBA]  }
0x3d: {  	_ =	shalt  }
0x3e: {  	_ =	shalt  }
0x3f: {  	_ =	shalt  }
0x40: {  	_ =	shalt  }
0x41: {  	_ =	shalt  }
0x42: {  	_ =	shalt  }
0x43: {  	_ =	shalt  }
0x44: {  	_ =	shalt  }
0x45: {  	_ =	shalt  }
0x46: {  	_ =	shalt  }
0x47: {  	_ =	shalt  }
0x48: {  	_ =	shalt  }
0x49: {  	_ =	shalt  }
0x4a: {  	_ =	shalt  }
0x4b: {  	_ =	shalt  }
0x4c: {  	_ =	shalt  }
0x4d: {  	_ =	shalt  }
0x4e: {  	_ =	shalt  }
0x4f: {  	_ =	shalt  }
0x50: {  	_ =	shalt  }
0x51: {  	_ =	shalt  }
0x52: {  	_ =	shalt  }
0x53: {  	_ =	shalt  }
0x54: {  	_ =	shalt  }
0x55: {  	_ =	shalt  }
0x56: {  	_ =	shalt  }
0x57: {  	_ =	shalt  }
0x58: {  	_ =	shalt  }
0x59: {  	_ =	shalt  }
0x5a: {  	_ =	shalt  }
0x5b: {  	_ =	shalt  }
0x5c: {  	_ =	shalt  }
0x5d: {  	_ =	shalt  }
0x5e: {  	_ =	shalt  }
0x5f: {  	_ =	shalt  }
0x60: {  	_ =	shalt  }
0x61: {  	_ =	shalt  }
0x62: {  	_ =	shalt  }
0x63: {  	_ =	shalt  }
0x64: {  	_ =	shalt  }
0x65: {  	_ =	shalt  }
0x66: {  	_ =	shalt  }
0x67: {  	_ =	shalt  }
0x68: {  	_ =	shalt  }
0x69: {  	_ =	shalt  }
0x6a: {  	_ =	shalt  }
0x6b: {  	_ =	shalt  }
0x6c: {  	_ =	shalt  }
0x6d: {  	_ =	shalt  }
0x6e: {  	_ =	shalt  }
0x6f: {  	_ =	shalt  }
0x70: {  	_ =	shalt  }
0x71: {  	_ =	shalt  }
0x72: {  	_ =	shalt  }
0x73: {  	_ =	shalt  }
0x74: {  	_ =	shalt  }
0x75: {  	_ =	shalt  }
0x76: {  	_ =	shalt  }
0x77: {  	_ =	shalt  }
0x78: {  	_ =	shalt  }
0x79: {  	_ =	shalt  }
0x7a: {  	_ =	shalt  }
0x7b: {  	_ =	shalt  }
0x7c: {  	_ =	shalt  }
0x7d: {  	_ =	shalt  }
0x7e: {  	_ =	shalt  }
0x7f: {  	_ =	shalt  }
0x80: {  	_ =	shalt  }
0x81: {  	_ =	shalt  }
0x82: {  	_ =	shalt  }
0x83: {  	_ =	shalt  }
0x84: {  	_ =	shalt  }
0x85: {  	_ =	shalt  }
0x86: {  	_ =	shalt  }
0x87: {  	_ =	shalt  }
.Lfunc_end0:
.L_simem_size_0:
called_computation_lowered:
.L_overlay_start_0:
0x88: {  	s2 =	sld [smem:$0x3FD9]  }
0x89: {  	s3 =	sld [smem:$0x3FFE];
	_ =	sdelay $0x1  }
0x8a: {  	s1 =	srdreg.scid  }
0x8b: {  	s0 =	sand.u32 $0x1, s1  }
0x8c: {  	s17 =	sshll.u32 s0, $0xA;
	s2 =	sadd.s32 s3, s2  }
0x8d: {  	s2 =	sadd.s32 s2, s17  }
0x8e: {  	[smem:$0x3FC6] =	sst s2  }
0x8f: {  	_ = 	snop  }
0x90: {  	s2 =	sld [smem:$0x3FC8]  }
0x91: {  	s18 =	sld [smem:$0x3FD0];
	(tm) =	ssettm $0x1  }
0x92: {  	s4 =	sld [smem:$0x3FFB];
	_ =	sdelay $0x3  }
0x93: {  	_ =	strace s4  }
0x94: {  	s4 =	sld [smem:$0x3FFC];
	_ =	sdelay $0x3  }
0x95: {  	_ =	strace s4  }
0x96: {  	s4 =	sld [smem:$0x3FFD];
	_ =	sdelay $0x3  }
0x97: {  	_ =	strace s4  }
0x98: {  	_ =	strace $0x8FFFFFFF  }
0x99: {  	s19 =	sld [smem:$0x3FDB];
	_ =	sdelay $0x1  }
0x9a: {  	s5 =	simm.s32 $_scs_section_size  }
0x9b: {  	s6 =	simm.s32 $_size__tile_overlayer_lowered;
	s7 =	simm.s32 $_tile_overlayer_lowered  }
0x9c: {  	s22 =	simm.s32 $0x1BFF;
	s21 =	sshll.u32 s7, $0x1;
	s4 =	sadd.s32 s5, s19  }
0x9d: {  	s8 =	simm.s32 $0x0;
	s20 =	sshll.u32 s6, $0x1;
	s6 =	sadd.s32 s21, s4  }
0x9e: {  	[timem:s8], [sflag:s22] =	dma.local [hbm:s6], s20  }
0x9f: {  	_ =	swait.ge [sflag:s22], s20  }
0xa0: {  	s5 =	ssub.s32 $0x0, s20;
	[sflag:s22] =	ssyncset.done $0x0  }
0xa1: {  	[sflag:s22] =	ssyncadd.s32 s5;
	_ =	sdelay $0x1  }
0xa2: {  	s23 =	simm.s32 $0x1B8B  }
0xa3: {  	_ =	swait.ge [sflag:s23], $0x1  }
0xa4: {  	[sflag:s23] =	ssyncset.done $0x0  }
0xa5: {  	s25 =	simm.s32 $0x1B8E;
	s24 =	sld [smem:$0x3FFE];
	[sflag:s23] =	ssyncadd.s32 $0xFFFFFFFF  }
0xa6: {  	s26 =	simm.s32 $execute0_lowered;
	[smem:$0x3FD2] =	sst s25  }
0xa7: {  	s6 =	sshll.u32 s26, $0x1;
	_ =	strace $0x80000046;
	[dreg:$0x1] =	wrdreg $0xFFFFFFFF  }
0xa8: {  	s28 =	simm.s32 $_size_execute0_lowered;
	s4 =	sadd.s32 s4, s6;
	[dreg:$0x0] =	wrdreg $0x0  }
0xa9: {  	s6 =	sshll.u32 s28, $0x1;
	[dreg:$0x2] =	wrdreg s4  }
0xaa: {  	[dreg:$0x3] =	wrdreg s6  }
0xab: {  	[dreg:$0x4] =	wrdreg $0xC0  }
0xac: {  	_ =	task [dreg:s8], $0x5FFFF  }
0xad: {  	[dreg:$0x1] =	wrdreg $0xFFFFFFFF  }
0xae: {  	[dreg:$0x0] =	wrdreg $0x60  }
0xaf: {  	[dreg:$0x2] =	wrdreg s24  }
0xb0: {  	[dreg:$0x3] =	wrdreg s2  }
0xb1: {  	[dreg:$0x4] =	wrdreg s18  }
0xb2: {  	[dreg:$0x5] =	wrdreg $0x9  }
0xb3: {  	_ =	task.clear_ibuf [dreg:s8], $0x6FFFF;
	_ =	strace $0x90000046  }
0xb4: {  	s29 =	simm.s32 $0x9;
	_ =	strace $0x80000048  }
0xb5: {  	_ =	swait.ge [sflag:s29], $0x1  }
0xb6: {  	[sflag:s29] =	ssyncadd.s32 $0xFFFFFFFF  }
0xb7: {  	_ =	strace $0x90000048  }
0xb8: {  	_ =	sfence  }
0xb9: {  	s30 =	sld [smem:$0x0];
	_ =	sdelay $0x2  }
0xba: {  	s31 =	sshll.u32 s1, $0xD;
	s1 =	sshrl.u32 s1, $0x2  }
0xbb: {  	s3 =	sand.u32 $0x4000, s31;
	s1 =	sadd.s32 s1, s30  }
0xbc: {  	s0 =	sor.u32 s3, s0;
	s1 =	sshll.u32 s1, $0x11  }
0xbd: {  	s0 =	sor.u32 s1, s0  }
0xbe: {  	s0 =	sadd.s32 $0x8F2B, s0  }
0xbf: {  	[sflag:s0] =	ssyncadd.remote.s32 $0x1  }
0xc0: {  	_ =	sfence.sel $0xFFFF  }
0xc1: {  	[dreg:$0x0] =	wrdreg $0xFFFFFFFF;
	(pc) =	sbr.abs _section_cstart, $3  }
0xc2: {  	[dreg:$0x1] =	wrdreg $0xFFFFFFFF  }
0xc3: {  	_ =	task.clear_ibuf [dreg:s8], $0x2FFFF;
	_ =	strace $0x9FFFFFFF  }
0xc4: {  	(tm) =	ssettm $0x7FFFFFFF  }
0xc5: {  	_ =	shalt  }
tec
execute0_lowered:
.L_overlay_start_1:
0x0: {  	(tag) =	ssettag $0x1  }
0x1: {  	s0 =	rddreg [dreg:$0x0]  }
0x2: {  	s2 =	rddreg [dreg:$0x1]  }
0x3: {  	s3 =	rddreg [dreg:$0x2]  }
0x4: {  	s1 =	srdreg.scid;
	s5 =	stileid.u32  }
0x5: {  	s4 =	simm.s32 $0x0;
	s12 =	simm.s32 $0x80;
	s13 =	simm.s32 $0x400  }
0x6: {  	s15 =	simm.s32 $0x200;
	s16 =	simm.s32 $0x300;
	s18 =	simm.s32 $0x48  }
0x7: {  	s21 =	simm.s32 $0x6800;
	s28 =	simm.s32 $0x10C00;
	s29 =	simm.s32 $0x5  }
0x8: {  	s30 =	simm.s32 $0x4;
	s31 =	simm.s32 $0x13000;
	s1 =	sand.u32 $0x1, s1  }
0x9: {  	s19 =	simm.s32 $0x6;
	s5 =	sshll.u32 s5, $0x6;
	s6 =	sshll.u32 s1, $0x5  }
0xa: {  	s22 =	simm.s32 $0x7;
	s23 =	ssub.s32 $0x2, s1;
	s5 =	sor.u32 s6, s5  }
0xb: {  	s6 =	sadd.s32 $0x400, s0;
	s7 =	sshrl.u32 s23, $0x1;
	s24 =	sshll.u32 s5, $0x5  }
0xc: {  	[smem:$0x7FF] =	sst s4;
	s0 =	ssub.s32 s23, s7;
	s1 =	sadd.s32 s6, s24  }
0xd: {  	_ =	strace $0x80000047;
	s0 =	smax.u32 s0, $0x1;
	[dreg:$0x4] =	wrdreg s1  }
.Ltmp0:
0xe: {  	s25 =	sadd.s32 $0x10, s1;
	[dreg:$0x8] =	wrdreg s0;
	(pc) =	sbr.rel .LBB2_1-.Ltmp0, $4  }
0xf: {  	s8 =	simm.s32 $0xB;
	s26 =	sadd.s32 $0x20, s1;
	[dreg:$0x5] =	wrdreg s25  }
0x10: {  	s10 =	simm.s32 $0x0;
	s1 =	sadd.s32 $0x30, s1;
	[dreg:$0x6] =	wrdreg s26  }
0x11: {  	s24 =	simm.s32 $0x3;
	s0 =	simm.s32 $0x380;
	[dreg:$0x7] =	wrdreg s1  }
0x12: {  	s25 =	simm.s32 $0xCC00;
	s26 =	simm.s32 $0x280;
	s1 =	simm.s32 $0x17000  }
.LBB2_12:
0x13: {  	s7 =	simm.s32 $0x9  }
0x14: {  	_ =	swait.ge [sflag:s7], $0x6400  }
0x15: {  	[sflag:s7] =	ssyncset.done $0x0  }
0x16: {  	s20 =	simm.s32 $0xA;
	[sflag:s7] =	ssyncadd.s32 $0xFFFF9C00  }
0x17: {  	_ =	swait.ge [sflag:s20], $0x6400  }
0x18: {  	[sflag:s20] =	ssyncset.done $0x0  }
0x19: {  	[sflag:s20] =	ssyncadd.s32 $0xFFFF9C00  }
0x1a: {  	_ =	swait.ge [sflag:s8], $0x6400  }
0x1b: {  	[sflag:s8] =	ssyncset.done $0x0  }
0x1c: {  	s9 =	simm.s32 $0xC;
	[sflag:s8] =	ssyncadd.s32 $0xFFFF9C00  }
0x1d: {  	_ =	swait.ge [sflag:s9], $0x6400  }
0x1e: {  	s10 =	sadd.s32 $0x1, s10;
	s23 =	rddreg [dreg:$0x8]  }
0x1f: {  	p0 =	sne.s32 s10, s23  }
.Ltmp1:
0x20: {  	_ = 	snop;
	(pc) =	sbr.rel @!p0 .LBB2_13-.Ltmp1, $3  }
0x21: {  	_ =	sdelay $0x1  }
0x22: {  	[sflag:s9] =	ssyncset.done $0x0  }
0x23: {  	[sflag:s9] =	ssyncadd.s32 $0xFFFF9C00  }
.LBB2_1:
0x24: {  	s7 =	rddreg [dreg:$0x4]  }
0x25: {  	[tilespmem:s4], [sflag:$0x1] =	stream.strided.gather [hbm4b:s7+s12], $0x100, s13, s12, $0x38;
	[tilespmem:$0x19400] =	vst v63  }
0x26: {  	s17 =	rddreg [dreg:$0x5];
	s9 =	simm.s32 $0x100  }
0x27: {  	[tilespmem:s9], [sflag:$0x2] =	stream.strided.gather [hbm4b:s17+s12], $0x100, s13, s12, $0x38;
	[tilespmem:$0x19400] =	vst v63  }
0x28: {  	s20 =	rddreg [dreg:$0x6]  }
0x29: {  	[tilespmem:s15], [sflag:$0x3] =	stream.strided.gather [hbm4b:s20+s12], $0x100, s13, s12, $0x38;
	[tilespmem:$0x19400] =	vst v63  }
0x2a: {  	s23 =	rddreg [dreg:$0x7];
	s11 =	simm.s32 $0x1  }
0x2b: {  	[tilespmem:s16], [sflag:$0x4] =	stream.strided.gather [hbm4b:s23+s12], $0x100, s13, s12, $0x38;
	[tilespmem:$0x19400] =	vst v63  }
0x2c: {  	_ =	swait.ge [sflag:s11], $0x100  }
0x2d: {  	[sflag:s11] =	ssyncset.done $0x0  }
0x2e: {  	[sflag:s11] =	ssyncadd.s32 $0xFFFFFF00  }
0x2f: {  	[tilespmem:s13], [sflag:$0x5] =	stream.indirect.gather [hbm4b:s2+s12], $0x80, s4, s12, $0xb8;
	[tilespmem:$0x19400] =	vst v63  }
0x30: {  	s14 =	simm.s32 $0x4400;
	s17 =	simm.s32 $0x2  }
0x31: {  	[tilespmem:s14], [sflag:$0x5] =	stream.indirect.gather [hbm4b:s2+s18], $0x80, s12, s18, $0xb8;
	[tilespmem:$0x19400] =	vst v63  }
0x32: {  	_ =	swait.ge [sflag:s17], $0x100  }
0x33: {  	[sflag:s17] =	ssyncset.done $0x0  }
0x34: {  	[sflag:s17] =	ssyncadd.s32 $0xFFFFFF00  }
0x35: {  	[tilespmem:s21], [sflag:$0x6] =	stream.indirect.gather [hbm4b:s2+s12], $0x80, s9, s12, $0xb8;
	[tilespmem:$0x19400] =	vst v63  }
0x36: {  	s20 =	simm.s32 $0x180;
	s23 =	simm.s32 $0xA800  }
0x37: {  	[tilespmem:s23], [sflag:$0x6] =	stream.indirect.gather [hbm4b:s2+s18], $0x80, s20, s18, $0xb8;
	[tilespmem:$0x19400] =	vst v63  }
0x38: {  	_ =	swait.ge [sflag:s24], $0x100  }
0x39: {  	[sflag:s24] =	ssyncset.done $0x0  }
0x3a: {  	[sflag:s24] =	ssyncadd.s32 $0xFFFFFF00  }
0x3b: {  	[tilespmem:s25], [sflag:$0x7] =	stream.indirect.gather [hbm4b:s2+s12], $0x80, s15, s12, $0xb8;
	[tilespmem:$0x19400] =	vst v63  }
0x3c: {  	s11 =	simm.s32 $0x0  }
0x3d: {  	[tilespmem:s28], [sflag:$0x7] =	stream.indirect.gather [hbm4b:s2+s18], $0x80, s26, s18, $0xb8;
	[tilespmem:$0x19400] =	vst v63  }
.LBB2_2:
0x3e: {  	_ =	swait.ge [sflag:s29], $0x4000  }
0x3f: {  	s7 =	sshll.u32 s11, $0x2;
	p0 =	seq.s32 s11, $0x7;
	[sflag:s29] =	ssyncset.done $0x0  }
0x40: {  	s9 =	sadd.s32 @!p0 $0x4, s7;
	s17 =	simm.s32 @!p0 $0x400;
	s20 =	simm.s32 @!p0 $0x0  }
0x41: {  	[sflag:s29] =	ssyncadd.s32 $0xFFFFC000;
	s14 =	sadd.s32 @!p0 s5, s9;
	s9 =	sshll.u32 @!p0 s9, $0x4  }
0x42: {  	_ =	swait.ge [sflag:s29], $0x2400;
	s14 =	sshll.u32 @!p0 s14, $0x5;
	s9 =	sand.u32 @!p0 $0x40, s9  }
0x43: {  	[sflag:s29] =	ssyncset.done $0x0;
	s14 =	sand.u32 @!p0 $0xFF00, s14;
	s9 =	sadd.s32 @!p0 s6, s9  }
0x44: {  	[sflag:s29] =	ssyncadd.s32 $0xFFFFDC00;
	s9 =	sadd.s32 @!p0 s14, s9;
	s14 =	simm.s32 @!p0 $0x80  }
0x45: {  	[tilespmem:s20], [sflag:$0x1] =	stream.strided.gather @!p0 [hbm4b:s9+s14], $0x100, s17, s14, $0x38;
	[tilespmem:$0x19400] =	vst v63  }
0x46: {  	s17 =	simm.s32 $0x500  }
0x47: {  	v0 =	vld [tilespmem:s17+$0xFFFFFF00]  }
0x48: {  	v1 =	vld [tilespmem:s17+$0xFFFFFF10]  }
0x49: {  	v2 =	vld [tilespmem:s17+$0xFFFFFF20]  }
0x4a: {  	v3 =	vld [tilespmem:s17+$0xFFFFFF30]  }
0x4b: {  	v4 =	vld [tilespmem:s17+$0xFFFFFF40]  }
0x4c: {  	v5 =	vld [tilespmem:s17+$0xFFFFFF50];
	v0 =	vmul.f32 $1.131370830e+01, v0  }
0x4d: {  	v6 =	vld [tilespmem:s17+$0xFFFFFF60];
	v1 =	vmul.f32 $1.131370830e+01, v1  }
0x4e: {  	[tilespmem:s17+$0xFFFFFF00] =	vst v0;
	v0 =	vmul.f32 $1.131370830e+01, v2;
	v2 =	vld [tilespmem:s17+$0xFFFFFF70]  }
0x4f: {  	[tilespmem:s17+$0xFFFFFF10] =	vst v1;
	v1 =	vmul.f32 $1.131370830e+01, v3;
	v3 =	vld [tilespmem:s17+$0xFFFFFF80]  }
0x50: {  	[tilespmem:s17+$0xFFFFFF20] =	vst v0;
	v0 =	vmul.f32 $1.131370830e+01, v4;
	v4 =	vld [tilespmem:s17+$0xFFFFFF90]  }
0x51: {  	[tilespmem:s17+$0xFFFFFF30] =	vst v1;
	v1 =	vmul.f32 $1.131370830e+01, v5;
	v5 =	vld [tilespmem:s17+$0xFFFFFFA0]  }
0x52: {  	[tilespmem:s17+$0xFFFFFF40] =	vst v0;
	v0 =	vmul.f32 $1.131370830e+01, v6;
	v6 =	vld [tilespmem:s17+$0xFFFFFFB0]  }
0x53: {  	[tilespmem:s17+$0xFFFFFF50] =	vst v1;
	v1 =	vmul.f32 $1.131370830e+01, v2;
	v2 =	vld [tilespmem:s17+$0xFFFFFFC0]  }
0x54: {  	[tilespmem:s17+$0xFFFFFF60] =	vst v0;
	v0 =	vmul.f32 $1.131370830e+01, v3;
	v3 =	vld [tilespmem:s17+$0xFFFFFFD0]  }
0x55: {  	[tilespmem:s17+$0xFFFFFF70] =	vst v1;
	v1 =	vmul.f32 $1.131370830e+01, v4;
	v4 =	vld [tilespmem:s17+$0xFFFFFFE0]  }
0x56: {  	[tilespmem:s17+$0xFFFFFF80] =	vst v0;
	v0 =	vmul.f32 $1.131370830e+01, v5;
	v5 =	vld [tilespmem:s17+$0x0]  }
0x57: {  	[tilespmem:s17+$0xFFFFFF90] =	vst v1;
	v1 =	vmul.f32 $1.131370830e+01, v6;
	v6 =	vld [tilespmem:s17+$0x10]  }
0x58: {  	[tilespmem:s17+$0xFFFFFFA0] =	vst v0;
	v0 =	vmul.f32 $1.131370830e+01, v2;
	v2 =	vld [tilespmem:s17+$0x20]  }
0x59: {  	[tilespmem:s17+$0xFFFFFFB0] =	vst v1;
	v1 =	vmul.f32 $1.131370830e+01, v3;
	v3 =	vld [tilespmem:s17+$0x30]  }
0x5a: {  	[tilespmem:s17+$0xFFFFFFC0] =	vst v0;
	v0 =	vmul.f32 $1.131370830e+01, v4;
	v4 =	vld [tilespmem:s17+$0x40]  }
0x5b: {  	[tilespmem:s17+$0xFFFFFFD0] =	vst v1;
	v1 =	vmul.f32 $1.131370830e+01, v5;
	v5 =	vld [tilespmem:s17+$0x50]  }
0x5c: {  	[tilespmem:s17+$0xFFFFFFE0] =	vst v0;
	v0 =	vmul.f32 $1.131370830e+01, v6;
	v6 =	vld [tilespmem:s17+$0x60]  }
0x5d: {  	[tilespmem:s17+$0x0] =	vst v1;
	v1 =	vmul.f32 $1.131370830e+01, v2;
	v2 =	vld [tilespmem:s17+$0x70]  }
0x5e: {  	[tilespmem:s17+$0x10] =	vst v0;
	v0 =	vmul.f32 $1.131370830e+01, v3;
	v3 =	vld [tilespmem:s17+$0x80]  }
0x5f: {  	[tilespmem:s17+$0x20] =	vst v1;
	v1 =	vmul.f32 $1.131370830e+01, v4;
	v4 =	vld [tilespmem:s17+$0x90]  }
0x60: {  	[tilespmem:s17+$0x30] =	vst v0;
	v0 =	vmul.f32 $1.131370830e+01, v5;
	v5 =	vld [tilespmem:s17+$0xA0]  }
0x61: {  	[tilespmem:s17+$0x40] =	vst v1;
	v1 =	vmul.f32 $1.131370830e+01, v6;
	v6 =	vld [tilespmem:s17+$0xB0]  }
0x62: {  	[tilespmem:s17+$0x50] =	vst v0;
	v2 =	vmul.f32 $1.131370830e+01, v2;
	v0 =	vld [tilespmem:s17+$0xC0]  }
0x63: {  	[tilespmem:s17+$0x60] =	vst v1;
	v3 =	vmul.f32 $1.131370830e+01, v3;
	v1 =	vld [tilespmem:s17+$0xD0]  }
0x64: {  	[tilespmem:s17+$0x70] =	vst v2;
	v7 =	vmul.f32 $1.131370830e+01, v4;
	v2 =	vld [tilespmem:s17+$0xE0]  }
0x65: {  	[tilespmem:s17+$0x80] =	vst v3;
	v3 =	vld [tilespmem:s17+$0xF0];
	v5 =	vmul.f32 $1.131370830e+01, v5  }
0x66: {  	s20 =	simm.s32 $0x0;
	s14 =	simm.s32 $0x700;
	v4 =	vld [tilespmem:s17+$0xFFFFFFF0];
	[tilespmem:s17+$0x90] =	vst v7;
	v6 =	vmul.f32 $1.131370830e+01, v6  }
.LBB2_3:
0x67: {  	v7 =	vld [tilespmem:s14+$0xFFFFFF00];
	[tilespmem:s17+$0xA0] =	vst v5;
	v0 =	vmul.f32 $1.131370830e+01, v0  }
0x68: {  	v5 =	vld [tilespmem:s14+$0xFFFFFF10];
	[tilespmem:s17+$0xB0] =	vst v6;
	v1 =	vmul.f32 $1.131370830e+01, v1  }
0x69: {  	v6 =	vld [tilespmem:s14+$0xFFFFFF20];
	[tilespmem:s17+$0xC0] =	vst v0;
	v0 =	vmul.f32 $1.131370830e+01, v2  }
0x6a: {  	v2 =	vld [tilespmem:s14+$0xFFFFFF30];
	[tilespmem:s17+$0xD0] =	vst v1;
	v1 =	vmul.f32 $1.131370830e+01, v3  }
0x6b: {  	v3 =	vld [tilespmem:s14+$0xFFFFFF40];
	v4 =	vmul.f32 $1.131370830e+01, v4;
	[tilespmem:s17+$0xE0] =	vst v0  }
0x6c: {  	v0 =	vmul.f32 $1.131370830e+01, v7;
	v7 =	vld [tilespmem:s14+$0xFFFFFF50];
	[tilespmem:s17+$0xF0] =	vst v1  }
0x6d: {  	v1 =	vmul.f32 $1.131370830e+01, v5;
	v5 =	vld [tilespmem:s14+$0xFFFFFF60];
	[tilespmem:s17+$0xFFFFFFF0] =	vst v4;
	s17 =	smov.u32 s14  }
0x6e: {  	[tilespmem:s14+$0xFFFFFF00] =	vst v0;
	v0 =	vmul.f32 $1.131370830e+01, v6;
	v4 =	vld [tilespmem:s14+$0xFFFFFF70]  }
0x6f: {  	[tilespmem:s14+$0xFFFFFF10] =	vst v1;
	v1 =	vmul.f32 $1.131370830e+01, v2;
	v2 =	vld [tilespmem:s14+$0xFFFFFF80]  }
0x70: {  	[tilespmem:s14+$0xFFFFFF20] =	vst v0;
	v0 =	vmul.f32 $1.131370830e+01, v3;
	v3 =	vld [tilespmem:s14+$0xFFFFFF90]  }
0x71: {  	[tilespmem:s14+$0xFFFFFF30] =	vst v1;
	v1 =	vmul.f32 $1.131370830e+01, v7;
	v6 =	vld [tilespmem:s14+$0xFFFFFFA0]  }
0x72: {  	[tilespmem:s14+$0xFFFFFF40] =	vst v0;
	v0 =	vmul.f32 $1.131370830e+01, v5;
	v5 =	vld [tilespmem:s14+$0xFFFFFFB0]  }
0x73: {  	[tilespmem:s14+$0xFFFFFF50] =	vst v1;
	v1 =	vmul.f32 $1.131370830e+01, v4;
	v4 =	vld [tilespmem:s14+$0xFFFFFFC0]  }
0x74: {  	[tilespmem:s14+$0xFFFFFF60] =	vst v0;
	v0 =	vmul.f32 $1.131370830e+01, v2;
	v2 =	vld [tilespmem:s14+$0xFFFFFFD0]  }
0x75: {  	[tilespmem:s14+$0xFFFFFF70] =	vst v1;
	v1 =	vmul.f32 $1.131370830e+01, v3;
	v3 =	vld [tilespmem:s14+$0xFFFFFFE0]  }
0x76: {  	[tilespmem:s14+$0xFFFFFF80] =	vst v0;
	v0 =	vmul.f32 $1.131370830e+01, v6;
	v6 =	vld [tilespmem:s14+$0x0]  }
0x77: {  	[tilespmem:s14+$0xFFFFFF90] =	vst v1;
	v1 =	vmul.f32 $1.131370830e+01, v5;
	v5 =	vld [tilespmem:s14+$0x10]  }
0x78: {  	[tilespmem:s14+$0xFFFFFFA0] =	vst v0;
	v0 =	vmul.f32 $1.131370830e+01, v4;
	v4 =	vld [tilespmem:s14+$0x20]  }
0x79: {  	[tilespmem:s14+$0xFFFFFFB0] =	vst v1;
	v1 =	vmul.f32 $1.131370830e+01, v2;
	v2 =	vld [tilespmem:s14+$0x30]  }
0x7a: {  	[tilespmem:s14+$0xFFFFFFC0] =	vst v0;
	v0 =	vmul.f32 $1.131370830e+01, v3;
	v3 =	vld [tilespmem:s14+$0x40]  }
0x7b: {  	[tilespmem:s14+$0xFFFFFFD0] =	vst v1;
	v1 =	vmul.f32 $1.131370830e+01, v6;
	v6 =	vld [tilespmem:s14+$0x50]  }
0x7c: {  	[tilespmem:s14+$0xFFFFFFE0] =	vst v0;
	v0 =	vmul.f32 $1.131370830e+01, v5;
	v5 =	vld [tilespmem:s14+$0x60]  }
0x7d: {  	[tilespmem:s14+$0x0] =	vst v1;
	v1 =	vmul.f32 $1.131370830e+01, v4;
	v4 =	vld [tilespmem:s14+$0x70]  }
0x7e: {  	[tilespmem:s14+$0x10] =	vst v0;
	v0 =	vmul.f32 $1.131370830e+01, v2;
	v2 =	vld [tilespmem:s14+$0x80]  }
0x7f: {  	[tilespmem:s14+$0x20] =	vst v1;
	v1 =	vmul.f32 $1.131370830e+01, v3;
	v3 =	vld [tilespmem:s14+$0x90]  }
0x80: {  	s20 =	sadd.s32 $0x4, s20;
	[tilespmem:s14+$0x30] =	vst v0;
	v0 =	vmul.f32 $1.131370830e+01, v6;
	v6 =	vld [tilespmem:s14+$0xA0]  }
0x81: {  	p1 =	slt.u32 s20, $0xC4;
	[tilespmem:s14+$0x40] =	vst v1;
	v1 =	vmul.f32 $1.131370830e+01, v5;
	v7 =	vld [tilespmem:s14+$0xB0]  }
.Ltmp2:
0x82: {  	[tilespmem:s14+$0x50] =	vst v0;
	v4 =	vmul.f32 $1.131370830e+01, v4;
	v0 =	vld [tilespmem:s14+$0xC0];
	(pc) =	sbr.rel @p1 .LBB2_3-.Ltmp2, $4  }
0x83: {  	[tilespmem:s14+$0x60] =	vst v1;
	v5 =	vmul.f32 $1.131370830e+01, v2;
	v1 =	vld [tilespmem:s14+$0xD0]  }
0x84: {  	[tilespmem:s14+$0x70] =	vst v4;
	v8 =	vmul.f32 $1.131370830e+01, v3;
	v2 =	vld [tilespmem:s14+$0xE0]  }
0x85: {  	[tilespmem:s14+$0x80] =	vst v5;
	v5 =	vmul.f32 $1.131370830e+01, v6;
	v3 =	vld [tilespmem:s14+$0xF0]  }
0x86: {  	s14 =	sadd.s32 $0x200, s14;
	v4 =	vld [tilespmem:s17+$0xFFFFFFF0];
	[tilespmem:s17+$0x90] =	vst v8;
	v6 =	vmul.f32 $1.131370830e+01, v7  }
0x87: {  	[tilespmem:s17+$0xA0] =	vst v5;
	v0 =	vmul.f32 $1.131370830e+01, v0  }
0x88: {  	[tilespmem:s17+$0xB0] =	vst v6;
	v1 =	vmul.f32 $1.131370830e+01, v1  }
0x89: {  	[tilespmem:s17+$0xC0] =	vst v0;
	v0 =	vmul.f32 $1.131370830e+01, v2  }
0x8a: {  	s9 =	sadd.s32 s5, s7;
	[tilespmem:s17+$0xD0] =	vst v1;
	v1 =	vmul.f32 $1.131370830e+01, v3  }
0x8b: {  	s9 =	smul.u32 $0xC80, s9;
	v2 =	vmul.f32 $1.131370830e+01, v4;
	[tilespmem:s17+$0xE0] =	vst v0  }
0x8c: {  	[tilespmem:s17+$0xF0] =	vst v1  }
0x8d: {  	p1 =	seq.s32 s11, $0x0;
	s9 =	sadd.s32 s3, s9;
	[tilespmem:s17+$0xFFFFFFF0] =	vst v2  }
0x8e: {  	[hbm4b:s9+s4] =	stream.linear.scatter [tilespmem:s13], [sflag:$0x9], $0x6400, $0x38;
	[tilespmem:$0x19400] =	vst v63  }
0x8f: {  	s9 =	simm.s32 @!p1 $0xC  }
0x90: {  	_ =	swait.ge @!p1 [sflag:s9], $0x6400  }
0x91: {  	[sflag:s9] =	ssyncset.done @!p1 $0x0  }
0x92: {  	[sflag:s9] =	ssyncadd.s32 @!p1 $0xFFFF9C00  }
0x93: {  	_ =	swait.ge [sflag:s30], $0x100  }
0x94: {  	[sflag:s30] =	ssyncset.done $0x0  }
0x95: {  	[sflag:s30] =	ssyncadd.s32 $0xFFFFFF00  }
0x96: {  	[tilespmem:s31], [sflag:$0x8] =	stream.indirect.gather [hbm4b:s2+s12], $0x80, s16, s12, $0xb8;
	[tilespmem:$0x19400] =	vst v63  }
0x97: {  	_ = 	snop  }
0x98: {  	[tilespmem:s1], [sflag:$0x8] =	stream.indirect.gather [hbm4b:s2+s18], $0x80, s0, s18, $0xb8;
	[tilespmem:$0x19400] =	vst v63  }
0x99: {  	s20 =	simm.s32 @!p0 $0x100;
	_ =	swait.ge [sflag:s19], $0x4000  }
0x9a: {  	s17 =	simm.s32 @!p0 $0x400;
	s9 =	sadd.s32 @!p0 $0x5, s7;
	[sflag:s19] =	ssyncset.done $0x0  }
0x9b: {  	s14 =	sadd.s32 @!p0 s5, s9;
	s9 =	sshll.u32 @!p0 s9, $0x4;
	[sflag:s19] =	ssyncadd.s32 $0xFFFFC000  }
0x9c: {  	s14 =	sshll.u32 @!p0 s14, $0x5;
	s9 =	sand.u32 @!p0 $0x50, s9;
	_ =	swait.ge [sflag:s19], $0x2400  }
0x9d: {  	s14 =	sand.u32 @!p0 $0xFF00, s14;
	s9 =	sadd.s32 @!p0 s6, s9;
	[sflag:s19] =	ssyncset.done $0x0  }
0x9e: {  	s9 =	sadd.s32 @!p0 s14, s9;
	s14 =	simm.s32 @!p0 $0x80;
	[sflag:s19] =	ssyncadd.s32 $0xFFFFDC00  }
0x9f: {  	[tilespmem:s20], [sflag:$0x2] =	stream.strided.gather @!p0 [hbm4b:s9+s14], $0x100, s17, s14, $0x38;
	[tilespmem:$0x19400] =	vst v63  }
0xa0: {  	s20 =	simm.s32 $0x6900  }
0xa1: {  	v0 =	vld [tilespmem:s20+$0xFFFFFF00]  }
0xa2: {  	v1 =	vld [tilespmem:s20+$0xFFFFFF10]  }
0xa3: {  	v2 =	vld [tilespmem:s20+$0xFFFFFF20]  }
0xa4: {  	v3 =	vld [tilespmem:s20+$0xFFFFFF30]  }
0xa5: {  	v4 =	vld [tilespmem:s20+$0xFFFFFF40]  }
0xa6: {  	v5 =	vld [tilespmem:s20+$0xFFFFFF50];
	v0 =	vmul.f32 $1.131370830e+01, v0  }
0xa7: {  	v6 =	vld [tilespmem:s20+$0xFFFFFF60];
	v1 =	vmul.f32 $1.131370830e+01, v1  }
0xa8: {  	[tilespmem:s20+$0xFFFFFF00] =	vst v0;
	v0 =	vmul.f32 $1.131370830e+01, v2;
	v2 =	vld [tilespmem:s20+$0xFFFFFF70]  }
0xa9: {  	[tilespmem:s20+$0xFFFFFF10] =	vst v1;
	v1 =	vmul.f32 $1.131370830e+01, v3;
	v3 =	vld [tilespmem:s20+$0xFFFFFF80]  }
0xaa: {  	[tilespmem:s20+$0xFFFFFF20] =	vst v0;
	v0 =	vmul.f32 $1.131370830e+01, v4;
	v4 =	vld [tilespmem:s20+$0xFFFFFF90]  }
0xab: {  	[tilespmem:s20+$0xFFFFFF30] =	vst v1;
	v1 =	vmul.f32 $1.131370830e+01, v5;
	v5 =	vld [tilespmem:s20+$0xFFFFFFA0]  }
0xac: {  	[tilespmem:s20+$0xFFFFFF40] =	vst v0;
	v0 =	vmul.f32 $1.131370830e+01, v6;
	v6 =	vld [tilespmem:s20+$0xFFFFFFB0]  }
0xad: {  	[tilespmem:s20+$0xFFFFFF50] =	vst v1;
	v1 =	vmul.f32 $1.131370830e+01, v2;
	v2 =	vld [tilespmem:s20+$0xFFFFFFC0]  }
0xae: {  	[tilespmem:s20+$0xFFFFFF60] =	vst v0;
	v0 =	vmul.f32 $1.131370830e+01, v3;
	v3 =	vld [tilespmem:s20+$0xFFFFFFD0]  }
0xaf: {  	[tilespmem:s20+$0xFFFFFF70] =	vst v1;
	v1 =	vmul.f32 $1.131370830e+01, v4;
	v4 =	vld [tilespmem:s20+$0xFFFFFFE0]  }
0xb0: {  	[tilespmem:s20+$0xFFFFFF80] =	vst v0;
	v0 =	vmul.f32 $1.131370830e+01, v5;
	v5 =	vld [tilespmem:s20+$0x0]  }
0xb1: {  	[tilespmem:s20+$0xFFFFFF90] =	vst v1;
	v1 =	vmul.f32 $1.131370830e+01, v6;
	v6 =	vld [tilespmem:s20+$0x10]  }
0xb2: {  	[tilespmem:s20+$0xFFFFFFA0] =	vst v0;
	v0 =	vmul.f32 $1.131370830e+01, v2;
	v2 =	vld [tilespmem:s20+$0x20]  }
0xb3: {  	[tilespmem:s20+$0xFFFFFFB0] =	vst v1;
	v1 =	vmul.f32 $1.131370830e+01, v3;
	v3 =	vld [tilespmem:s20+$0x30]  }
0xb4: {  	[tilespmem:s20+$0xFFFFFFC0] =	vst v0;
	v0 =	vmul.f32 $1.131370830e+01, v4;
	v4 =	vld [tilespmem:s20+$0x40]  }
0xb5: {  	[tilespmem:s20+$0xFFFFFFD0] =	vst v1;
	v1 =	vmul.f32 $1.131370830e+01, v5;
	v5 =	vld [tilespmem:s20+$0x50]  }
0xb6: {  	[tilespmem:s20+$0xFFFFFFE0] =	vst v0;
	v0 =	vmul.f32 $1.131370830e+01, v6;
	v6 =	vld [tilespmem:s20+$0x60]  }
0xb7: {  	[tilespmem:s20+$0x0] =	vst v1;
	v1 =	vmul.f32 $1.131370830e+01, v2;
	v2 =	vld [tilespmem:s20+$0x70]  }
0xb8: {  	[tilespmem:s20+$0x10] =	vst v0;
	v0 =	vmul.f32 $1.131370830e+01, v3;
	v3 =	vld [tilespmem:s20+$0x80]  }
0xb9: {  	[tilespmem:s20+$0x20] =	vst v1;
	v1 =	vmul.f32 $1.131370830e+01, v4;
	v4 =	vld [tilespmem:s20+$0x90]  }
0xba: {  	[tilespmem:s20+$0x30] =	vst v0;
	v0 =	vmul.f32 $1.131370830e+01, v5;
	v5 =	vld [tilespmem:s20+$0xA0]  }
0xbb: {  	[tilespmem:s20+$0x40] =	vst v1;
	v1 =	vmul.f32 $1.131370830e+01, v6;
	v6 =	vld [tilespmem:s20+$0xB0]  }
0xbc: {  	[tilespmem:s20+$0x50] =	vst v0;
	v2 =	vmul.f32 $1.131370830e+01, v2;
	v0 =	vld [tilespmem:s20+$0xC0]  }
0xbd: {  	[tilespmem:s20+$0x60] =	vst v1;
	v3 =	vmul.f32 $1.131370830e+01, v3;
	v1 =	vld [tilespmem:s20+$0xD0]  }
0xbe: {  	[tilespmem:s20+$0x70] =	vst v2;
	v7 =	vmul.f32 $1.131370830e+01, v4;
	v2 =	vld [tilespmem:s20+$0xE0]  }
0xbf: {  	s23 =	sor.u32 $0x1, s7;
	[tilespmem:s20+$0x80] =	vst v3;
	v3 =	vld [tilespmem:s20+$0xF0];
	v5 =	vmul.f32 $1.131370830e+01, v5  }
0xc0: {  	s17 =	sor.u32 $0x3, s7;
	s14 =	simm.s32 $0x0;
	s9 =	simm.s32 $0x6B00;
	v4 =	vld [tilespmem:s20+$0xFFFFFFF0];
	[tilespmem:s20+$0x90] =	vst v7;
	v6 =	vmul.f32 $1.131370830e+01, v6  }
.LBB2_5:
0xc1: {  	v7 =	vld [tilespmem:s9+$0xFFFFFF00];
	[tilespmem:s20+$0xA0] =	vst v5;
	v0 =	vmul.f32 $1.131370830e+01, v0  }
0xc2: {  	v5 =	vld [tilespmem:s9+$0xFFFFFF10];
	[tilespmem:s20+$0xB0] =	vst v6;
	v1 =	vmul.f32 $1.131370830e+01, v1  }
0xc3: {  	v6 =	vld [tilespmem:s9+$0xFFFFFF20];
	[tilespmem:s20+$0xC0] =	vst v0;
	v0 =	vmul.f32 $1.131370830e+01, v2  }
0xc4: {  	v2 =	vld [tilespmem:s9+$0xFFFFFF30];
	[tilespmem:s20+$0xD0] =	vst v1;
	v1 =	vmul.f32 $1.131370830e+01, v3  }
0xc5: {  	v3 =	vld [tilespmem:s9+$0xFFFFFF40];
	v4 =	vmul.f32 $1.131370830e+01, v4;
	[tilespmem:s20+$0xE0] =	vst v0  }
0xc6: {  	v0 =	vmul.f32 $1.131370830e+01, v7;
	v7 =	vld [tilespmem:s9+$0xFFFFFF50];
	[tilespmem:s20+$0xF0] =	vst v1  }
0xc7: {  	v1 =	vmul.f32 $1.131370830e+01, v5;
	v5 =	vld [tilespmem:s9+$0xFFFFFF60];
	[tilespmem:s20+$0xFFFFFFF0] =	vst v4;
	s20 =	smov.u32 s9  }
0xc8: {  	[tilespmem:s9+$0xFFFFFF00] =	vst v0;
	v0 =	vmul.f32 $1.131370830e+01, v6;
	v4 =	vld [tilespmem:s9+$0xFFFFFF70]  }
0xc9: {  	[tilespmem:s9+$0xFFFFFF10] =	vst v1;
	v1 =	vmul.f32 $1.131370830e+01, v2;
	v2 =	vld [tilespmem:s9+$0xFFFFFF80]  }
0xca: {  	[tilespmem:s9+$0xFFFFFF20] =	vst v0;
	v0 =	vmul.f32 $1.131370830e+01, v3;
	v3 =	vld [tilespmem:s9+$0xFFFFFF90]  }
0xcb: {  	[tilespmem:s9+$0xFFFFFF30] =	vst v1;
	v1 =	vmul.f32 $1.131370830e+01, v7;
	v6 =	vld [tilespmem:s9+$0xFFFFFFA0]  }
0xcc: {  	[tilespmem:s9+$0xFFFFFF40] =	vst v0;
	v0 =	vmul.f32 $1.131370830e+01, v5;
	v5 =	vld [tilespmem:s9+$0xFFFFFFB0]  }
0xcd: {  	[tilespmem:s9+$0xFFFFFF50] =	vst v1;
	v1 =	vmul.f32 $1.131370830e+01, v4;
	v4 =	vld [tilespmem:s9+$0xFFFFFFC0]  }
0xce: {  	[tilespmem:s9+$0xFFFFFF60] =	vst v0;
	v0 =	vmul.f32 $1.131370830e+01, v2;
	v2 =	vld [tilespmem:s9+$0xFFFFFFD0]  }
0xcf: {  	[tilespmem:s9+$0xFFFFFF70] =	vst v1;
	v1 =	vmul.f32 $1.131370830e+01, v3;
	v3 =	vld [tilespmem:s9+$0xFFFFFFE0]  }
0xd0: {  	[tilespmem:s9+$0xFFFFFF80] =	vst v0;
	v0 =	vmul.f32 $1.131370830e+01, v6;
	v6 =	vld [tilespmem:s9+$0x0]  }
0xd1: {  	[tilespmem:s9+$0xFFFFFF90] =	vst v1;
	v1 =	vmul.f32 $1.131370830e+01, v5;
	v5 =	vld [tilespmem:s9+$0x10]  }
0xd2: {  	[tilespmem:s9+$0xFFFFFFA0] =	vst v0;
	v0 =	vmul.f32 $1.131370830e+01, v4;
	v4 =	vld [tilespmem:s9+$0x20]  }
0xd3: {  	[tilespmem:s9+$0xFFFFFFB0] =	vst v1;
	v1 =	vmul.f32 $1.131370830e+01, v2;
	v2 =	vld [tilespmem:s9+$0x30]  }
0xd4: {  	[tilespmem:s9+$0xFFFFFFC0] =	vst v0;
	v0 =	vmul.f32 $1.131370830e+01, v3;
	v3 =	vld [tilespmem:s9+$0x40]  }
0xd5: {  	[tilespmem:s9+$0xFFFFFFD0] =	vst v1;
	v1 =	vmul.f32 $1.131370830e+01, v6;
	v6 =	vld [tilespmem:s9+$0x50]  }
0xd6: {  	[tilespmem:s9+$0xFFFFFFE0] =	vst v0;
	v0 =	vmul.f32 $1.131370830e+01, v5;
	v5 =	vld [tilespmem:s9+$0x60]  }
0xd7: {  	[tilespmem:s9+$0x0] =	vst v1;
	v1 =	vmul.f32 $1.131370830e+01, v4;
	v4 =	vld [tilespmem:s9+$0x70]  }
0xd8: {  	[tilespmem:s9+$0x10] =	vst v0;
	v0 =	vmul.f32 $1.131370830e+01, v2;
	v2 =	vld [tilespmem:s9+$0x80]  }
0xd9: {  	[tilespmem:s9+$0x20] =	vst v1;
	v1 =	vmul.f32 $1.131370830e+01, v3;
	v3 =	vld [tilespmem:s9+$0x90]  }
0xda: {  	s14 =	sadd.s32 $0x4, s14;
	[tilespmem:s9+$0x30] =	vst v0;
	v0 =	vmul.f32 $1.131370830e+01, v6;
	v6 =	vld [tilespmem:s9+$0xA0]  }
0xdb: {  	p1 =	slt.u32 s14, $0xC4;
	[tilespmem:s9+$0x40] =	vst v1;
	v1 =	vmul.f32 $1.131370830e+01, v5;
	v7 =	vld [tilespmem:s9+$0xB0]  }
.Ltmp3:
0xdc: {  	[tilespmem:s9+$0x50] =	vst v0;
	v4 =	vmul.f32 $1.131370830e+01, v4;
	v0 =	vld [tilespmem:s9+$0xC0];
	(pc) =	sbr.rel @p1 .LBB2_5-.Ltmp3, $4  }
0xdd: {  	[tilespmem:s9+$0x60] =	vst v1;
	v5 =	vmul.f32 $1.131370830e+01, v2;
	v1 =	vld [tilespmem:s9+$0xD0]  }
0xde: {  	[tilespmem:s9+$0x70] =	vst v4;
	v8 =	vmul.f32 $1.131370830e+01, v3;
	v2 =	vld [tilespmem:s9+$0xE0]  }
0xdf: {  	[tilespmem:s9+$0x80] =	vst v5;
	v5 =	vmul.f32 $1.131370830e+01, v6;
	v3 =	vld [tilespmem:s9+$0xF0]  }
0xe0: {  	s9 =	sadd.s32 $0x200, s9;
	v4 =	vld [tilespmem:s20+$0xFFFFFFF0];
	[tilespmem:s20+$0x90] =	vst v8;
	v6 =	vmul.f32 $1.131370830e+01, v7  }
0xe1: {  	[tilespmem:s20+$0xA0] =	vst v5;
	v0 =	vmul.f32 $1.131370830e+01, v0  }
0xe2: {  	[tilespmem:s20+$0xB0] =	vst v6;
	v1 =	vmul.f32 $1.131370830e+01, v1  }
0xe3: {  	[tilespmem:s20+$0xC0] =	vst v0;
	v0 =	vmul.f32 $1.131370830e+01, v2  }
0xe4: {  	s9 =	sadd.s32 s5, s23;
	[tilespmem:s20+$0xD0] =	vst v1;
	v1 =	vmul.f32 $1.131370830e+01, v3  }
0xe5: {  	s9 =	smul.u32 $0xC80, s9;
	v2 =	vmul.f32 $1.131370830e+01, v4;
	[tilespmem:s20+$0xE0] =	vst v0  }
0xe6: {  	[tilespmem:s20+$0xF0] =	vst v1  }
0xe7: {  	s9 =	sadd.s32 s3, s9;
	[tilespmem:s20+$0xFFFFFFF0] =	vst v2  }
0xe8: {  	[hbm4b:s9+s4] =	stream.linear.scatter [tilespmem:s21], [sflag:$0xA], $0x6400, $0x38;
	[tilespmem:$0x19400] =	vst v63  }
0xe9: {  	s9 =	simm.s32 @!p0 $0x9  }
0xea: {  	_ =	swait.ge @!p0 [sflag:s9], $0x6400  }
0xeb: {  	[sflag:s9] =	ssyncset.done @!p0 $0x0  }
0xec: {  	[sflag:s9] =	ssyncadd.s32 @!p0 $0xFFFF9C00;
	s9 =	simm.s32 @!p0 $0x1  }
0xed: {  	_ =	swait.ge @!p0 [sflag:s9], $0x100  }
0xee: {  	s14 =	simm.s32 @!p0 $0x0;
	[sflag:s9] =	ssyncset.done @!p0 $0x0  }
0xef: {  	s20 =	simm.s32 @!p0 $0x400;
	[sflag:s9] =	ssyncadd.s32 @!p0 $0xFFFFFF00;
	s9 =	simm.s32 @!p0 $0x80  }
0xf0: {  	[tilespmem:s20], [sflag:$0x5] =	stream.indirect.gather @!p0 [hbm4b:s2+s9], $0x80, s14, s9, $0xb8;
	[tilespmem:$0x19400] =	vst v63  }
0xf1: {  	s23 =	simm.s32 @!p0 $0x4400;
	s14 =	simm.s32 @!p0 $0x48  }
0xf2: {  	[tilespmem:s23], [sflag:$0x5] =	stream.indirect.gather @!p0 [hbm4b:s2+s14], $0x80, s9, s14, $0xb8;
	[tilespmem:$0x19400] =	vst v63  }
0xf3: {  	_ =	swait.ge [sflag:s22], $0x4000  }
0xf4: {  	s14 =	sadd.s32 @!p0 $0x6, s7;
	[sflag:s22] =	ssyncset.done $0x0  }
0xf5: {  	s23 =	sadd.s32 @!p0 s5, s14;
	s14 =	sshll.u32 @!p0 s14, $0x4;
	[sflag:s22] =	ssyncadd.s32 $0xFFFFC000  }
0xf6: {  	s23 =	sshll.u32 @!p0 s23, $0x5;
	s14 =	sand.u32 @!p0 $0x60, s14;
	_ =	swait.ge [sflag:s22], $0x2400  }
0xf7: {  	s23 =	sand.u32 @!p0 $0xFF00, s23;
	s14 =	sadd.s32 @!p0 s6, s14;
	[sflag:s22] =	ssyncset.done $0x0  }
0xf8: {  	s14 =	sadd.s32 @!p0 s23, s14;
	s23 =	simm.s32 @!p0 $0x200;
	[sflag:s22] =	ssyncadd.s32 $0xFFFFDC00  }
0xf9: {  	[tilespmem:s23], [sflag:$0x3] =	stream.strided.gather @!p0 [hbm4b:s14+s9], $0x100, s20, s9, $0x38;
	[tilespmem:$0x19400] =	vst v63  }
0xfa: {  	s20 =	simm.s32 $0xCD00  }
0xfb: {  	v0 =	vld [tilespmem:s20+$0xFFFFFF00]  }
0xfc: {  	v1 =	vld [tilespmem:s20+$0xFFFFFF10]  }
0xfd: {  	v2 =	vld [tilespmem:s20+$0xFFFFFF20]  }
0xfe: {  	v3 =	vld [tilespmem:s20+$0xFFFFFF30]  }
0xff: {  	v4 =	vld [tilespmem:s20+$0xFFFFFF40]  }
0x100: {  	v5 =	vld [tilespmem:s20+$0xFFFFFF50];
	v0 =	vmul.f32 $1.131370830e+01, v0  }
0x101: {  	v6 =	vld [tilespmem:s20+$0xFFFFFF60];
	v1 =	vmul.f32 $1.131370830e+01, v1  }
0x102: {  	[tilespmem:s20+$0xFFFFFF00] =	vst v0;
	v0 =	vmul.f32 $1.131370830e+01, v2;
	v2 =	vld [tilespmem:s20+$0xFFFFFF70]  }
0x103: {  	[tilespmem:s20+$0xFFFFFF10] =	vst v1;
	v1 =	vmul.f32 $1.131370830e+01, v3;
	v3 =	vld [tilespmem:s20+$0xFFFFFF80]  }
0x104: {  	[tilespmem:s20+$0xFFFFFF20] =	vst v0;
	v0 =	vmul.f32 $1.131370830e+01, v4;
	v4 =	vld [tilespmem:s20+$0xFFFFFF90]  }
0x105: {  	[tilespmem:s20+$0xFFFFFF30] =	vst v1;
	v1 =	vmul.f32 $1.131370830e+01, v5;
	v5 =	vld [tilespmem:s20+$0xFFFFFFA0]  }
0x106: {  	[tilespmem:s20+$0xFFFFFF40] =	vst v0;
	v0 =	vmul.f32 $1.131370830e+01, v6;
	v6 =	vld [tilespmem:s20+$0xFFFFFFB0]  }
0x107: {  	[tilespmem:s20+$0xFFFFFF50] =	vst v1;
	v1 =	vmul.f32 $1.131370830e+01, v2;
	v2 =	vld [tilespmem:s20+$0xFFFFFFC0]  }
0x108: {  	[tilespmem:s20+$0xFFFFFF60] =	vst v0;
	v0 =	vmul.f32 $1.131370830e+01, v3;
	v3 =	vld [tilespmem:s20+$0xFFFFFFD0]  }
0x109: {  	[tilespmem:s20+$0xFFFFFF70] =	vst v1;
	v1 =	vmul.f32 $1.131370830e+01, v4;
	v4 =	vld [tilespmem:s20+$0xFFFFFFE0]  }
0x10a: {  	[tilespmem:s20+$0xFFFFFF80] =	vst v0;
	v0 =	vmul.f32 $1.131370830e+01, v5;
	v5 =	vld [tilespmem:s20+$0x0]  }
0x10b: {  	[tilespmem:s20+$0xFFFFFF90] =	vst v1;
	v1 =	vmul.f32 $1.131370830e+01, v6;
	v6 =	vld [tilespmem:s20+$0x10]  }
0x10c: {  	[tilespmem:s20+$0xFFFFFFA0] =	vst v0;
	v0 =	vmul.f32 $1.131370830e+01, v2;
	v2 =	vld [tilespmem:s20+$0x20]  }
0x10d: {  	[tilespmem:s20+$0xFFFFFFB0] =	vst v1;
	v1 =	vmul.f32 $1.131370830e+01, v3;
	v3 =	vld [tilespmem:s20+$0x30]  }
0x10e: {  	[tilespmem:s20+$0xFFFFFFC0] =	vst v0;
	v0 =	vmul.f32 $1.131370830e+01, v4;
	v4 =	vld [tilespmem:s20+$0x40]  }
0x10f: {  	[tilespmem:s20+$0xFFFFFFD0] =	vst v1;
	v1 =	vmul.f32 $1.131370830e+01, v5;
	v5 =	vld [tilespmem:s20+$0x50]  }
0x110: {  	[tilespmem:s20+$0xFFFFFFE0] =	vst v0;
	v0 =	vmul.f32 $1.131370830e+01, v6;
	v6 =	vld [tilespmem:s20+$0x60]  }
0x111: {  	[tilespmem:s20+$0x0] =	vst v1;
	v1 =	vmul.f32 $1.131370830e+01, v2;
	v2 =	vld [tilespmem:s20+$0x70]  }
0x112: {  	[tilespmem:s20+$0x10] =	vst v0;
	v0 =	vmul.f32 $1.131370830e+01, v3;
	v3 =	vld [tilespmem:s20+$0x80]  }
0x113: {  	[tilespmem:s20+$0x20] =	vst v1;
	v1 =	vmul.f32 $1.131370830e+01, v4;
	v4 =	vld [tilespmem:s20+$0x90]  }
0x114: {  	[tilespmem:s20+$0x30] =	vst v0;
	v0 =	vmul.f32 $1.131370830e+01, v5;
	v5 =	vld [tilespmem:s20+$0xA0]  }
0x115: {  	[tilespmem:s20+$0x40] =	vst v1;
	v1 =	vmul.f32 $1.131370830e+01, v6;
	v6 =	vld [tilespmem:s20+$0xB0]  }
0x116: {  	[tilespmem:s20+$0x50] =	vst v0;
	v2 =	vmul.f32 $1.131370830e+01, v2;
	v0 =	vld [tilespmem:s20+$0xC0]  }
0x117: {  	[tilespmem:s20+$0x60] =	vst v1;
	v3 =	vmul.f32 $1.131370830e+01, v3;
	v1 =	vld [tilespmem:s20+$0xD0]  }
0x118: {  	[tilespmem:s20+$0x70] =	vst v2;
	v7 =	vmul.f32 $1.131370830e+01, v4;
	v2 =	vld [tilespmem:s20+$0xE0]  }
0x119: {  	[tilespmem:s20+$0x80] =	vst v3;
	v3 =	vld [tilespmem:s20+$0xF0];
	v5 =	vmul.f32 $1.131370830e+01, v5  }
0x11a: {  	s23 =	sor.u32 $0x2, s7;
	s14 =	simm.s32 $0x0;
	s9 =	simm.s32 $0xCF00;
	v4 =	vld [tilespmem:s20+$0xFFFFFFF0];
	[tilespmem:s20+$0x90] =	vst v7;
	v6 =	vmul.f32 $1.131370830e+01, v6  }
.LBB2_7:
0x11b: {  	v7 =	vld [tilespmem:s9+$0xFFFFFF00];
	[tilespmem:s20+$0xA0] =	vst v5;
	v0 =	vmul.f32 $1.131370830e+01, v0  }
0x11c: {  	v5 =	vld [tilespmem:s9+$0xFFFFFF10];
	[tilespmem:s20+$0xB0] =	vst v6;
	v1 =	vmul.f32 $1.131370830e+01, v1  }
0x11d: {  	v6 =	vld [tilespmem:s9+$0xFFFFFF20];
	[tilespmem:s20+$0xC0] =	vst v0;
	v0 =	vmul.f32 $1.131370830e+01, v2  }
0x11e: {  	v2 =	vld [tilespmem:s9+$0xFFFFFF30];
	[tilespmem:s20+$0xD0] =	vst v1;
	v1 =	vmul.f32 $1.131370830e+01, v3  }
0x11f: {  	v3 =	vld [tilespmem:s9+$0xFFFFFF40];
	v4 =	vmul.f32 $1.131370830e+01, v4;
	[tilespmem:s20+$0xE0] =	vst v0  }
0x120: {  	v0 =	vmul.f32 $1.131370830e+01, v7;
	v7 =	vld [tilespmem:s9+$0xFFFFFF50];
	[tilespmem:s20+$0xF0] =	vst v1  }
0x121: {  	v1 =	vmul.f32 $1.131370830e+01, v5;
	v5 =	vld [tilespmem:s9+$0xFFFFFF60];
	[tilespmem:s20+$0xFFFFFFF0] =	vst v4;
	s20 =	smov.u32 s9  }
0x122: {  	[tilespmem:s9+$0xFFFFFF00] =	vst v0;
	v0 =	vmul.f32 $1.131370830e+01, v6;
	v4 =	vld [tilespmem:s9+$0xFFFFFF70]  }
0x123: {  	[tilespmem:s9+$0xFFFFFF10] =	vst v1;
	v1 =	vmul.f32 $1.131370830e+01, v2;
	v2 =	vld [tilespmem:s9+$0xFFFFFF80]  }
0x124: {  	[tilespmem:s9+$0xFFFFFF20] =	vst v0;
	v0 =	vmul.f32 $1.131370830e+01, v3;
	v3 =	vld [tilespmem:s9+$0xFFFFFF90]  }
0x125: {  	[tilespmem:s9+$0xFFFFFF30] =	vst v1;
	v1 =	vmul.f32 $1.131370830e+01, v7;
	v6 =	vld [tilespmem:s9+$0xFFFFFFA0]  }
0x126: {  	[tilespmem:s9+$0xFFFFFF40] =	vst v0;
	v0 =	vmul.f32 $1.131370830e+01, v5;
	v5 =	vld [tilespmem:s9+$0xFFFFFFB0]  }
0x127: {  	[tilespmem:s9+$0xFFFFFF50] =	vst v1;
	v1 =	vmul.f32 $1.131370830e+01, v4;
	v4 =	vld [tilespmem:s9+$0xFFFFFFC0]  }
0x128: {  	[tilespmem:s9+$0xFFFFFF60] =	vst v0;
	v0 =	vmul.f32 $1.131370830e+01, v2;
	v2 =	vld [tilespmem:s9+$0xFFFFFFD0]  }
0x129: {  	[tilespmem:s9+$0xFFFFFF70] =	vst v1;
	v1 =	vmul.f32 $1.131370830e+01, v3;
	v3 =	vld [tilespmem:s9+$0xFFFFFFE0]  }
0x12a: {  	[tilespmem:s9+$0xFFFFFF80] =	vst v0;
	v0 =	vmul.f32 $1.131370830e+01, v6;
	v6 =	vld [tilespmem:s9+$0x0]  }
0x12b: {  	[tilespmem:s9+$0xFFFFFF90] =	vst v1;
	v1 =	vmul.f32 $1.131370830e+01, v5;
	v5 =	vld [tilespmem:s9+$0x10]  }
0x12c: {  	[tilespmem:s9+$0xFFFFFFA0] =	vst v0;
	v0 =	vmul.f32 $1.131370830e+01, v4;
	v4 =	vld [tilespmem:s9+$0x20]  }
0x12d: {  	[tilespmem:s9+$0xFFFFFFB0] =	vst v1;
	v1 =	vmul.f32 $1.131370830e+01, v2;
	v2 =	vld [tilespmem:s9+$0x30]  }
0x12e: {  	[tilespmem:s9+$0xFFFFFFC0] =	vst v0;
	v0 =	vmul.f32 $1.131370830e+01, v3;
	v3 =	vld [tilespmem:s9+$0x40]  }
0x12f: {  	[tilespmem:s9+$0xFFFFFFD0] =	vst v1;
	v1 =	vmul.f32 $1.131370830e+01, v6;
	v6 =	vld [tilespmem:s9+$0x50]  }
0x130: {  	[tilespmem:s9+$0xFFFFFFE0] =	vst v0;
	v0 =	vmul.f32 $1.131370830e+01, v5;
	v5 =	vld [tilespmem:s9+$0x60]  }
0x131: {  	[tilespmem:s9+$0x0] =	vst v1;
	v1 =	vmul.f32 $1.131370830e+01, v4;
	v4 =	vld [tilespmem:s9+$0x70]  }
0x132: {  	[tilespmem:s9+$0x10] =	vst v0;
	v0 =	vmul.f32 $1.131370830e+01, v2;
	v2 =	vld [tilespmem:s9+$0x80]  }
0x133: {  	[tilespmem:s9+$0x20] =	vst v1;
	v1 =	vmul.f32 $1.131370830e+01, v3;
	v3 =	vld [tilespmem:s9+$0x90]  }
0x134: {  	s14 =	sadd.s32 $0x4, s14;
	[tilespmem:s9+$0x30] =	vst v0;
	v0 =	vmul.f32 $1.131370830e+01, v6;
	v6 =	vld [tilespmem:s9+$0xA0]  }
0x135: {  	p1 =	slt.u32 s14, $0xC4;
	[tilespmem:s9+$0x40] =	vst v1;
	v1 =	vmul.f32 $1.131370830e+01, v5;
	v7 =	vld [tilespmem:s9+$0xB0]  }
.Ltmp4:
0x136: {  	[tilespmem:s9+$0x50] =	vst v0;
	v4 =	vmul.f32 $1.131370830e+01, v4;
	v0 =	vld [tilespmem:s9+$0xC0];
	(pc) =	sbr.rel @p1 .LBB2_7-.Ltmp4, $4  }
0x137: {  	[tilespmem:s9+$0x60] =	vst v1;
	v5 =	vmul.f32 $1.131370830e+01, v2;
	v1 =	vld [tilespmem:s9+$0xD0]  }
0x138: {  	[tilespmem:s9+$0x70] =	vst v4;
	v8 =	vmul.f32 $1.131370830e+01, v3;
	v2 =	vld [tilespmem:s9+$0xE0]  }
0x139: {  	[tilespmem:s9+$0x80] =	vst v5;
	v5 =	vmul.f32 $1.131370830e+01, v6;
	v3 =	vld [tilespmem:s9+$0xF0]  }
0x13a: {  	s9 =	sadd.s32 $0x200, s9;
	v4 =	vld [tilespmem:s20+$0xFFFFFFF0];
	[tilespmem:s20+$0x90] =	vst v8;
	v6 =	vmul.f32 $1.131370830e+01, v7  }
0x13b: {  	[tilespmem:s20+$0xA0] =	vst v5;
	v0 =	vmul.f32 $1.131370830e+01, v0  }
0x13c: {  	[tilespmem:s20+$0xB0] =	vst v6;
	v1 =	vmul.f32 $1.131370830e+01, v1  }
0x13d: {  	[tilespmem:s20+$0xC0] =	vst v0;
	v0 =	vmul.f32 $1.131370830e+01, v2  }
0x13e: {  	s9 =	sadd.s32 s5, s23;
	[tilespmem:s20+$0xD0] =	vst v1;
	v1 =	vmul.f32 $1.131370830e+01, v3  }
0x13f: {  	s9 =	smul.u32 $0xC80, s9;
	v2 =	vmul.f32 $1.131370830e+01, v4;
	[tilespmem:s20+$0xE0] =	vst v0  }
0x140: {  	[tilespmem:s20+$0xF0] =	vst v1  }
0x141: {  	s9 =	sadd.s32 s3, s9;
	[tilespmem:s20+$0xFFFFFFF0] =	vst v2  }
0x142: {  	[hbm4b:s9+s4] =	stream.linear.scatter [tilespmem:s25], [sflag:$0xB], $0x6400, $0x38;
	[tilespmem:$0x19400] =	vst v63  }
0x143: {  	s9 =	simm.s32 @p0 $0x8  }
0x144: {  	_ =	swait.ge @p0 [sflag:s9], $0x4000  }
0x145: {  	[sflag:s9] =	ssyncset.done @p0 $0x0  }
0x146: {  	[sflag:s9] =	ssyncadd.s32 @p0 $0xFFFFC000  }
0x147: {  	_ =	swait.ge @p0 [sflag:s9], $0x2400  }
0x148: {  	[sflag:s9] =	ssyncset.done @p0 $0x0  }
0x149: {  	[sflag:s9] =	ssyncadd.s32 @p0 $0xFFFFDC00;
	s9 =	simm.s32 @!p0 $0xA  }
0x14a: {  	_ =	swait.ge @!p0 [sflag:s9], $0x6400  }
0x14b: {  	[sflag:s9] =	ssyncset.done @!p0 $0x0  }
0x14c: {  	[sflag:s9] =	ssyncadd.s32 @!p0 $0xFFFF9C00;
	s9 =	simm.s32 @!p0 $0x2  }
0x14d: {  	_ =	swait.ge @!p0 [sflag:s9], $0x100  }
0x14e: {  	s14 =	simm.s32 @!p0 $0x100;
	[sflag:s9] =	ssyncset.done @!p0 $0x0  }
0x14f: {  	s20 =	simm.s32 @!p0 $0x6800;
	[sflag:s9] =	ssyncadd.s32 @!p0 $0xFFFFFF00;
	s9 =	simm.s32 @!p0 $0x80  }
0x150: {  	[tilespmem:s20], [sflag:$0x6] =	stream.indirect.gather @!p0 [hbm4b:s2+s9], $0x80, s14, s9, $0xb8;
	[tilespmem:$0x19400] =	vst v63  }
0x151: {  	s23 =	simm.s32 @!p0 $0xA800;
	s14 =	simm.s32 @!p0 $0x48;
	s20 =	simm.s32 @!p0 $0x180  }
0x152: {  	[tilespmem:s23], [sflag:$0x6] =	stream.indirect.gather @!p0 [hbm4b:s2+s14], $0x80, s20, s14, $0xb8;
	[tilespmem:$0x19400] =	vst v63  }
0x153: {  	s14 =	simm.s32 @!p0 $0x8  }
0x154: {  	_ =	swait.ge @!p0 [sflag:s14], $0x4000  }
0x155: {  	[sflag:s14] =	ssyncset.done @!p0 $0x0  }
0x156: {  	s7 =	sadd.s32 @!p0 $0x7, s7;
	[sflag:s14] =	ssyncadd.s32 @!p0 $0xFFFFC000  }
0x157: {  	s20 =	sadd.s32 @!p0 s5, s7;
	s7 =	sshll.u32 @!p0 s7, $0x4;
	_ =	swait.ge @!p0 [sflag:s14], $0x2400  }
0x158: {  	s20 =	sshll.u32 @!p0 s20, $0x5;
	s7 =	sand.u32 @!p0 $0x70, s7;
	[sflag:s14] =	ssyncset.done @!p0 $0x0  }
0x159: {  	s7 =	sadd.s32 @!p0 s6, s7;
	[sflag:s14] =	ssyncadd.s32 @!p0 $0xFFFFDC00;
	s14 =	sand.u32 @!p0 $0xFF00, s20  }
0x15a: {  	s20 =	simm.s32 @!p0 $0x300;
	s7 =	sadd.s32 @!p0 s14, s7;
	s14 =	simm.s32 @!p0 $0x400  }
0x15b: {  	[tilespmem:s20], [sflag:$0x4] =	stream.strided.gather @!p0 [hbm4b:s7+s9], $0x100, s14, s9, $0x38;
	[tilespmem:$0x19400] =	vst v63  }
0x15c: {  	s7 =	simm.s32 $0x13100  }
0x15d: {  	v0 =	vld [tilespmem:s7+$0xFFFFFF00]  }
0x15e: {  	v1 =	vld [tilespmem:s7+$0xFFFFFF10]  }
0x15f: {  	v2 =	vld [tilespmem:s7+$0xFFFFFF20]  }
0x160: {  	v3 =	vld [tilespmem:s7+$0xFFFFFF30]  }
0x161: {  	v4 =	vld [tilespmem:s7+$0xFFFFFF40]  }
0x162: {  	v5 =	vld [tilespmem:s7+$0xFFFFFF50];
	v0 =	vmul.f32 $1.131370830e+01, v0  }
0x163: {  	v6 =	vld [tilespmem:s7+$0xFFFFFF60];
	v1 =	vmul.f32 $1.131370830e+01, v1  }
0x164: {  	[tilespmem:s7+$0xFFFFFF00] =	vst v0;
	v0 =	vmul.f32 $1.131370830e+01, v2;
	v2 =	vld [tilespmem:s7+$0xFFFFFF70]  }
0x165: {  	[tilespmem:s7+$0xFFFFFF10] =	vst v1;
	v1 =	vmul.f32 $1.131370830e+01, v3;
	v3 =	vld [tilespmem:s7+$0xFFFFFF80]  }
0x166: {  	[tilespmem:s7+$0xFFFFFF20] =	vst v0;
	v0 =	vmul.f32 $1.131370830e+01, v4;
	v4 =	vld [tilespmem:s7+$0xFFFFFF90]  }
0x167: {  	[tilespmem:s7+$0xFFFFFF30] =	vst v1;
	v1 =	vmul.f32 $1.131370830e+01, v5;
	v5 =	vld [tilespmem:s7+$0xFFFFFFA0]  }
0x168: {  	[tilespmem:s7+$0xFFFFFF40] =	vst v0;
	v0 =	vmul.f32 $1.131370830e+01, v6;
	v6 =	vld [tilespmem:s7+$0xFFFFFFB0]  }
0x169: {  	[tilespmem:s7+$0xFFFFFF50] =	vst v1;
	v1 =	vmul.f32 $1.131370830e+01, v2;
	v2 =	vld [tilespmem:s7+$0xFFFFFFC0]  }
0x16a: {  	[tilespmem:s7+$0xFFFFFF60] =	vst v0;
	v0 =	vmul.f32 $1.131370830e+01, v3;
	v3 =	vld [tilespmem:s7+$0xFFFFFFD0]  }
0x16b: {  	[tilespmem:s7+$0xFFFFFF70] =	vst v1;
	v1 =	vmul.f32 $1.131370830e+01, v4;
	v4 =	vld [tilespmem:s7+$0xFFFFFFE0]  }
0x16c: {  	[tilespmem:s7+$0xFFFFFF80] =	vst v0;
	v0 =	vmul.f32 $1.131370830e+01, v5;
	v5 =	vld [tilespmem:s7+$0x0]  }
0x16d: {  	[tilespmem:s7+$0xFFFFFF90] =	vst v1;
	v1 =	vmul.f32 $1.131370830e+01, v6;
	v6 =	vld [tilespmem:s7+$0x10]  }
0x16e: {  	[tilespmem:s7+$0xFFFFFFA0] =	vst v0;
	v0 =	vmul.f32 $1.131370830e+01, v2;
	v2 =	vld [tilespmem:s7+$0x20]  }
0x16f: {  	[tilespmem:s7+$0xFFFFFFB0] =	vst v1;
	v1 =	vmul.f32 $1.131370830e+01, v3;
	v3 =	vld [tilespmem:s7+$0x30]  }
0x170: {  	[tilespmem:s7+$0xFFFFFFC0] =	vst v0;
	v0 =	vmul.f32 $1.131370830e+01, v4;
	v4 =	vld [tilespmem:s7+$0x40]  }
0x171: {  	[tilespmem:s7+$0xFFFFFFD0] =	vst v1;
	v1 =	vmul.f32 $1.131370830e+01, v5;
	v5 =	vld [tilespmem:s7+$0x50]  }
0x172: {  	[tilespmem:s7+$0xFFFFFFE0] =	vst v0;
	v0 =	vmul.f32 $1.131370830e+01, v6;
	v6 =	vld [tilespmem:s7+$0x60]  }
0x173: {  	[tilespmem:s7+$0x0] =	vst v1;
	v1 =	vmul.f32 $1.131370830e+01, v2;
	v2 =	vld [tilespmem:s7+$0x70]  }
0x174: {  	[tilespmem:s7+$0x10] =	vst v0;
	v0 =	vmul.f32 $1.131370830e+01, v3;
	v3 =	vld [tilespmem:s7+$0x80]  }
0x175: {  	[tilespmem:s7+$0x20] =	vst v1;
	v1 =	vmul.f32 $1.131370830e+01, v4;
	v4 =	vld [tilespmem:s7+$0x90]  }
0x176: {  	[tilespmem:s7+$0x30] =	vst v0;
	v0 =	vmul.f32 $1.131370830e+01, v5;
	v5 =	vld [tilespmem:s7+$0xA0]  }
0x177: {  	[tilespmem:s7+$0x40] =	vst v1;
	v1 =	vmul.f32 $1.131370830e+01, v6;
	v6 =	vld [tilespmem:s7+$0xB0]  }
0x178: {  	[tilespmem:s7+$0x50] =	vst v0;
	v2 =	vmul.f32 $1.131370830e+01, v2;
	v0 =	vld [tilespmem:s7+$0xC0]  }
0x179: {  	[tilespmem:s7+$0x60] =	vst v1;
	v3 =	vmul.f32 $1.131370830e+01, v3;
	v1 =	vld [tilespmem:s7+$0xD0]  }
0x17a: {  	[tilespmem:s7+$0x70] =	vst v2;
	v7 =	vmul.f32 $1.131370830e+01, v4;
	v2 =	vld [tilespmem:s7+$0xE0]  }
0x17b: {  	[tilespmem:s7+$0x80] =	vst v3;
	v3 =	vld [tilespmem:s7+$0xF0];
	v5 =	vmul.f32 $1.131370830e+01, v5  }
0x17c: {  	s14 =	simm.s32 $0x0;
	s9 =	simm.s32 $0x13300;
	v4 =	vld [tilespmem:s7+$0xFFFFFFF0];
	[tilespmem:s7+$0x90] =	vst v7;
	v6 =	vmul.f32 $1.131370830e+01, v6  }
.LBB2_9:
0x17d: {  	v7 =	vld [tilespmem:s9+$0xFFFFFF00];
	[tilespmem:s7+$0xA0] =	vst v5;
	v0 =	vmul.f32 $1.131370830e+01, v0  }
0x17e: {  	v5 =	vld [tilespmem:s9+$0xFFFFFF10];
	[tilespmem:s7+$0xB0] =	vst v6;
	v1 =	vmul.f32 $1.131370830e+01, v1  }
0x17f: {  	v6 =	vld [tilespmem:s9+$0xFFFFFF20];
	[tilespmem:s7+$0xC0] =	vst v0;
	v0 =	vmul.f32 $1.131370830e+01, v2  }
0x180: {  	v2 =	vld [tilespmem:s9+$0xFFFFFF30];
	[tilespmem:s7+$0xD0] =	vst v1;
	v1 =	vmul.f32 $1.131370830e+01, v3  }
0x181: {  	v3 =	vld [tilespmem:s9+$0xFFFFFF40];
	v4 =	vmul.f32 $1.131370830e+01, v4;
	[tilespmem:s7+$0xE0] =	vst v0  }
0x182: {  	v0 =	vmul.f32 $1.131370830e+01, v7;
	v7 =	vld [tilespmem:s9+$0xFFFFFF50];
	[tilespmem:s7+$0xF0] =	vst v1  }
0x183: {  	v1 =	vmul.f32 $1.131370830e+01, v5;
	v5 =	vld [tilespmem:s9+$0xFFFFFF60];
	[tilespmem:s7+$0xFFFFFFF0] =	vst v4;
	s7 =	smov.u32 s9  }
0x184: {  	[tilespmem:s9+$0xFFFFFF00] =	vst v0;
	v0 =	vmul.f32 $1.131370830e+01, v6;
	v4 =	vld [tilespmem:s9+$0xFFFFFF70]  }
0x185: {  	[tilespmem:s9+$0xFFFFFF10] =	vst v1;
	v1 =	vmul.f32 $1.131370830e+01, v2;
	v2 =	vld [tilespmem:s9+$0xFFFFFF80]  }
0x186: {  	[tilespmem:s9+$0xFFFFFF20] =	vst v0;
	v0 =	vmul.f32 $1.131370830e+01, v3;
	v3 =	vld [tilespmem:s9+$0xFFFFFF90]  }
0x187: {  	[tilespmem:s9+$0xFFFFFF30] =	vst v1;
	v1 =	vmul.f32 $1.131370830e+01, v7;
	v6 =	vld [tilespmem:s9+$0xFFFFFFA0]  }
0x188: {  	[tilespmem:s9+$0xFFFFFF40] =	vst v0;
	v0 =	vmul.f32 $1.131370830e+01, v5;
	v5 =	vld [tilespmem:s9+$0xFFFFFFB0]  }
0x189: {  	[tilespmem:s9+$0xFFFFFF50] =	vst v1;
	v1 =	vmul.f32 $1.131370830e+01, v4;
	v4 =	vld [tilespmem:s9+$0xFFFFFFC0]  }
0x18a: {  	[tilespmem:s9+$0xFFFFFF60] =	vst v0;
	v0 =	vmul.f32 $1.131370830e+01, v2;
	v2 =	vld [tilespmem:s9+$0xFFFFFFD0]  }
0x18b: {  	[tilespmem:s9+$0xFFFFFF70] =	vst v1;
	v1 =	vmul.f32 $1.131370830e+01, v3;
	v3 =	vld [tilespmem:s9+$0xFFFFFFE0]  }
0x18c: {  	[tilespmem:s9+$0xFFFFFF80] =	vst v0;
	v0 =	vmul.f32 $1.131370830e+01, v6;
	v6 =	vld [tilespmem:s9+$0x0]  }
0x18d: {  	[tilespmem:s9+$0xFFFFFF90] =	vst v1;
	v1 =	vmul.f32 $1.131370830e+01, v5;
	v5 =	vld [tilespmem:s9+$0x10]  }
0x18e: {  	[tilespmem:s9+$0xFFFFFFA0] =	vst v0;
	v0 =	vmul.f32 $1.131370830e+01, v4;
	v4 =	vld [tilespmem:s9+$0x20]  }
0x18f: {  	[tilespmem:s9+$0xFFFFFFB0] =	vst v1;
	v1 =	vmul.f32 $1.131370830e+01, v2;
	v2 =	vld [tilespmem:s9+$0x30]  }
0x190: {  	[tilespmem:s9+$0xFFFFFFC0] =	vst v0;
	v0 =	vmul.f32 $1.131370830e+01, v3;
	v3 =	vld [tilespmem:s9+$0x40]  }
0x191: {  	[tilespmem:s9+$0xFFFFFFD0] =	vst v1;
	v1 =	vmul.f32 $1.131370830e+01, v6;
	v6 =	vld [tilespmem:s9+$0x50]  }
0x192: {  	[tilespmem:s9+$0xFFFFFFE0] =	vst v0;
	v0 =	vmul.f32 $1.131370830e+01, v5;
	v5 =	vld [tilespmem:s9+$0x60]  }
0x193: {  	[tilespmem:s9+$0x0] =	vst v1;
	v1 =	vmul.f32 $1.131370830e+01, v4;
	v4 =	vld [tilespmem:s9+$0x70]  }
0x194: {  	[tilespmem:s9+$0x10] =	vst v0;
	v0 =	vmul.f32 $1.131370830e+01, v2;
	v2 =	vld [tilespmem:s9+$0x80]  }
0x195: {  	[tilespmem:s9+$0x20] =	vst v1;
	v1 =	vmul.f32 $1.131370830e+01, v3;
	v3 =	vld [tilespmem:s9+$0x90]  }
0x196: {  	s14 =	sadd.s32 $0x4, s14;
	[tilespmem:s9+$0x30] =	vst v0;
	v0 =	vmul.f32 $1.131370830e+01, v6;
	v6 =	vld [tilespmem:s9+$0xA0]  }
0x197: {  	p1 =	slt.u32 s14, $0xC4;
	[tilespmem:s9+$0x40] =	vst v1;
	v1 =	vmul.f32 $1.131370830e+01, v5;
	v7 =	vld [tilespmem:s9+$0xB0]  }
.Ltmp5:
0x198: {  	[tilespmem:s9+$0x50] =	vst v0;
	v4 =	vmul.f32 $1.131370830e+01, v4;
	v0 =	vld [tilespmem:s9+$0xC0];
	(pc) =	sbr.rel @p1 .LBB2_9-.Ltmp5, $4  }
0x199: {  	[tilespmem:s9+$0x60] =	vst v1;
	v5 =	vmul.f32 $1.131370830e+01, v2;
	v1 =	vld [tilespmem:s9+$0xD0]  }
0x19a: {  	[tilespmem:s9+$0x70] =	vst v4;
	v8 =	vmul.f32 $1.131370830e+01, v3;
	v2 =	vld [tilespmem:s9+$0xE0]  }
0x19b: {  	[tilespmem:s9+$0x80] =	vst v5;
	v5 =	vmul.f32 $1.131370830e+01, v6;
	v3 =	vld [tilespmem:s9+$0xF0]  }
0x19c: {  	s9 =	sadd.s32 $0x200, s9;
	v4 =	vld [tilespmem:s7+$0xFFFFFFF0];
	[tilespmem:s7+$0x90] =	vst v8;
	v6 =	vmul.f32 $1.131370830e+01, v7  }
0x19d: {  	[tilespmem:s7+$0xA0] =	vst v5;
	v0 =	vmul.f32 $1.131370830e+01, v0  }
0x19e: {  	[tilespmem:s7+$0xB0] =	vst v6;
	v1 =	vmul.f32 $1.131370830e+01, v1  }
0x19f: {  	[tilespmem:s7+$0xC0] =	vst v0;
	v61 =	vmul.f32 $1.131370830e+01, v2  }
.Ltmp6:
0x1a0: {  	s9 =	sadd.s32 s5, s17;
	[tilespmem:s7+$0xD0] =	vst v1;
	v62 =	vmul.f32 $1.131370830e+01, v3;
	(pc) =	sbr.rel @p0 .LBB2_12-.Ltmp6, $4  }
0x1a1: {  	s9 =	smul.u32 $0xC80, s9;
	v63 =	vmul.f32 $1.131370830e+01, v4;
	[tilespmem:s7+$0xE0] =	vst v61  }
0x1a2: {  	[tilespmem:s7+$0xF0] =	vst v62  }
0x1a3: {  	s23 =	sadd.s32 s3, s9;
	[tilespmem:s7+$0xFFFFFFF0] =	vst v63  }
0x1a4: {  	[hbm4b:s23+s4] =	stream.linear.scatter [tilespmem:s31], [sflag:$0xC], $0x6400, $0x38;
	[tilespmem:$0x19400] =	vst v63  }
0x1a5: {  	_ =	swait.ge [sflag:s8], $0x6400  }
0x1a6: {  	[sflag:s8] =	ssyncset.done $0x0  }
0x1a7: {  	[sflag:s8] =	ssyncadd.s32 $0xFFFF9C00  }
0x1a8: {  	_ =	swait.ge [sflag:s24], $0x100  }
.Ltmp7:
0x1a9: {  	[sflag:s24] =	ssyncset.done $0x0;
	(pc) =	sbr.rel .LBB2_2-.Ltmp7, $4  }
0x1aa: {  	[sflag:s24] =	ssyncadd.s32 $0xFFFFFF00  }
0x1ab: {  	[tilespmem:s25], [sflag:$0x7] =	stream.indirect.gather [hbm4b:s2+s12], $0x80, s15, s12, $0xb8;
	[tilespmem:$0x19400] =	vst v63  }
0x1ac: {  	s11 =	sadd.s32 $0x1, s11  }
0x1ad: {  	[tilespmem:s28], [sflag:$0x7] =	stream.indirect.gather [hbm4b:s2+s18], $0x80, s26, s18, $0xb8;
	[tilespmem:$0x19400] =	vst v63  }
.LBB2_13:
0x1ae: {  	_ =	sfence.sel $0x180000  }
0x1af: {  	[bflag:$0x0] =	sbarrier.arrive $0xFFFF  }
0x1b0: {  	_ =	strace $0x90000047  }
0x1b1: {  	s0 =	stileid.u32;
	[bflag:$0x2] =	sbarrier.arrive $0xFFFF  }
0x1b2: {  	p0 =	sne.s32 s0, $0x0;
	s0 =	rddreg [dreg:$0x3]  }
0x1b3: {  	s0 =	sadd.s32 @!p0 $0x100000, s0  }
0x1b4: {  	[sflag:s0] =	ssyncadd.tile.s32 @!p0 $0x1;
	_ =	shalt  }
.Lfunc_end2:
_tile_overlayer_lowered:
.L_overlay_start_2:
0x1b5: {  	(tag) =	ssettag $0x2  }
0x1b6: {  	s0 =	rddreg [dreg:$0x0];
	s2 =	stileid.u32  }
0x1b7: {  	s1 =	rddreg [dreg:$0x1];
	p0 =	sne.s32 s2, $0x0  }
0x1b8: {  	s3 =	rddreg [dreg:$0x2];
	[bflag:$0x3] =	sbarrier.arrive $0xFFFF;
	s2 =	simm.s32 @!p0 $0x1C0D  }
0x1b9: {  	[timem:s3], [sflag:s2] =	dma.local @!p0 [hbm:s0], s1  }
0x1ba: {  	s0 =	simm.s32 @!p0 $0xD  }
0x1bb: {  	_ =	swait.ge @!p0 [sflag:s0], s1  }
0x1bc: {  	s1 =	ssub.s32 @!p0 $0x0, s1;
	[sflag:s0] =	ssyncset.done @!p0 $0x0  }
0x1bd: {  	[sflag:s0] =	ssyncadd.s32 @!p0 s1  }
0x1be: {  	[bflag:$0x3] =	sbarrier.arrive $0xFFFF  }
0x1bf: {  	_ =	shalt  }

</sc_bundles>
